<compile_context>
chip_gen: v7x
topology: tpu7x:2x2x1
jax: 0.10.2.dev20260603
libtpu: 0.0.44.dev20260713+nightly
codegen_flags: <defaults>
</compile_context>

<pallas_src>
import functools

import jax
import jax.numpy as jnp
from jax import lax
from jax.experimental import pallas as pl
from jax.experimental.pallas import tpu as pltpu
from jax.experimental.pallas import tpu_sc as plsc

ROI = 116
LENN = 6670
B = 128
SEG2 = 2 * LENN + ROI
HID = 64
F32 = jnp.float32

_NC = 2
_NS = 16
_NW = _NC * _NS
_GPW = B // _NW
_WLEN_FC = 6672
_WLEN_SC = 6688
_WSTART_SC = 6664
_LANE = 128
_PAD = 120

_DN = lambda c_lhs, c_rhs: ((c_lhs, c_rhs), ((), ()))


def _dot(a, b, dn=(((1,), (0,)), ((), ()))):
    return lax.dot_general(a, b, dn, preferred_element_type=F32)


def _sc_build_body(src_hbm, dst_hbm, ew_hbm, z_hbm, af_hbm, as_hbm,
                   src0, dst0, w0, acc0, src1, dst1, w1, acc1,
                   sem_in, sem_z, sem_out):
    wid = lax.axis_index("s") * _NC + lax.axis_index("c")
    g0 = wid * _GPW
    bufs = ((src0, dst0, w0, acc0), (src1, dst1, w1, acc1))

    def issue(t):
        br = t % 2
        g = g0 + t // 2
        start = g * SEG2 + (_WSTART_SC if br else 0)
        src_v, dst_v, w_v, acc_v = bufs[br]
        wlen = _WLEN_SC if br else _WLEN_FC
        return [
            pltpu.async_copy(src_hbm.at[pl.ds(start, wlen)], src_v, sem_in),
            pltpu.async_copy(dst_hbm.at[pl.ds(start, wlen)], dst_v, sem_in),
            pltpu.async_copy(ew_hbm.at[pl.ds(start, wlen)], w_v, sem_in),
            pltpu.async_copy(z_hbm, acc_v, sem_z),
        ]

    def scatter(t):
        br = t % 2
        g = g0 + t // 2
        off = g * (2 * ROI) + br * ROI
        src_v, dst_v, w_v, acc_v = bufs[br]
        lanes = lax.iota(jnp.int32, 16)

        def chunk(k, mask):
            sv = src_v[pl.ds(k * 16, 16)] - off
            dv = dst_v[pl.ds(k * 16, 16)] - off
            wv = w_v[pl.ds(k * 16, 16)]
            plsc.addupdate_scatter(acc_v, [dv, sv], wv, mask=mask)

        def body(k, c):
            chunk(k, None)
            return c

        if br == 0:
            lax.fori_loop(0, _WLEN_FC // 16 - 1, body, 0, unroll=8)
            chunk(_WLEN_FC // 16 - 1, lanes < 14)
        else:
            chunk(0, lanes >= 6)
            lax.fori_loop(1, _WLEN_SC // 16 - 1, body, 0, unroll=8)
            chunk(_WLEN_SC // 16 - 1, lanes < 4)

    in_d = {}
    out_d = {}
    in_d[0] = issue(0)
    for t in range(2 * _GPW):
        br = t % 2
        g = g0 + t // 2
        for d in in_d.pop(t):
            d.wait()
        if t + 1 < 2 * _GPW:
            if t - 1 >= 0:
                out_d[t - 1].wait()
            in_d[t + 1] = issue(t + 1)
        scatter(t)
        o_hbm = as_hbm if br else af_hbm
        out_d[t] = pltpu.async_copy(bufs[br][3],
                                    o_hbm.at[pl.ds(g * _PAD, _PAD)], sem_out)
    out_d[2 * _GPW - 2].wait()
    out_d[2 * _GPW - 1].wait()


def _sc_build(src1d, dst1d, ew1d, zmat):
    fn = pl.kernel(
        _sc_build_body,
        out_type=[jax.ShapeDtypeStruct((B * _PAD, _LANE), F32),
                  jax.ShapeDtypeStruct((B * _PAD, _LANE), F32)],
        mesh=plsc.VectorSubcoreMesh(core_axis_name="c", subcore_axis_name="s"),
        compiler_params=pltpu.CompilerParams(needs_layout_passes=False),
        scratch_types=[
            pltpu.VMEM((_WLEN_FC,), jnp.int32),
            pltpu.VMEM((_WLEN_FC,), jnp.int32),
            pltpu.VMEM((_WLEN_FC,), F32),
            pltpu.VMEM((_PAD, _LANE), F32),
            pltpu.VMEM((_WLEN_SC,), jnp.int32),
            pltpu.VMEM((_WLEN_SC,), jnp.int32),
            pltpu.VMEM((_WLEN_SC,), F32),
            pltpu.VMEM((_PAD, _LANE), F32),
            pltpu.SemaphoreType.DMA,
            pltpu.SemaphoreType.DMA,
            pltpu.SemaphoreType.DMA,
        ],
    )
    return fn(src1d, dst1d, ew1d, zmat)


_G = 16
_BDOT = (((2,), (1,)), ((0,), (0,)))
_FDOT = (((2,), (0,)), ((), ()))


def _gcn_blk(x, A, W, b):
    h = lax.dot_general(x, W, _FDOT, preferred_element_type=F32)
    deg = jnp.sum(A, axis=2, keepdims=True) + 1.0
    dinv = lax.rsqrt(deg)
    m = lax.dot_general(A, dinv * h, _BDOT, preferred_element_type=F32)
    return jnp.maximum(dinv * m + (dinv * dinv) * h + b, 0.0)


def _z_body(x_ref, af_ref, as_ref, W1_ref, b1_ref, W11_ref, b11_ref,
            w4_ref, b4_ref, z1_ref, z2_ref, ap_ref):
    xg = x_ref[...]
    Af = af_ref[...].reshape(_G, _PAD, _LANE)[:, :ROI, :ROI]
    As = as_ref[...].reshape(_G, _PAD, _LANE)[:, :ROI, :ROI]
    z1 = _gcn_blk(xg[:, :ROI, :], Af, W1_ref[...], b1_ref[...])
    z2 = _gcn_blk(xg[:, ROI:, :], As, W11_ref[...], b11_ref[...])
    z1_ref[...] = z1.reshape(_G, ROI * HID)
    z2_ref[...] = z2.reshape(_G, ROI * HID)
    w4 = w4_ref[...]
    ap = (jnp.sum(z1 * w4[:, :, :HID], axis=2) +
          jnp.sum(z2 * w4[:, :, HID:], axis=2) + b4_ref[0, 0, 0])
    ap_ref[...] = ap


def _softmax(l):
    m = jnp.max(l, axis=1, keepdims=True)
    e = jnp.exp(l - m)
    return e / jnp.sum(e, axis=1, keepdims=True)


def _head_body(z1f_ref, z2f_ref, ap_ref,
               Wl1_ref, bl1_ref, Wl3_ref, bl3_ref,
               Wl11_ref, bl11_ref, Wl33_ref, bl33_ref,
               Wl4_ref, bl4_ref, Wl5_ref, bl5_ref,
               x1_ref, x2_ref, alls_ref):
    def mlp_head(zf, Wa, ba, Wb, bb):
        t = jnp.maximum(_dot(zf, Wa) + ba, 0.0)
        return _softmax(_dot(t, Wb) + bb)

    x1_ref[...] = mlp_head(z1f_ref[...], Wl1_ref[...], bl1_ref[...],
                           Wl3_ref[...], bl3_ref[...])
    x2_ref[...] = mlp_head(z2f_ref[...], Wl11_ref[...], bl11_ref[...],
                           Wl33_ref[...], bl33_ref[...])
    a = jnp.maximum(_dot(ap_ref[...], Wl4_ref[...]) + bl4_ref[...], 0.0)
    a = jnp.maximum(_dot(a, Wl5_ref[...]) + bl5_ref[...], 0.0)
    alls_ref[...] = a


def _g2_body(z1_ref, z2_ref, al_ref, af_ref, as_ref, W2_ref, b2_ref, xc_ref):
    Af = af_ref[...].reshape(_G, _PAD, _LANE)[:, :ROI, :ROI]
    As = as_ref[...].reshape(_G, _PAD, _LANE)[:, :ROI, :ROI]
    al = al_ref[...].reshape(_G, ROI, 1)
    b2 = b2_ref[...]
    W2 = W2_ref[...]
    zt = z1_ref[...].reshape(_G, ROI, HID)
    zb = z2_ref[...].reshape(_G, ROI, HID)
    ht = lax.dot_general(zt, W2, _FDOT, preferred_element_type=F32)
    hb = lax.dot_general(zb, W2, _FDOT, preferred_element_type=F32)
    degt = jnp.sum(Af, axis=2, keepdims=True) + 1.0
    degb = jnp.sum(As, axis=2, keepdims=True) + al + 1.0
    dt = lax.rsqrt(degt)
    db = lax.rsqrt(degb)
    ot = dt * lax.dot_general(Af, dt * ht, _BDOT, preferred_element_type=F32) \
        + (dt * dt) * ht + b2
    ob = db * lax.dot_general(As, db * hb, _BDOT, preferred_element_type=F32) \
        + (db * db) * hb + (db * al * dt) * ht + b2
    xc = jnp.maximum(jnp.concatenate([ot, ob], axis=1), 0.0)
    xc_ref[...] = xc.reshape(_G, 2 * ROI * HID)


def _final_body(xcf_ref, Wl6_ref, bl6_ref, Wl7_ref, bl7_ref, xf_ref):
    t = jnp.maximum(_dot(xcf_ref[...], Wl6_ref[...]) + bl6_ref[...], 0.0)
    xf_ref[...] = _softmax(_dot(t, Wl7_ref[...]) + bl7_ref[...])


def _c_spec(*blk):
    return pl.BlockSpec((_G,) + blk, lambda g: (g,) + (0,) * len(blk))


_A_SPEC = pl.BlockSpec((_G * _PAD, _LANE), lambda g: (g, 0))


def _w_spec(shape):
    nd = len(shape)
    return pl.BlockSpec(shape, lambda g: (0,) * nd)


def kernel(x, edge_index, edge_weight, roi_num, batch, device,
           W1, b1, W11, b11, W2, b2, w4, b4, Wl1, bl1, Wl3, bl3,
           Wl11, bl11, Wl33, bl33, Wl4, bl4, Wl5, bl5, Wl6, bl6, Wl7, bl7):
    del roi_num, batch, device
    ei = edge_index.astype(jnp.int32)
    src1d = ei[0]
    dst1d = ei[1]
    zmat = jnp.zeros((_PAD, _LANE), F32)
    x3 = x.reshape(B, 2 * ROI, ROI - 1)
    b1r = b1.reshape(1, 1, HID)
    b11r = b11.reshape(1, 1, HID)
    b2r = b2.reshape(1, 1, HID)
    w4r = w4.reshape(1, 1, 2 * HID)
    b4r = b4.reshape(1, 1, 1)
    bl1r, bl3r = bl1.reshape(1, -1), bl3.reshape(1, -1)
    bl11r, bl33r = bl11.reshape(1, -1), bl33.reshape(1, -1)
    bl4r, bl5r = bl4.reshape(1, -1), bl5.reshape(1, -1)
    bl6r, bl7r = bl6.reshape(1, -1), bl7.reshape(1, -1)

    Af, As = _sc_build(src1d, dst1d, edge_weight, zmat)

    z1f, z2f, apf = pl.pallas_call(
        _z_body,
        grid=(B // _G,),
        in_specs=[_c_spec(2 * ROI, ROI - 1),
                  _A_SPEC, _A_SPEC,
                  _w_spec((ROI - 1, HID)), _w_spec((1, 1, HID)),
                  _w_spec((ROI - 1, HID)), _w_spec((1, 1, HID)),
                  _w_spec((1, 1, 2 * HID)), _w_spec((1, 1, 1))],
        out_specs=[_c_spec(ROI * HID), _c_spec(ROI * HID), _c_spec(ROI)],
        out_shape=[jax.ShapeDtypeStruct((B, ROI * HID), F32),
                   jax.ShapeDtypeStruct((B, ROI * HID), F32),
                   jax.ShapeDtypeStruct((B, ROI), F32)],
    )(x3, Af, As, W1, b1r, W11, b11r, w4r, b4r)

    x1, x2, alls = pl.pallas_call(
        _head_body,
        out_shape=[jax.ShapeDtypeStruct((B, 2), F32),
                   jax.ShapeDtypeStruct((B, 2), F32),
                   jax.ShapeDtypeStruct((B, ROI), F32)],
    )(z1f, z2f, apf, Wl1, bl1r, Wl3, bl3r, Wl11, bl11r, Wl33, bl33r,
      Wl4, bl4r, Wl5, bl5r)

    xcf = pl.pallas_call(
        _g2_body,
        grid=(B // _G,),
        in_specs=[_c_spec(ROI * HID), _c_spec(ROI * HID), _c_spec(ROI),
                  _A_SPEC, _A_SPEC,
                  _w_spec((HID, HID)), _w_spec((1, 1, HID))],
        out_specs=_c_spec(2 * ROI * HID),
        out_shape=jax.ShapeDtypeStruct((B, 2 * ROI * HID), F32),
    )(z1f, z2f, alls, Af, As, W2, b2r)

    xf = pl.pallas_call(
        _final_body,
        out_shape=jax.ShapeDtypeStruct((B, 2), F32),
    )(xcf, Wl6, bl6r, Wl7, bl7r)

    return (xf, x1, x2, alls)

# --- scband reference (transcript-rebuilt; emitter-appended) ---
"""Pipeline reference for scband-gvae-end-fusion-18399639896868 (READ-ONLY COPY).

The authoritative reference and input builder live on the scoring server;
editing this copy changes nothing except your own understanding.
"""

import jax, jax.numpy as jnp
import numpy as np

ROI = 116
LENN = 6670
B = 128
SEG2 = 2 * LENN + ROI
HID = 64
HC2 = 128


def _lin(k, fin, fout):
    kw, kb = jax.random.split(k)
    s = 1.0 / np.sqrt(fin)
    W = jax.random.uniform(kw, (fin, fout), minval=-s, maxval=s, dtype=jnp.float32)
    b = jax.random.uniform(kb, (fout,), minval=-s, maxval=s, dtype=jnp.float32)
    return W, b


def setup_inputs(seed: int = 0):
    key = jax.random.key(seed)
    ks = jax.random.split(key, 20)
    hc = ROI * HID
    hc3 = 2 * hc
    x = jax.random.normal(ks[0], (B * 2 * ROI, ROI - 1), dtype=jnp.float32)
    base = (jnp.arange(B) * (2 * ROI))[:, None]
    fc_src = jax.random.randint(ks[1], (B, LENN), 0, ROI) + base
    fc_dst = jax.random.randint(ks[2], (B, LENN), 0, ROI) + base
    sc_src = jax.random.randint(ks[3], (B, LENN), ROI, 2 * ROI) + base
    sc_dst = jax.random.randint(ks[4], (B, LENN), ROI, 2 * ROI) + base
    fu_src = jnp.arange(ROI)[None, :] + base
    fu_dst = fu_src + ROI
    src = jnp.concatenate([fc_src, sc_src, fu_src], axis=1).reshape(-1)
    dst = jnp.concatenate([fc_dst, sc_dst, fu_dst], axis=1).reshape(-1)
    edge_index = jnp.stack([src, dst]).astype(jnp.int64)
    edge_weight = jax.random.uniform(ks[5], (B * SEG2,), dtype=jnp.float32)
    batch = jnp.repeat(jnp.arange(B), 2 * ROI).astype(jnp.int64)
    W1, b1 = _lin(ks[6], ROI - 1, HID)
    W11, b11 = _lin(ks[7], ROI - 1, HID)
    W2, b2 = _lin(ks[8], HID, HID)
    w4m, b4 = _lin(ks[9], 2 * HID, 1)
    w4 = w4m[:, 0]
    Wl1, bl1 = _lin(ks[10], hc, HC2)
    Wl11, bl11 = _lin(ks[11], hc, HC2)
    Wl3, bl3 = _lin(ks[12], HC2, 2)
    Wl33, bl33 = _lin(ks[13], HC2, 2)
    Wl4, bl4 = _lin(ks[14], ROI, 64)
    Wl5, bl5 = _lin(ks[15], 64, ROI)
    Wl6, bl6 = _lin(ks[16], hc3, HC2)
    Wl7, bl7 = _lin(ks[17], HC2, 2)
    return dict(x=x, edge_index=edge_index, edge_weight=edge_weight, roi_num=ROI, batch=batch, device=0, W1=W1, b1=b1, W11=W11, b11=b11, W2=W2, b2=b2, w4=w4, b4=b4, Wl1=Wl1, bl1=bl1, Wl3=Wl3, bl3=bl3, Wl11=Wl11, bl11=bl11, Wl33=Wl33, bl33=bl33, Wl4=Wl4, bl4=bl4, Wl5=Wl5, bl5=bl5, Wl6=Wl6, bl6=bl6, Wl7=Wl7, bl7=bl7)


def _gcn(x, ei, ew, W, b):
    N = x.shape[0]
    loops = jnp.arange(N, dtype=ei.dtype)
    row = jnp.concatenate([ei[0], loops])
    col = jnp.concatenate([ei[1], loops])
    w = jnp.concatenate([ew, jnp.ones((N,), dtype=ew.dtype)])
    deg = jnp.zeros((N,), dtype=ew.dtype).at[col].add(w)
    dinv = jnp.where(deg > 0, 1.0 / jnp.sqrt(jnp.where(deg > 0, deg, 1.0)), 0.0)
    norm = dinv[row] * w * dinv[col]
    h = x @ W
    out = jnp.zeros((N, W.shape[1]), dtype=h.dtype).at[col].add(norm[:, None] * h[row])
    return out + b


def _forward(x, edge_weight, edge_index, W1, b1, W11, b11, W2, b2, w4, b4, Wl1, bl1, Wl3, bl3, Wl11, bl11, Wl33, bl33, Wl4, bl4, Wl5, bl5, Wl6, bl6, Wl7, bl7):
    roi = ROI
    lenn = LENN
    Bn = x.shape[0] // (2 * roi)
    seg2 = edge_weight.shape[0] // Bn
    ew_r = edge_weight.reshape(Bn, seg2)
    ew1 = ew_r[:, :lenn].reshape(-1)
    ew2 = ew_r[:, lenn:2 * lenn].reshape(-1)
    ei_r = edge_index.reshape(2, Bn, seg2)
    offs = (jnp.arange(Bn) * roi)[None, :, None]
    ei1 = (ei_r[:, :, :lenn] - offs).reshape(2, -1)
    ei2 = (ei_r[:, :, lenn:2 * lenn] - offs - roi).reshape(2, -1)
    x_r = x.reshape(Bn, 2 * roi, x.shape[1])
    node_fc = x_r[:, :roi].reshape(Bn * roi, -1)
    node_sc = x_r[:, roi:].reshape(Bn * roi, -1)
    z1 = jax.nn.relu(_gcn(node_fc, ei1, ew1, W1, b1))
    x1 = z1.reshape(Bn, -1)
    x1 = jax.nn.relu(x1 @ Wl1 + bl1)
    x1 = jax.nn.softmax(x1 @ Wl3 + bl3, axis=1)
    z2 = jax.nn.relu(_gcn(node_sc, ei2, ew2, W11, b11))
    x2 = z2.reshape(Bn, -1)
    x2 = jax.nn.relu(x2 @ Wl11 + bl11)
    x2 = jax.nn.softmax(x2 @ Wl33 + bl33, axis=1)
    allz = jnp.concatenate([z1, z2], axis=1)
    alls = (allz @ w4 + b4[0]).reshape(Bn, roi)
    alls = jax.nn.relu(alls @ Wl4 + bl4)
    alls = jax.nn.relu(alls @ Wl5 + bl5)
    et = ew_r.at[:, -roi:].set(alls).reshape(-1)
    xcat = jnp.concatenate([z1.reshape(Bn, roi, -1), z2.reshape(Bn, roi, -1)], axis=1).reshape(Bn * 2 * roi, -1)
    xc = jax.nn.relu(_gcn(xcat, edge_index, et, W2, b2))
    xf = xc.reshape(Bn, -1)
    xf = jax.nn.relu(xf @ Wl6 + bl6)
    xf = jax.nn.softmax(xf @ Wl7 + bl7, axis=1)
    return (xf, x1, x2, alls)


def reference(x, edge_index, edge_weight, roi_num, batch, device, W1, b1, W11, b11, W2, b2, w4, b4, Wl1, bl1, Wl3, bl3, Wl11, bl11, Wl33, bl33, Wl4, bl4, Wl5, bl5, Wl6, bl6, Wl7, bl7):
    del roi_num, batch, device
    return _forward(x, edge_weight, edge_index, W1, b1, W11, b11, W2, b2, w4, b4, Wl1, bl1, Wl3, bl3, Wl11, bl11, Wl33, bl33, Wl4, bl4, Wl5, bl5, Wl6, bl6, Wl7, bl7)

if __name__ == "__main__":
    import jax
    _d = setup_inputs()
    print(jax.jit(kernel)(*tuple(_d.values())))

</pallas_src>

<mosaic_0001>
#map = affine_map<(d0, d1) -> (0)>
#map1 = affine_map<(d0, d1) -> (0, 0)>
module attributes {stable_mosaic.version = 14 : i64} {
  func.func @_sc_build_body(%arg0: i32, %arg1: i32, %arg2: memref<1722368xi32, #tpu.memory_space<hbm>>, %arg3: memref<1722368xi32, #tpu.memory_space<hbm>>, %arg4: memref<1722368xf32, #tpu.memory_space<hbm>>, %arg5: memref<120x128xf32, #tpu.memory_space<hbm>>, %arg6: memref<15360x128xf32, #tpu.memory_space<hbm>>, %arg7: memref<15360x128xf32, #tpu.memory_space<hbm>>, %arg8: memref<6672xi32, #tpu.memory_space<vmem>>, %arg9: memref<6672xi32, #tpu.memory_space<vmem>>, %arg10: memref<6672xf32, #tpu.memory_space<vmem>>, %arg11: memref<120x128xf32, #tpu.memory_space<vmem>>, %arg12: memref<6688xi32, #tpu.memory_space<vmem>>, %arg13: memref<6688xi32, #tpu.memory_space<vmem>>, %arg14: memref<6688xf32, #tpu.memory_space<vmem>>, %arg15: memref<120x128xf32, #tpu.memory_space<vmem>>, %arg16: memref<!tpu.dma_semaphore, #tpu.memory_space<semaphore_mem>>, %arg17: memref<!tpu.dma_semaphore, #tpu.memory_space<semaphore_mem>>, %arg18: memref<!tpu.dma_semaphore, #tpu.memory_space<semaphore_mem>>) attributes {dimension_semantics = [#tpu.dimension_semantics<core_parallel>, #tpu.dimension_semantics<subcore_parallel>], iteration_bounds = array<i64: 2, 16>, scalar_prefetch = 0 : i64, scratch_operands = 11 : i64, tpu.core_type = #tpu.core_type<sc_vector_subcore>, window_params = [{transform_indices = #map}, {transform_indices = #map}, {transform_indices = #map}, {transform_indices = #map1}, {transform_indices = #map1}, {transform_indices = #map1}]} {
    %mul3A = arith.constant 2 : i32
    %mul3A_0 = arith.muli %arg1, %mul3A : i32
    %add3A = arith.addi %mul3A_0, %arg0 : i32
    %mul3A_1 = arith.constant 4 : i32
    %mul3A_2 = arith.muli %add3A, %mul3A_1 : i32
    %add3A_3 = arith.constant 0 : i32
    %add3A_4 = arith.addi %mul3A_2, %add3A_3 : i32
    %mul3A_5 = arith.constant 13456 : i32
    %mul3A_6 = arith.muli %add3A_4, %mul3A_5 : i32
    %add3A_7 = arith.constant 0 : i32
    %add3A_8 = arith.addi %mul3A_6, %add3A_7 : i32
    %dma_start3A = tpu.memref_slice %arg2[%add3A_8] : memref<1722368xi32, #tpu.memory_space<hbm>> -> memref<6672xi32, #tpu.memory_space<hbm>>
    %dma_start3A_9 = tpu.memref_slice %arg2[%add3A_8] : memref<1722368xi32, #tpu.memory_space<hbm>> -> memref<6672xi32, #tpu.memory_space<hbm>>
    tpu.enqueue_dma source(%dma_start3A_9 : memref<6672xi32, #tpu.memory_space<hbm>>) target(%arg8 : memref<6672xi32, #tpu.memory_space<vmem>>) target_semaphore(%arg16 : memref<!tpu.dma_semaphore, #tpu.memory_space<semaphore_mem>>)
    %dma_start3A_10 = tpu.memref_slice %arg3[%add3A_8] : memref<1722368xi32, #tpu.memory_space<hbm>> -> memref<6672xi32, #tpu.memory_space<hbm>>
    %dma_start3A_11 = tpu.memref_slice %arg3[%add3A_8] : memref<1722368xi32, #tpu.memory_space<hbm>> -> memref<6672xi32, #tpu.memory_space<hbm>>
    tpu.enqueue_dma source(%dma_start3A_11 : memref<6672xi32, #tpu.memory_space<hbm>>) target(%arg9 : memref<6672xi32, #tpu.memory_space<vmem>>) target_semaphore(%arg16 : memref<!tpu.dma_semaphore, #tpu.memory_space<semaphore_mem>>)
    %dma_start3A_12 = tpu.memref_slice %arg4[%add3A_8] : memref<1722368xf32, #tpu.memory_space<hbm>> -> memref<6672xf32, #tpu.memory_space<hbm>>
    %dma_start3A_13 = tpu.memref_slice %arg4[%add3A_8] : memref<1722368xf32, #tpu.memory_space<hbm>> -> memref<6672xf32, #tpu.memory_space<hbm>>
    tpu.enqueue_dma source(%dma_start3A_13 : memref<6672xf32, #tpu.memory_space<hbm>>) target(%arg10 : memref<6672xf32, #tpu.memory_space<vmem>>) target_semaphore(%arg16 : memref<!tpu.dma_semaphore, #tpu.memory_space<semaphore_mem>>)
    tpu.enqueue_dma source(%arg5 : memref<120x128xf32, #tpu.memory_space<hbm>>) target(%arg11 : memref<120x128xf32, #tpu.memory_space<vmem>>) target_semaphore(%arg17 : memref<!tpu.dma_semaphore, #tpu.memory_space<semaphore_mem>>)
    %add3A_14 = arith.constant 0 : i32
    %add3A_15 = arith.addi %mul3A_2, %add3A_14 : i32
    %dma_wait3A = tpu.memref_slice %arg2[%add3A_8] : memref<1722368xi32, #tpu.memory_space<hbm>> -> memref<6672xi32, #tpu.memory_space<hbm>>
    %dma_wait3A_16 = tpu.memref_slice %arg2[%add3A_8] : memref<1722368xi32, #tpu.memory_space<hbm>> -> memref<6672xi32, #tpu.memory_space<hbm>>
    tpu.wait_dma2 semaphore(%arg16 : memref<!tpu.dma_semaphore, #tpu.memory_space<semaphore_mem>>) src(%dma_wait3A_16 : memref<6672xi32, #tpu.memory_space<hbm>>) dst(%arg8 : memref<6672xi32, #tpu.memory_space<vmem>>)
    %dma_wait3A_17 = tpu.memref_slice %arg3[%add3A_8] : memref<1722368xi32, #tpu.memory_space<hbm>> -> memref<6672xi32, #tpu.memory_space<hbm>>
    %dma_wait3A_18 = tpu.memref_slice %arg3[%add3A_8] : memref<1722368xi32, #tpu.memory_space<hbm>> -> memref<6672xi32, #tpu.memory_space<hbm>>
    tpu.wait_dma2 semaphore(%arg16 : memref<!tpu.dma_semaphore, #tpu.memory_space<semaphore_mem>>) src(%dma_wait3A_18 : memref<6672xi32, #tpu.memory_space<hbm>>) dst(%arg9 : memref<6672xi32, #tpu.memory_space<vmem>>)
    %dma_wait3A_19 = tpu.memref_slice %arg4[%add3A_8] : memref<1722368xf32, #tpu.memory_space<hbm>> -> memref<6672xf32, #tpu.memory_space<hbm>>
    %dma_wait3A_20 = tpu.memref_slice %arg4[%add3A_8] : memref<1722368xf32, #tpu.memory_space<hbm>> -> memref<6672xf32, #tpu.memory_space<hbm>>
    tpu.wait_dma2 semaphore(%arg16 : memref<!tpu.dma_semaphore, #tpu.memory_space<semaphore_mem>>) src(%dma_wait3A_20 : memref<6672xf32, #tpu.memory_space<hbm>>) dst(%arg10 : memref<6672xf32, #tpu.memory_space<vmem>>)
    tpu.wait_dma2 semaphore(%arg17 : memref<!tpu.dma_semaphore, #tpu.memory_space<semaphore_mem>>) src(%arg5 : memref<120x128xf32, #tpu.memory_space<hbm>>) dst(%arg11 : memref<120x128xf32, #tpu.memory_space<vmem>>)
    %add3A_21 = arith.constant 0 : i32
    %add3A_22 = arith.addi %mul3A_2, %add3A_21 : i32
    %mul3A_23 = arith.constant 13456 : i32
    %mul3A_24 = arith.muli %add3A_22, %mul3A_23 : i32
    %add3A_25 = arith.constant 6664 : i32
    %add3A_26 = arith.addi %mul3A_24, %add3A_25 : i32
    %dma_start3A_27 = tpu.memref_slice %arg2[%add3A_26] : memref<1722368xi32, #tpu.memory_space<hbm>> -> memref<6688xi32, #tpu.memory_space<hbm>>
    %dma_start3A_28 = tpu.memref_slice %arg2[%add3A_26] : memref<1722368xi32, #tpu.memory_space<hbm>> -> memref<6688xi32, #tpu.memory_space<hbm>>
    tpu.enqueue_dma source(%dma_start3A_28 : memref<6688xi32, #tpu.memory_space<hbm>>) target(%arg12 : memref<6688xi32, #tpu.memory_space<vmem>>) target_semaphore(%arg16 : memref<!tpu.dma_semaphore, #tpu.memory_space<semaphore_mem>>)
    %dma_start3A_29 = tpu.memref_slice %arg3[%add3A_26] : memref<1722368xi32, #tpu.memory_space<hbm>> -> memref<6688xi32, #tpu.memory_space<hbm>>
    %dma_start3A_30 = tpu.memref_slice %arg3[%add3A_26] : memref<1722368xi32, #tpu.memory_space<hbm>> -> memref<6688xi32, #tpu.memory_space<hbm>>
    tpu.enqueue_dma source(%dma_start3A_30 : memref<6688xi32, #tpu.memory_space<hbm>>) target(%arg13 : memref<6688xi32, #tpu.memory_space<vmem>>) target_semaphore(%arg16 : memref<!tpu.dma_semaphore, #tpu.memory_space<semaphore_mem>>)
    %dma_start3A_31 = tpu.memref_slice %arg4[%add3A_26] : memref<1722368xf32, #tpu.memory_space<hbm>> -> memref<6688xf32, #tpu.memory_space<hbm>>
    %dma_start3A_32 = tpu.memref_slice %arg4[%add3A_26] : memref<1722368xf32, #tpu.memory_space<hbm>> -> memref<6688xf32, #tpu.memory_space<hbm>>
    tpu.enqueue_dma source(%dma_start3A_32 : memref<6688xf32, #tpu.memory_space<hbm>>) target(%arg14 : memref<6688xf32, #tpu.memory_space<vmem>>) target_semaphore(%arg16 : memref<!tpu.dma_semaphore, #tpu.memory_space<semaphore_mem>>)
    tpu.enqueue_dma source(%arg5 : memref<120x128xf32, #tpu.memory_space<hbm>>) target(%arg15 : memref<120x128xf32, #tpu.memory_space<vmem>>) target_semaphore(%arg17 : memref<!tpu.dma_semaphore, #tpu.memory_space<semaphore_mem>>)
    %add3A_33 = arith.constant 0 : i32
    %add3A_34 = arith.addi %mul3A_2, %add3A_33 : i32
    %mul3A_35 = arith.constant 232 : i32
    %mul3A_36 = arith.muli %add3A_34, %mul3A_35 : i32
    %add3A_37 = arith.constant 0 : i32
    %add3A_38 = arith.addi %mul3A_36, %add3A_37 : i32
    %iota3A = tpu.iota {dimensions = array<i32: 0>} : vector<16xi32>
    %scan3A = arith.constant 0 : i32
    %scan3A_39 = arith.constant 0 : i32
    %scan3A_40 = arith.constant 416 : i32
    %scan3A_41 = arith.addi %scan3A_39, %scan3A_40 : i32
    %scan3A_42 = arith.constant 8 : i32
    scf.for %scan3A_495 = %scan3A_39 to %scan3A_41 step %scan3A_42  : i32 {
      %mul3A_496 = arith.constant 16 : i32
      %mul3A_497 = arith.muli %scan3A_495, %mul3A_496 : i32
      %get3A_498 = arith.index_cast %mul3A_497 : i32 to index
      %get3A_499 = tpu.vector_load %arg8[%get3A_498] {strides = array<i32>} : memref<6672xi32, #tpu.memory_space<vmem>>, vector<16xi32>,
      %sub3A_500 = vector.broadcast %add3A_38 : i32 to vector<16xi32>
      %sub3A_501 = arith.subi %get3A_499, %sub3A_500 : vector<16xi32>
      %mul3A_502 = arith.constant 16 : i32
      %mul3A_503 = arith.muli %scan3A_495, %mul3A_502 : i32
      %get3A_504 = arith.index_cast %mul3A_503 : i32 to index
      %get3A_505 = tpu.vector_load %arg9[%get3A_504] {strides = array<i32>} : memref<6672xi32, #tpu.memory_space<vmem>>, vector<16xi32>,
      %sub3A_506 = vector.broadcast %add3A_38 : i32 to vector<16xi32>
      %sub3A_507 = arith.subi %get3A_505, %sub3A_506 : vector<16xi32>
      %mul3A_508 = arith.constant 16 : i32
      %mul3A_509 = arith.muli %scan3A_495, %mul3A_508 : i32
      %get3A_510 = arith.index_cast %mul3A_509 : i32 to index
      %get3A_511 = tpu.vector_load %arg10[%get3A_510] {strides = array<i32>} : memref<6672xf32, #tpu.memory_space<vmem>>, vector<16xf32>,
      tpu.vector_store_idx %arg11[%sub3A_507, %sub3A_501], %get3A_511 {add = true} : memref<120x128xf32, #tpu.memory_space<vmem>>[vector<16xi32>, vector<16xi32>], vector<16xf32>,
      %scan3A_512 = arith.constant 1 : i32
      %scan3A_513 = arith.addi %scan3A_495, %scan3A_512 : i32
      %mul3A_514 = arith.constant 16 : i32
      %mul3A_515 = arith.muli %scan3A_513, %mul3A_514 : i32
      %get3A_516 = arith.index_cast %mul3A_515 : i32 to index
      %get3A_517 = tpu.vector_load %arg8[%get3A_516] {strides = array<i32>} : memref<6672xi32, #tpu.memory_space<vmem>>, vector<16xi32>,
      %sub3A_518 = vector.broadcast %add3A_38 : i32 to vector<16xi32>
      %sub3A_519 = arith.subi %get3A_517, %sub3A_518 : vector<16xi32>
      %mul3A_520 = arith.constant 16 : i32
      %mul3A_521 = arith.muli %scan3A_513, %mul3A_520 : i32
      %get3A_522 = arith.index_cast %mul3A_521 : i32 to index
      %get3A_523 = tpu.vector_load %arg9[%get3A_522] {strides = array<i32>} : memref<6672xi32, #tpu.memory_space<vmem>>, vector<16xi32>,
      %sub3A_524 = vector.broadcast %add3A_38 : i32 to vector<16xi32>
      %sub3A_525 = arith.subi %get3A_523, %sub3A_524 : vector<16xi32>
      %mul3A_526 = arith.constant 16 : i32
      %mul3A_527 = arith.muli %scan3A_513, %mul3A_526 : i32
      %get3A_528 = arith.index_cast %mul3A_527 : i32 to index
      %get3A_529 = tpu.vector_load %arg10[%get3A_528] {strides = array<i32>} : memref<6672xf32, #tpu.memory_space<vmem>>, vector<16xf32>,
      tpu.vector_store_idx %arg11[%sub3A_525, %sub3A_519], %get3A_529 {add = true} : memref<120x128xf32, #tpu.memory_space<vmem>>[vector<16xi32>, vector<16xi32>], vector<16xf32>,
      %scan3A_530 = arith.constant 2 : i32
      %scan3A_531 = arith.addi %scan3A_495, %scan3A_530 : i32
      %mul3A_532 = arith.constant 16 : i32
      %mul3A_533 = arith.muli %scan3A_531, %mul3A_532 : i32
      %get3A_534 = arith.index_cast %mul3A_533 : i32 to index
      %get3A_535 = tpu.vector_load %arg8[%get3A_534] {strides = array<i32>} : memref<6672xi32, #tpu.memory_space<vmem>>, vector<16xi32>,
      %sub3A_536 = vector.broadcast %add3A_38 : i32 to vector<16xi32>
      %sub3A_537 = arith.subi %get3A_535, %sub3A_536 : vector<16xi32>
      %mul3A_538 = arith.constant 16 : i32
      %mul3A_539 = arith.muli %scan3A_531, %mul3A_538 : i32
      %get3A_540 = arith.index_cast %mul3A_539 : i32 to index
      %get3A_541 = tpu.vector_load %arg9[%get3A_540] {strides = array<i32>} : memref<6672xi32, #tpu.memory_space<vmem>>, vector<16xi32>,
      %sub3A_542 = vector.broadcast %add3A_38 : i32 to vector<16xi32>
      %sub3A_543 = arith.subi %get3A_541, %sub3A_542 : vector<16xi32>
      %mul3A_544 = arith.constant 16 : i32
      %mul3A_545 = arith.muli %scan3A_531, %mul3A_544 : i32
      %get3A_546 = arith.index_cast %mul3A_545 : i32 to index
      %get3A_547 = tpu.vector_load %arg10[%get3A_546] {strides = array<i32>} : memref<6672xf32, #tpu.memory_space<vmem>>, vector<16xf32>,
      tpu.vector_store_idx %arg11[%sub3A_543, %sub3A_537], %get3A_547 {add = true} : memref<120x128xf32, #tpu.memory_space<vmem>>[vector<16xi32>, vector<16xi32>], vector<16xf32>,
      %scan3A_548 = arith.constant 3 : i32
      %scan3A_549 = arith.addi %scan3A_495, %scan3A_548 : i32
      %mul3A_550 = arith.constant 16 : i32
      %mul3A_551 = arith.muli %scan3A_549, %mul3A_550 : i32
      %get3A_552 = arith.index_cast %mul3A_551 : i32 to index
      %get3A_553 = tpu.vector_load %arg8[%get3A_552] {strides = array<i32>} : memref<6672xi32, #tpu.memory_space<vmem>>, vector<16xi32>,
      %sub3A_554 = vector.broadcast %add3A_38 : i32 to vector<16xi32>
      %sub3A_555 = arith.subi %get3A_553, %sub3A_554 : vector<16xi32>
      %mul3A_556 = arith.constant 16 : i32
      %mul3A_557 = arith.muli %scan3A_549, %mul3A_556 : i32
      %get3A_558 = arith.index_cast %mul3A_557 : i32 to index
      %get3A_559 = tpu.vector_load %arg9[%get3A_558] {strides = array<i32>} : memref<6672xi32, #tpu.memory_space<vmem>>, vector<16xi32>,
      %sub3A_560 = vector.broadcast %add3A_38 : i32 to vector<16xi32>
      %sub3A_561 = arith.subi %get3A_559, %sub3A_560 : vector<16xi32>
      %mul3A_562 = arith.constant 16 : i32
      %mul3A_563 = arith.muli %scan3A_549, %mul3A_562 : i32
      %get3A_564 = arith.index_cast %mul3A_563 : i32 to index
      %get3A_565 = tpu.vector_load %arg10[%get3A_564] {strides = array<i32>} : memref<6672xf32, #tpu.memory_space<vmem>>, vector<16xf32>,
      tpu.vector_store_idx %arg11[%sub3A_561, %sub3A_555], %get3A_565 {add = true} : memref<120x128xf32, #tpu.memory_space<vmem>>[vector<16xi32>, vector<16xi32>], vector<16xf32>,
      %scan3A_566 = arith.constant 4 : i32
      %scan3A_567 = arith.addi %scan3A_495, %scan3A_566 : i32
      %mul3A_568 = arith.constant 16 : i32
      %mul3A_569 = arith.muli %scan3A_567, %mul3A_568 : i32
      %get3A_570 = arith.index_cast %mul3A_569 : i32 to index
      %get3A_571 = tpu.vector_load %arg8[%get3A_570] {strides = array<i32>} : memref<6672xi32, #tpu.memory_space<vmem>>, vector<16xi32>,
      %sub3A_572 = vector.broadcast %add3A_38 : i32 to vector<16xi32>
      %sub3A_573 = arith.subi %get3A_571, %sub3A_572 : vector<16xi32>
      %mul3A_574 = arith.constant 16 : i32
      %mul3A_575 = arith.muli %scan3A_567, %mul3A_574 : i32
      %get3A_576 = arith.index_cast %mul3A_575 : i32 to index
      %get3A_577 = tpu.vector_load %arg9[%get3A_576] {strides = array<i32>} : memref<6672xi32, #tpu.memory_space<vmem>>, vector<16xi32>,
      %sub3A_578 = vector.broadcast %add3A_38 : i32 to vector<16xi32>
      %sub3A_579 = arith.subi %get3A_577, %sub3A_578 : vector<16xi32>
      %mul3A_580 = arith.constant 16 : i32
      %mul3A_581 = arith.muli %scan3A_567, %mul3A_580 : i32
      %get3A_582 = arith.index_cast %mul3A_581 : i32 to index
      %get3A_583 = tpu.vector_load %arg10[%get3A_582] {strides = array<i32>} : memref<6672xf32, #tpu.memory_space<vmem>>, vector<16xf32>,
      tpu.vector_store_idx %arg11[%sub3A_579, %sub3A_573], %get3A_583 {add = true} : memref<120x128xf32, #tpu.memory_space<vmem>>[vector<16xi32>, vector<16xi32>], vector<16xf32>,
      %scan3A_584 = arith.constant 5 : i32
      %scan3A_585 = arith.addi %scan3A_495, %scan3A_584 : i32
      %mul3A_586 = arith.constant 16 : i32
      %mul3A_587 = arith.muli %scan3A_585, %mul3A_586 : i32
      %get3A_588 = arith.index_cast %mul3A_587 : i32 to index
      %get3A_589 = tpu.vector_load %arg8[%get3A_588] {strides = array<i32>} : memref<6672xi32, #tpu.memory_space<vmem>>, vector<16xi32>,
      %sub3A_590 = vector.broadcast %add3A_38 : i32 to vector<16xi32>
      %sub3A_591 = arith.subi %get3A_589, %sub3A_590 : vector<16xi32>
      %mul3A_592 = arith.constant 16 : i32
      %mul3A_593 = arith.muli %scan3A_585, %mul3A_592 : i32
      %get3A_594 = arith.index_cast %mul3A_593 : i32 to index
      %get3A_595 = tpu.vector_load %arg9[%get3A_594] {strides = array<i32>} : memref<6672xi32, #tpu.memory_space<vmem>>, vector<16xi32>,
      %sub3A_596 = vector.broadcast %add3A_38 : i32 to vector<16xi32>
      %sub3A_597 = arith.subi %get3A_595, %sub3A_596 : vector<16xi32>
      %mul3A_598 = arith.constant 16 : i32
      %mul3A_599 = arith.muli %scan3A_585, %mul3A_598 : i32
      %get3A_600 = arith.index_cast %mul3A_599 : i32 to index
      %get3A_601 = tpu.vector_load %arg10[%get3A_600] {strides = array<i32>} : memref<6672xf32, #tpu.memory_space<vmem>>, vector<16xf32>,
      tpu.vector_store_idx %arg11[%sub3A_597, %sub3A_591], %get3A_601 {add = true} : memref<120x128xf32, #tpu.memory_space<vmem>>[vector<16xi32>, vector<16xi32>], vector<16xf32>,
      %scan3A_602 = arith.constant 6 : i32
      %scan3A_603 = arith.addi %scan3A_495, %scan3A_602 : i32
      %mul3A_604 = arith.constant 16 : i32
      %mul3A_605 = arith.muli %scan3A_603, %mul3A_604 : i32
      %get3A_606 = arith.index_cast %mul3A_605 : i32 to index
      %get3A_607 = tpu.vector_load %arg8[%get3A_606] {strides = array<i32>} : memref<6672xi32, #tpu.memory_space<vmem>>, vector<16xi32>,
      %sub3A_608 = vector.broadcast %add3A_38 : i32 to vector<16xi32>
      %sub3A_609 = arith.subi %get3A_607, %sub3A_608 : vector<16xi32>
      %mul3A_610 = arith.constant 16 : i32
      %mul3A_611 = arith.muli %scan3A_603, %mul3A_610 : i32
      %get3A_612 = arith.index_cast %mul3A_611 : i32 to index
      %get3A_613 = tpu.vector_load %arg9[%get3A_612] {strides = array<i32>} : memref<6672xi32, #tpu.memory_space<vmem>>, vector<16xi32>,
      %sub3A_614 = vector.broadcast %add3A_38 : i32 to vector<16xi32>
      %sub3A_615 = arith.subi %get3A_613, %sub3A_614 : vector<16xi32>
      %mul3A_616 = arith.constant 16 : i32
      %mul3A_617 = arith.muli %scan3A_603, %mul3A_616 : i32
      %get3A_618 = arith.index_cast %mul3A_617 : i32 to index
      %get3A_619 = tpu.vector_load %arg10[%get3A_618] {strides = array<i32>} : memref<6672xf32, #tpu.memory_space<vmem>>, vector<16xf32>,
      tpu.vector_store_idx %arg11[%sub3A_615, %sub3A_609], %get3A_619 {add = true} : memref<120x128xf32, #tpu.memory_space<vmem>>[vector<16xi32>, vector<16xi32>], vector<16xf32>,
      %scan3A_620 = arith.constant 7 : i32
      %scan3A_621 = arith.addi %scan3A_495, %scan3A_620 : i32
      %mul3A_622 = arith.constant 16 : i32
      %mul3A_623 = arith.muli %scan3A_621, %mul3A_622 : i32
      %get3A_624 = arith.index_cast %mul3A_623 : i32 to index
      %get3A_625 = tpu.vector_load %arg8[%get3A_624] {strides = array<i32>} : memref<6672xi32, #tpu.memory_space<vmem>>, vector<16xi32>,
      %sub3A_626 = vector.broadcast %add3A_38 : i32 to vector<16xi32>
      %sub3A_627 = arith.subi %get3A_625, %sub3A_626 : vector<16xi32>
      %mul3A_628 = arith.constant 16 : i32
      %mul3A_629 = arith.muli %scan3A_621, %mul3A_628 : i32
      %get3A_630 = arith.index_cast %mul3A_629 : i32 to index
      %get3A_631 = tpu.vector_load %arg9[%get3A_630] {strides = array<i32>} : memref<6672xi32, #tpu.memory_space<vmem>>, vector<16xi32>,
      %sub3A_632 = vector.broadcast %add3A_38 : i32 to vector<16xi32>
      %sub3A_633 = arith.subi %get3A_631, %sub3A_632 : vector<16xi32>
      %mul3A_634 = arith.constant 16 : i32
      %mul3A_635 = arith.muli %scan3A_621, %mul3A_634 : i32
      %get3A_636 = arith.index_cast %mul3A_635 : i32 to index
      %get3A_637 = tpu.vector_load %arg10[%get3A_636] {strides = array<i32>} : memref<6672xf32, #tpu.memory_space<vmem>>, vector<16xf32>,
      tpu.vector_store_idx %arg11[%sub3A_633, %sub3A_627], %get3A_637 {add = true} : memref<120x128xf32, #tpu.memory_space<vmem>>[vector<16xi32>, vector<16xi32>], vector<16xf32>,
    }
    %scan3A_43 = arith.constant 416 : i32
    %lt3A = arith.constant 14 : i32
    %lt3A_44 = vector.broadcast %lt3A : i32 to vector<16xi32>
    %lt3A_45 = arith.cmpi slt, %iota3A, %lt3A_44 : vector<16xi32>
    %get3A = arith.constant 6656 : index
    %get3A_46 = tpu.vector_load %arg8[%get3A] {strides = array<i32>} : memref<6672xi32, #tpu.memory_space<vmem>>, vector<16xi32>,
    %sub3A = vector.broadcast %add3A_38 : i32 to vector<16xi32>
    %sub3A_47 = arith.subi %get3A_46, %sub3A : vector<16xi32>
    %get3A_48 = arith.constant 6656 : index
    %get3A_49 = tpu.vector_load %arg9[%get3A_48] {strides = array<i32>} : memref<6672xi32, #tpu.memory_space<vmem>>, vector<16xi32>,
    %sub3A_50 = vector.broadcast %add3A_38 : i32 to vector<16xi32>
    %sub3A_51 = arith.subi %get3A_49, %sub3A_50 : vector<16xi32>
    %get3A_52 = arith.constant 6656 : index
    %get3A_53 = tpu.vector_load %arg10[%get3A_52] {strides = array<i32>} : memref<6672xf32, #tpu.memory_space<vmem>>, vector<16xf32>,
    tpu.vector_store_idx %arg11[%sub3A_51, %sub3A_47], %get3A_53 masked %lt3A_45 {add = true} : memref<120x128xf32, #tpu.memory_space<vmem>>[vector<16xi32>, vector<16xi32>], vector<16xf32>, vector<16xi1>
    %mul3A_54 = arith.constant 120 : i32
    %mul3A_55 = arith.muli %add3A_15, %mul3A_54 : i32
    %dma_start3A_56 = arith.constant 0 : i32
    %dma_start3A_57 = tpu.memref_slice %arg6[%mul3A_55, %dma_start3A_56] : memref<15360x128xf32, #tpu.memory_space<hbm>> -> memref<120x128xf32, #tpu.memory_space<hbm>>
    %dma_start3A_58 = arith.constant 0 : i32
    %dma_start3A_59 = tpu.memref_slice %arg6[%mul3A_55, %dma_start3A_58] : memref<15360x128xf32, #tpu.memory_space<hbm>> -> memref<120x128xf32, #tpu.memory_space<hbm>>
    tpu.enqueue_dma source(%arg11 : memref<120x128xf32, #tpu.memory_space<vmem>>) target(%dma_start3A_59 : memref<120x128xf32, #tpu.memory_space<hbm>>) target_semaphore(%arg18 : memref<!tpu.dma_semaphore, #tpu.memory_space<semaphore_mem>>)
    %add3A_60 = arith.constant 0 : i32
    %add3A_61 = arith.addi %mul3A_2, %add3A_60 : i32
    %dma_wait3A_62 = tpu.memref_slice %arg2[%add3A_26] : memref<1722368xi32, #tpu.memory_space<hbm>> -> memref<6688xi32, #tpu.memory_space<hbm>>
    %dma_wait3A_63 = tpu.memref_slice %arg2[%add3A_26] : memref<1722368xi32, #tpu.memory_space<hbm>> -> memref<6688xi32, #tpu.memory_space<hbm>>
    tpu.wait_dma2 semaphore(%arg16 : memref<!tpu.dma_semaphore, #tpu.memory_space<semaphore_mem>>) src(%dma_wait3A_63 : memref<6688xi32, #tpu.memory_space<hbm>>) dst(%arg12 : memref<6688xi32, #tpu.memory_space<vmem>>)
    %dma_wait3A_64 = tpu.memref_slice %arg3[%add3A_26] : memref<1722368xi32, #tpu.memory_space<hbm>> -> memref<6688xi32, #tpu.memory_space<hbm>>
    %dma_wait3A_65 = tpu.memref_slice %arg3[%add3A_26] : memref<1722368xi32, #tpu.memory_space<hbm>> -> memref<6688xi32, #tpu.memory_space<hbm>>
    tpu.wait_dma2 semaphore(%arg16 : memref<!tpu.dma_semaphore, #tpu.memory_space<semaphore_mem>>) src(%dma_wait3A_65 : memref<6688xi32, #tpu.memory_space<hbm>>) dst(%arg13 : memref<6688xi32, #tpu.memory_space<vmem>>)
    %dma_wait3A_66 = tpu.memref_slice %arg4[%add3A_26] : memref<1722368xf32, #tpu.memory_space<hbm>> -> memref<6688xf32, #tpu.memory_space<hbm>>
    %dma_wait3A_67 = tpu.memref_slice %arg4[%add3A_26] : memref<1722368xf32, #tpu.memory_space<hbm>> -> memref<6688xf32, #tpu.memory_space<hbm>>
    tpu.wait_dma2 semaphore(%arg16 : memref<!tpu.dma_semaphore, #tpu.memory_space<semaphore_mem>>) src(%dma_wait3A_67 : memref<6688xf32, #tpu.memory_space<hbm>>) dst(%arg14 : memref<6688xf32, #tpu.memory_space<vmem>>)
    tpu.wait_dma2 semaphore(%arg17 : memref<!tpu.dma_semaphore, #tpu.memory_space<semaphore_mem>>) src(%arg5 : memref<120x128xf32, #tpu.memory_space<hbm>>) dst(%arg15 : memref<120x128xf32, #tpu.memory_space<vmem>>)
    %dma_wait3A_68 = arith.constant 0 : i32
    %dma_wait3A_69 = tpu.memref_slice %arg6[%mul3A_55, %dma_wait3A_68] : memref<15360x128xf32, #tpu.memory_space<hbm>> -> memref<120x128xf32, #tpu.memory_space<hbm>>
    %dma_wait3A_70 = arith.constant 0 : i32
    %dma_wait3A_71 = tpu.memref_slice %arg6[%mul3A_55, %dma_wait3A_70] : memref<15360x128xf32, #tpu.memory_space<hbm>> -> memref<120x128xf32, #tpu.memory_space<hbm>>
    tpu.wait_dma2 semaphore(%arg18 : memref<!tpu.dma_semaphore, #tpu.memory_space<semaphore_mem>>) src(%arg11 : memref<120x128xf32, #tpu.memory_space<vmem>>) dst(%dma_wait3A_71 : memref<120x128xf32, #tpu.memory_space<hbm>>)
    %add3A_72 = arith.constant 1 : i32
    %add3A_73 = arith.addi %mul3A_2, %add3A_72 : i32
    %mul3A_74 = arith.constant 13456 : i32
    %mul3A_75 = arith.muli %add3A_73, %mul3A_74 : i32
    %add3A_76 = arith.constant 0 : i32
    %add3A_77 = arith.addi %mul3A_75, %add3A_76 : i32
    %dma_start3A_78 = tpu.memref_slice %arg2[%add3A_77] : memref<1722368xi32, #tpu.memory_space<hbm>> -> memref<6672xi32, #tpu.memory_space<hbm>>
    %dma_start3A_79 = tpu.memref_slice %arg2[%add3A_77] : memref<1722368xi32, #tpu.memory_space<hbm>> -> memref<6672xi32, #tpu.memory_space<hbm>>
    tpu.enqueue_dma source(%dma_start3A_79 : memref<6672xi32, #tpu.memory_space<hbm>>) target(%arg8 : memref<6672xi32, #tpu.memory_space<vmem>>) target_semaphore(%arg16 : memref<!tpu.dma_semaphore, #tpu.memory_space<semaphore_mem>>)
    %dma_start3A_80 = tpu.memref_slice %arg3[%add3A_77] : memref<1722368xi32, #tpu.memory_space<hbm>> -> memref<6672xi32, #tpu.memory_space<hbm>>
    %dma_start3A_81 = tpu.memref_slice %arg3[%add3A_77] : memref<1722368xi32, #tpu.memory_space<hbm>> -> memref<6672xi32, #tpu.memory_space<hbm>>
    tpu.enqueue_dma source(%dma_start3A_81 : memref<6672xi32, #tpu.memory_space<hbm>>) target(%arg9 : memref<6672xi32, #tpu.memory_space<vmem>>) target_semaphore(%arg16 : memref<!tpu.dma_semaphore, #tpu.memory_space<semaphore_mem>>)
    %dma_start3A_82 = tpu.memref_slice %arg4[%add3A_77] : memref<1722368xf32, #tpu.memory_space<hbm>> -> memref<6672xf32, #tpu.memory_space<hbm>>
    %dma_start3A_83 = tpu.memref_slice %arg4[%add3A_77] : memref<1722368xf32, #tpu.memory_space<hbm>> -> memref<6672xf32, #tpu.memory_space<hbm>>
    tpu.enqueue_dma source(%dma_start3A_83 : memref<6672xf32, #tpu.memory_space<hbm>>) target(%arg10 : memref<6672xf32, #tpu.memory_space<vmem>>) target_semaphore(%arg16 : memref<!tpu.dma_semaphore, #tpu.memory_space<semaphore_mem>>)
    tpu.enqueue_dma source(%arg5 : memref<120x128xf32, #tpu.memory_space<hbm>>) target(%arg11 : memref<120x128xf32, #tpu.memory_space<vmem>>) target_semaphore(%arg17 : memref<!tpu.dma_semaphore, #tpu.memory_space<semaphore_mem>>)
    %add3A_84 = arith.constant 0 : i32
    %add3A_85 = arith.addi %mul3A_2, %add3A_84 : i32
    %mul3A_86 = arith.constant 232 : i32
    %mul3A_87 = arith.muli %add3A_85, %mul3A_86 : i32
    %add3A_88 = arith.constant 116 : i32
    %add3A_89 = arith.addi %mul3A_87, %add3A_88 : i32
    %iota3A_90 = tpu.iota {dimensions = array<i32: 0>} : vector<16xi32>
    %ge3A = arith.constant 6 : i32
    %ge3A_91 = vector.broadcast %ge3A : i32 to vector<16xi32>
    %ge3A_92 = arith.cmpi sge, %iota3A_90, %ge3A_91 : vector<16xi32>
    %get3A_93 = arith.constant 0 : index
    %get3A_94 = tpu.vector_load %arg12[%get3A_93] {strides = array<i32>} : memref<6688xi32, #tpu.memory_space<vmem>>, vector<16xi32>,
    %sub3A_95 = vector.broadcast %add3A_89 : i32 to vector<16xi32>
    %sub3A_96 = arith.subi %get3A_94, %sub3A_95 : vector<16xi32>
    %get3A_97 = arith.constant 0 : index
    %get3A_98 = tpu.vector_load %arg13[%get3A_97] {strides = array<i32>} : memref<6688xi32, #tpu.memory_space<vmem>>, vector<16xi32>,
    %sub3A_99 = vector.broadcast %add3A_89 : i32 to vector<16xi32>
    %sub3A_100 = arith.subi %get3A_98, %sub3A_99 : vector<16xi32>
    %get3A_101 = arith.constant 0 : index
    %get3A_102 = tpu.vector_load %arg14[%get3A_101] {strides = array<i32>} : memref<6688xf32, #tpu.memory_space<vmem>>, vector<16xf32>,
    tpu.vector_store_idx %arg15[%sub3A_100, %sub3A_96], %get3A_102 masked %ge3A_92 {add = true} : memref<120x128xf32, #tpu.memory_space<vmem>>[vector<16xi32>, vector<16xi32>], vector<16xf32>, vector<16xi1>
    %scan3A_103 = arith.constant 0 : i32
    %scan3A_104 = arith.constant 1 : i32
    %scan3A_105 = arith.constant 416 : i32
    %scan3A_106 = arith.addi %scan3A_104, %scan3A_105 : i32
    %scan3A_107 = arith.constant 8 : i32
    scf.for %scan3A_495 = %scan3A_104 to %scan3A_106 step %scan3A_107  : i32 {
      %mul3A_496 = arith.constant 16 : i32
      %mul3A_497 = arith.muli %scan3A_495, %mul3A_496 : i32
      %get3A_498 = arith.index_cast %mul3A_497 : i32 to index
      %get3A_499 = tpu.vector_load %arg12[%get3A_498] {strides = array<i32>} : memref<6688xi32, #tpu.memory_space<vmem>>, vector<16xi32>,
      %sub3A_500 = vector.broadcast %add3A_89 : i32 to vector<16xi32>
      %sub3A_501 = arith.subi %get3A_499, %sub3A_500 : vector<16xi32>
      %mul3A_502 = arith.constant 16 : i32
      %mul3A_503 = arith.muli %scan3A_495, %mul3A_502 : i32
      %get3A_504 = arith.index_cast %mul3A_503 : i32 to index
      %get3A_505 = tpu.vector_load %arg13[%get3A_504] {strides = array<i32>} : memref<6688xi32, #tpu.memory_space<vmem>>, vector<16xi32>,
      %sub3A_506 = vector.broadcast %add3A_89 : i32 to vector<16xi32>
      %sub3A_507 = arith.subi %get3A_505, %sub3A_506 : vector<16xi32>
      %mul3A_508 = arith.constant 16 : i32
      %mul3A_509 = arith.muli %scan3A_495, %mul3A_508 : i32
      %get3A_510 = arith.index_cast %mul3A_509 : i32 to index
      %get3A_511 = tpu.vector_load %arg14[%get3A_510] {strides = array<i32>} : memref<6688xf32, #tpu.memory_space<vmem>>, vector<16xf32>,
      tpu.vector_store_idx %arg15[%sub3A_507, %sub3A_501], %get3A_511 {add = true} : memref<120x128xf32, #tpu.memory_space<vmem>>[vector<16xi32>, vector<16xi32>], vector<16xf32>,
      %scan3A_512 = arith.constant 1 : i32
      %scan3A_513 = arith.addi %scan3A_495, %scan3A_512 : i32
      %mul3A_514 = arith.constant 16 : i32
      %mul3A_515 = arith.muli %scan3A_513, %mul3A_514 : i32
      %get3A_516 = arith.index_cast %mul3A_515 : i32 to index
      %get3A_517 = tpu.vector_load %arg12[%get3A_516] {strides = array<i32>} : memref<6688xi32, #tpu.memory_space<vmem>>, vector<16xi32>,
      %sub3A_518 = vector.broadcast %add3A_89 : i32 to vector<16xi32>
      %sub3A_519 = arith.subi %get3A_517, %sub3A_518 : vector<16xi32>
      %mul3A_520 = arith.constant 16 : i32
      %mul3A_521 = arith.muli %scan3A_513, %mul3A_520 : i32
      %get3A_522 = arith.index_cast %mul3A_521 : i32 to index
      %get3A_523 = tpu.vector_load %arg13[%get3A_522] {strides = array<i32>} : memref<6688xi32, #tpu.memory_space<vmem>>, vector<16xi32>,
      %sub3A_524 = vector.broadcast %add3A_89 : i32 to vector<16xi32>
      %sub3A_525 = arith.subi %get3A_523, %sub3A_524 : vector<16xi32>
      %mul3A_526 = arith.constant 16 : i32
      %mul3A_527 = arith.muli %scan3A_513, %mul3A_526 : i32
      %get3A_528 = arith.index_cast %mul3A_527 : i32 to index
      %get3A_529 = tpu.vector_load %arg14[%get3A_528] {strides = array<i32>} : memref<6688xf32, #tpu.memory_space<vmem>>, vector<16xf32>,
      tpu.vector_store_idx %arg15[%sub3A_525, %sub3A_519], %get3A_529 {add = true} : memref<120x128xf32, #tpu.memory_space<vmem>>[vector<16xi32>, vector<16xi32>], vector<16xf32>,
      %scan3A_530 = arith.constant 2 : i32
      %scan3A_531 = arith.addi %scan3A_495, %scan3A_530 : i32
      %mul3A_532 = arith.constant 16 : i32
      %mul3A_533 = arith.muli %scan3A_531, %mul3A_532 : i32
      %get3A_534 = arith.index_cast %mul3A_533 : i32 to index
      %get3A_535 = tpu.vector_load %arg12[%get3A_534] {strides = array<i32>} : memref<6688xi32, #tpu.memory_space<vmem>>, vector<16xi32>,
      %sub3A_536 = vector.broadcast %add3A_89 : i32 to vector<16xi32>
      %sub3A_537 = arith.subi %get3A_535, %sub3A_536 : vector<16xi32>
      %mul3A_538 = arith.constant 16 : i32
      %mul3A_539 = arith.muli %scan3A_531, %mul3A_538 : i32
      %get3A_540 = arith.index_cast %mul3A_539 : i32 to index
      %get3A_541 = tpu.vector_load %arg13[%get3A_540] {strides = array<i32>} : memref<6688xi32, #tpu.memory_space<vmem>>, vector<16xi32>,
      %sub3A_542 = vector.broadcast %add3A_89 : i32 to vector<16xi32>
      %sub3A_543 = arith.subi %get3A_541, %sub3A_542 : vector<16xi32>
      %mul3A_544 = arith.constant 16 : i32
      %mul3A_545 = arith.muli %scan3A_531, %mul3A_544 : i32
      %get3A_546 = arith.index_cast %mul3A_545 : i32 to index
      %get3A_547 = tpu.vector_load %arg14[%get3A_546] {strides = array<i32>} : memref<6688xf32, #tpu.memory_space<vmem>>, vector<16xf32>,
      tpu.vector_store_idx %arg15[%sub3A_543, %sub3A_537], %get3A_547 {add = true} : memref<120x128xf32, #tpu.memory_space<vmem>>[vector<16xi32>, vector<16xi32>], vector<16xf32>,
      %scan3A_548 = arith.constant 3 : i32
      %scan3A_549 = arith.addi %scan3A_495, %scan3A_548 : i32
      %mul3A_550 = arith.constant 16 : i32
      %mul3A_551 = arith.muli %scan3A_549, %mul3A_550 : i32
      %get3A_552 = arith.index_cast %mul3A_551 : i32 to index
      %get3A_553 = tpu.vector_load %arg12[%get3A_552] {strides = array<i32>} : memref<6688xi32, #tpu.memory_space<vmem>>, vector<16xi32>,
      %sub3A_554 = vector.broadcast %add3A_89 : i32 to vector<16xi32>
      %sub3A_555 = arith.subi %get3A_553, %sub3A_554 : vector<16xi32>
      %mul3A_556 = arith.constant 16 : i32
      %mul3A_557 = arith.muli %scan3A_549, %mul3A_556 : i32
      %get3A_558 = arith.index_cast %mul3A_557 : i32 to index
      %get3A_559 = tpu.vector_load %arg13[%get3A_558] {strides = array<i32>} : memref<6688xi32, #tpu.memory_space<vmem>>, vector<16xi32>,
      %sub3A_560 = vector.broadcast %add3A_89 : i32 to vector<16xi32>
      %sub3A_561 = arith.subi %get3A_559, %sub3A_560 : vector<16xi32>
      %mul3A_562 = arith.constant 16 : i32
      %mul3A_563 = arith.muli %scan3A_549, %mul3A_562 : i32
      %get3A_564 = arith.index_cast %mul3A_563 : i32 to index
      %get3A_565 = tpu.vector_load %arg14[%get3A_564] {strides = array<i32>} : memref<6688xf32, #tpu.memory_space<vmem>>, vector<16xf32>,
      tpu.vector_store_idx %arg15[%sub3A_561, %sub3A_555], %get3A_565 {add = true} : memref<120x128xf32, #tpu.memory_space<vmem>>[vector<16xi32>, vector<16xi32>], vector<16xf32>,
      %scan3A_566 = arith.constant 4 : i32
      %scan3A_567 = arith.addi %scan3A_495, %scan3A_566 : i32
      %mul3A_568 = arith.constant 16 : i32
      %mul3A_569 = arith.muli %scan3A_567, %mul3A_568 : i32
      %get3A_570 = arith.index_cast %mul3A_569 : i32 to index
      %get3A_571 = tpu.vector_load %arg12[%get3A_570] {strides = array<i32>} : memref<6688xi32, #tpu.memory_space<vmem>>, vector<16xi32>,
      %sub3A_572 = vector.broadcast %add3A_89 : i32 to vector<16xi32>
      %sub3A_573 = arith.subi %get3A_571, %sub3A_572 : vector<16xi32>
      %mul3A_574 = arith.constant 16 : i32
      %mul3A_575 = arith.muli %scan3A_567, %mul3A_574 : i32
      %get3A_576 = arith.index_cast %mul3A_575 : i32 to index
      %get3A_577 = tpu.vector_load %arg13[%get3A_576] {strides = array<i32>} : memref<6688xi32, #tpu.memory_space<vmem>>, vector<16xi32>,
      %sub3A_578 = vector.broadcast %add3A_89 : i32 to vector<16xi32>
      %sub3A_579 = arith.subi %get3A_577, %sub3A_578 : vector<16xi32>
      %mul3A_580 = arith.constant 16 : i32
      %mul3A_581 = arith.muli %scan3A_567, %mul3A_580 : i32
      %get3A_582 = arith.index_cast %mul3A_581 : i32 to index
      %get3A_583 = tpu.vector_load %arg14[%get3A_582] {strides = array<i32>} : memref<6688xf32, #tpu.memory_space<vmem>>, vector<16xf32>,
      tpu.vector_store_idx %arg15[%sub3A_579, %sub3A_573], %get3A_583 {add = true} : memref<120x128xf32, #tpu.memory_space<vmem>>[vector<16xi32>, vector<16xi32>], vector<16xf32>,
      %scan3A_584 = arith.constant 5 : i32
      %scan3A_585 = arith.addi %scan3A_495, %scan3A_584 : i32
      %mul3A_586 = arith.constant 16 : i32
      %mul3A_587 = arith.muli %scan3A_585, %mul3A_586 : i32
      %get3A_588 = arith.index_cast %mul3A_587 : i32 to index
      %get3A_589 = tpu.vector_load %arg12[%get3A_588] {strides = array<i32>} : memref<6688xi32, #tpu.memory_space<vmem>>, vector<16xi32>,
      %sub3A_590 = vector.broadcast %add3A_89 : i32 to vector<16xi32>
      %sub3A_591 = arith.subi %get3A_589, %sub3A_590 : vector<16xi32>
      %mul3A_592 = arith.constant 16 : i32
      %mul3A_593 = arith.muli %scan3A_585, %mul3A_592 : i32
      %get3A_594 = arith.index_cast %mul3A_593 : i32 to index
      %get3A_595 = tpu.vector_load %arg13[%get3A_594] {strides = array<i32>} : memref<6688xi32, #tpu.memory_space<vmem>>, vector<16xi32>,
      %sub3A_596 = vector.broadcast %add3A_89 : i32 to vector<16xi32>
      %sub3A_597 = arith.subi %get3A_595, %sub3A_596 : vector<16xi32>
      %mul3A_598 = arith.constant 16 : i32
      %mul3A_599 = arith.muli %scan3A_585, %mul3A_598 : i32
      %get3A_600 = arith.index_cast %mul3A_599 : i32 to index
      %get3A_601 = tpu.vector_load %arg14[%get3A_600] {strides = array<i32>} : memref<6688xf32, #tpu.memory_space<vmem>>, vector<16xf32>,
      tpu.vector_store_idx %arg15[%sub3A_597, %sub3A_591], %get3A_601 {add = true} : memref<120x128xf32, #tpu.memory_space<vmem>>[vector<16xi32>, vector<16xi32>], vector<16xf32>,
      %scan3A_602 = arith.constant 6 : i32
      %scan3A_603 = arith.addi %scan3A_495, %scan3A_602 : i32
      %mul3A_604 = arith.constant 16 : i32
      %mul3A_605 = arith.muli %scan3A_603, %mul3A_604 : i32
      %get3A_606 = arith.index_cast %mul3A_605 : i32 to index
      %get3A_607 = tpu.vector_load %arg12[%get3A_606] {strides = array<i32>} : memref<6688xi32, #tpu.memory_space<vmem>>, vector<16xi32>,
      %sub3A_608 = vector.broadcast %add3A_89 : i32 to vector<16xi32>
      %sub3A_609 = arith.subi %get3A_607, %sub3A_608 : vector<16xi32>
      %mul3A_610 = arith.constant 16 : i32
      %mul3A_611 = arith.muli %scan3A_603, %mul3A_610 : i32
      %get3A_612 = arith.index_cast %mul3A_611 : i32 to index
      %get3A_613 = tpu.vector_load %arg13[%get3A_612] {strides = array<i32>} : memref<6688xi32, #tpu.memory_space<vmem>>, vector<16xi32>,
      %sub3A_614 = vector.broadcast %add3A_89 : i32 to vector<16xi32>
      %sub3A_615 = arith.subi %get3A_613, %sub3A_614 : vector<16xi32>
      %mul3A_616 = arith.constant 16 : i32
      %mul3A_617 = arith.muli %scan3A_603, %mul3A_616 : i32
      %get3A_618 = arith.index_cast %mul3A_617 : i32 to index
      %get3A_619 = tpu.vector_load %arg14[%get3A_618] {strides = array<i32>} : memref<6688xf32, #tpu.memory_space<vmem>>, vector<16xf32>,
      tpu.vector_store_idx %arg15[%sub3A_615, %sub3A_609], %get3A_619 {add = true} : memref<120x128xf32, #tpu.memory_space<vmem>>[vector<16xi32>, vector<16xi32>], vector<16xf32>,
      %scan3A_620 = arith.constant 7 : i32
      %scan3A_621 = arith.addi %scan3A_495, %scan3A_620 : i32
      %mul3A_622 = arith.constant 16 : i32
      %mul3A_623 = arith.muli %scan3A_621, %mul3A_622 : i32
      %get3A_624 = arith.index_cast %mul3A_623 : i32 to index
      %get3A_625 = tpu.vector_load %arg12[%get3A_624] {strides = array<i32>} : memref<6688xi32, #tpu.memory_space<vmem>>, vector<16xi32>,
      %sub3A_626 = vector.broadcast %add3A_89 : i32 to vector<16xi32>
      %sub3A_627 = arith.subi %get3A_625, %sub3A_626 : vector<16xi32>
      %mul3A_628 = arith.constant 16 : i32
      %mul3A_629 = arith.muli %scan3A_621, %mul3A_628 : i32
      %get3A_630 = arith.index_cast %mul3A_629 : i32 to index
      %get3A_631 = tpu.vector_load %arg13[%get3A_630] {strides = array<i32>} : memref<6688xi32, #tpu.memory_space<vmem>>, vector<16xi32>,
      %sub3A_632 = vector.broadcast %add3A_89 : i32 to vector<16xi32>
      %sub3A_633 = arith.subi %get3A_631, %sub3A_632 : vector<16xi32>
      %mul3A_634 = arith.constant 16 : i32
      %mul3A_635 = arith.muli %scan3A_621, %mul3A_634 : i32
      %get3A_636 = arith.index_cast %mul3A_635 : i32 to index
      %get3A_637 = tpu.vector_load %arg14[%get3A_636] {strides = array<i32>} : memref<6688xf32, #tpu.memory_space<vmem>>, vector<16xf32>,
      tpu.vector_store_idx %arg15[%sub3A_633, %sub3A_627], %get3A_637 {add = true} : memref<120x128xf32, #tpu.memory_space<vmem>>[vector<16xi32>, vector<16xi32>], vector<16xf32>,
    }
    %scan3A_108 = arith.constant 416 : i32
    %lt3A_109 = arith.constant 4 : i32
    %lt3A_110 = vector.broadcast %lt3A_109 : i32 to vector<16xi32>
    %lt3A_111 = arith.cmpi slt, %iota3A_90, %lt3A_110 : vector<16xi32>
    %get3A_112 = arith.constant 6672 : index
    %get3A_113 = tpu.vector_load %arg12[%get3A_112] {strides = array<i32>} : memref<6688xi32, #tpu.memory_space<vmem>>, vector<16xi32>,
    %sub3A_114 = vector.broadcast %add3A_89 : i32 to vector<16xi32>
    %sub3A_115 = arith.subi %get3A_113, %sub3A_114 : vector<16xi32>
    %get3A_116 = arith.constant 6672 : index
    %get3A_117 = tpu.vector_load %arg13[%get3A_116] {strides = array<i32>} : memref<6688xi32, #tpu.memory_space<vmem>>, vector<16xi32>,
    %sub3A_118 = vector.broadcast %add3A_89 : i32 to vector<16xi32>
    %sub3A_119 = arith.subi %get3A_117, %sub3A_118 : vector<16xi32>
    %get3A_120 = arith.constant 6672 : index
    %get3A_121 = tpu.vector_load %arg14[%get3A_120] {strides = array<i32>} : memref<6688xf32, #tpu.memory_space<vmem>>, vector<16xf32>,
    tpu.vector_store_idx %arg15[%sub3A_119, %sub3A_115], %get3A_121 masked %lt3A_111 {add = true} : memref<120x128xf32, #tpu.memory_space<vmem>>[vector<16xi32>, vector<16xi32>], vector<16xf32>, vector<16xi1>
    %mul3A_122 = arith.constant 120 : i32
    %mul3A_123 = arith.muli %add3A_61, %mul3A_122 : i32
    %dma_start3A_124 = arith.constant 0 : i32
    %dma_start3A_125 = tpu.memref_slice %arg7[%mul3A_123, %dma_start3A_124] : memref<15360x128xf32, #tpu.memory_space<hbm>> -> memref<120x128xf32, #tpu.memory_space<hbm>>
    %dma_start3A_126 = arith.constant 0 : i32
    %dma_start3A_127 = tpu.memref_slice %arg7[%mul3A_123, %dma_start3A_126] : memref<15360x128xf32, #tpu.memory_space<hbm>> -> memref<120x128xf32, #tpu.memory_space<hbm>>
    tpu.enqueue_dma source(%arg15 : memref<120x128xf32, #tpu.memory_space<vmem>>) target(%dma_start3A_127 : memref<120x128xf32, #tpu.memory_space<hbm>>) target_semaphore(%arg18 : memref<!tpu.dma_semaphore, #tpu.memory_space<semaphore_mem>>)
    %add3A_128 = arith.constant 1 : i32
    %add3A_129 = arith.addi %mul3A_2, %add3A_128 : i32
    %dma_wait3A_130 = tpu.memref_slice %arg2[%add3A_77] : memref<1722368xi32, #tpu.memory_space<hbm>> -> memref<6672xi32, #tpu.memory_space<hbm>>
    %dma_wait3A_131 = tpu.memref_slice %arg2[%add3A_77] : memref<1722368xi32, #tpu.memory_space<hbm>> -> memref<6672xi32, #tpu.memory_space<hbm>>
    tpu.wait_dma2 semaphore(%arg16 : memref<!tpu.dma_semaphore, #tpu.memory_space<semaphore_mem>>) src(%dma_wait3A_131 : memref<6672xi32, #tpu.memory_space<hbm>>) dst(%arg8 : memref<6672xi32, #tpu.memory_space<vmem>>)
    %dma_wait3A_132 = tpu.memref_slice %arg3[%add3A_77] : memref<1722368xi32, #tpu.memory_space<hbm>> -> memref<6672xi32, #tpu.memory_space<hbm>>
    %dma_wait3A_133 = tpu.memref_slice %arg3[%add3A_77] : memref<1722368xi32, #tpu.memory_space<hbm>> -> memref<6672xi32, #tpu.memory_space<hbm>>
    tpu.wait_dma2 semaphore(%arg16 : memref<!tpu.dma_semaphore, #tpu.memory_space<semaphore_mem>>) src(%dma_wait3A_133 : memref<6672xi32, #tpu.memory_space<hbm>>) dst(%arg9 : memref<6672xi32, #tpu.memory_space<vmem>>)
    %dma_wait3A_134 = tpu.memref_slice %arg4[%add3A_77] : memref<1722368xf32, #tpu.memory_space<hbm>> -> memref<6672xf32, #tpu.memory_space<hbm>>
    %dma_wait3A_135 = tpu.memref_slice %arg4[%add3A_77] : memref<1722368xf32, #tpu.memory_space<hbm>> -> memref<6672xf32, #tpu.memory_space<hbm>>
    tpu.wait_dma2 semaphore(%arg16 : memref<!tpu.dma_semaphore, #tpu.memory_space<semaphore_mem>>) src(%dma_wait3A_135 : memref<6672xf32, #tpu.memory_space<hbm>>) dst(%arg10 : memref<6672xf32, #tpu.memory_space<vmem>>)
    tpu.wait_dma2 semaphore(%arg17 : memref<!tpu.dma_semaphore, #tpu.memory_space<semaphore_mem>>) src(%arg5 : memref<120x128xf32, #tpu.memory_space<hbm>>) dst(%arg11 : memref<120x128xf32, #tpu.memory_space<vmem>>)
    %dma_wait3A_136 = arith.constant 0 : i32
    %dma_wait3A_137 = tpu.memref_slice %arg7[%mul3A_123, %dma_wait3A_136] : memref<15360x128xf32, #tpu.memory_space<hbm>> -> memref<120x128xf32, #tpu.memory_space<hbm>>
    %dma_wait3A_138 = arith.constant 0 : i32
    %dma_wait3A_139 = tpu.memref_slice %arg7[%mul3A_123, %dma_wait3A_138] : memref<15360x128xf32, #tpu.memory_space<hbm>> -> memref<120x128xf32, #tpu.memory_space<hbm>>
    tpu.wait_dma2 semaphore(%arg18 : memref<!tpu.dma_semaphore, #tpu.memory_space<semaphore_mem>>) src(%arg15 : memref<120x128xf32, #tpu.memory_space<vmem>>) dst(%dma_wait3A_139 : memref<120x128xf32, #tpu.memory_space<hbm>>)
    %add3A_140 = arith.constant 1 : i32
    %add3A_141 = arith.addi %mul3A_2, %add3A_140 : i32
    %mul3A_142 = arith.constant 13456 : i32
    %mul3A_143 = arith.muli %add3A_141, %mul3A_142 : i32
    %add3A_144 = arith.constant 6664 : i32
    %add3A_145 = arith.addi %mul3A_143, %add3A_144 : i32
    %dma_start3A_146 = tpu.memref_slice %arg2[%add3A_145] : memref<1722368xi32, #tpu.memory_space<hbm>> -> memref<6688xi32, #tpu.memory_space<hbm>>
    %dma_start3A_147 = tpu.memref_slice %arg2[%add3A_145] : memref<1722368xi32, #tpu.memory_space<hbm>> -> memref<6688xi32, #tpu.memory_space<hbm>>
    tpu.enqueue_dma source(%dma_start3A_147 : memref<6688xi32, #tpu.memory_space<hbm>>) target(%arg12 : memref<6688xi32, #tpu.memory_space<vmem>>) target_semaphore(%arg16 : memref<!tpu.dma_semaphore, #tpu.memory_space<semaphore_mem>>)
    %dma_start3A_148 = tpu.memref_slice %arg3[%add3A_145] : memref<1722368xi32, #tpu.memory_space<hbm>> -> memref<6688xi32, #tpu.memory_space<hbm>>
    %dma_start3A_149 = tpu.memref_slice %arg3[%add3A_145] : memref<1722368xi32, #tpu.memory_space<hbm>> -> memref<6688xi32, #tpu.memory_space<hbm>>
    tpu.enqueue_dma source(%dma_start3A_149 : memref<6688xi32, #tpu.memory_space<hbm>>) target(%arg13 : memref<6688xi32, #tpu.memory_space<vmem>>) target_semaphore(%arg16 : memref<!tpu.dma_semaphore, #tpu.memory_space<semaphore_mem>>)
    %dma_start3A_150 = tpu.memref_slice %arg4[%add3A_145] : memref<1722368xf32, #tpu.memory_space<hbm>> -> memref<6688xf32, #tpu.memory_space<hbm>>
    %dma_start3A_151 = tpu.memref_slice %arg4[%add3A_145] : memref<1722368xf32, #tpu.memory_space<hbm>> -> memref<6688xf32, #tpu.memory_space<hbm>>
    tpu.enqueue_dma source(%dma_start3A_151 : memref<6688xf32, #tpu.memory_space<hbm>>) target(%arg14 : memref<6688xf32, #tpu.memory_space<vmem>>) target_semaphore(%arg16 : memref<!tpu.dma_semaphore, #tpu.memory_space<semaphore_mem>>)
    tpu.enqueue_dma source(%arg5 : memref<120x128xf32, #tpu.memory_space<hbm>>) target(%arg15 : memref<120x128xf32, #tpu.memory_space<vmem>>) target_semaphore(%arg17 : memref<!tpu.dma_semaphore, #tpu.memory_space<semaphore_mem>>)
    %add3A_152 = arith.constant 1 : i32
    %add3A_153 = arith.addi %mul3A_2, %add3A_152 : i32
    %mul3A_154 = arith.constant 232 : i32
    %mul3A_155 = arith.muli %add3A_153, %mul3A_154 : i32
    %add3A_156 = arith.constant 0 : i32
    %add3A_157 = arith.addi %mul3A_155, %add3A_156 : i32
    %iota3A_158 = tpu.iota {dimensions = array<i32: 0>} : vector<16xi32>
    %scan3A_159 = arith.constant 0 : i32
    %scan3A_160 = arith.constant 0 : i32
    %scan3A_161 = arith.constant 416 : i32
    %scan3A_162 = arith.addi %scan3A_160, %scan3A_161 : i32
    %scan3A_163 = arith.constant 8 : i32
    scf.for %scan3A_495 = %scan3A_160 to %scan3A_162 step %scan3A_163  : i32 {
      %mul3A_496 = arith.constant 16 : i32
      %mul3A_497 = arith.muli %scan3A_495, %mul3A_496 : i32
      %get3A_498 = arith.index_cast %mul3A_497 : i32 to index
      %get3A_499 = tpu.vector_load %arg8[%get3A_498] {strides = array<i32>} : memref<6672xi32, #tpu.memory_space<vmem>>, vector<16xi32>,
      %sub3A_500 = vector.broadcast %add3A_157 : i32 to vector<16xi32>
      %sub3A_501 = arith.subi %get3A_499, %sub3A_500 : vector<16xi32>
      %mul3A_502 = arith.constant 16 : i32
      %mul3A_503 = arith.muli %scan3A_495, %mul3A_502 : i32
      %get3A_504 = arith.index_cast %mul3A_503 : i32 to index
      %get3A_505 = tpu.vector_load %arg9[%get3A_504] {strides = array<i32>} : memref<6672xi32, #tpu.memory_space<vmem>>, vector<16xi32>,
      %sub3A_506 = vector.broadcast %add3A_157 : i32 to vector<16xi32>
      %sub3A_507 = arith.subi %get3A_505, %sub3A_506 : vector<16xi32>
      %mul3A_508 = arith.constant 16 : i32
      %mul3A_509 = arith.muli %scan3A_495, %mul3A_508 : i32
      %get3A_510 = arith.index_cast %mul3A_509 : i32 to index
      %get3A_511 = tpu.vector_load %arg10[%get3A_510] {strides = array<i32>} : memref<6672xf32, #tpu.memory_space<vmem>>, vector<16xf32>,
      tpu.vector_store_idx %arg11[%sub3A_507, %sub3A_501], %get3A_511 {add = true} : memref<120x128xf32, #tpu.memory_space<vmem>>[vector<16xi32>, vector<16xi32>], vector<16xf32>,
      %scan3A_512 = arith.constant 1 : i32
      %scan3A_513 = arith.addi %scan3A_495, %scan3A_512 : i32
      %mul3A_514 = arith.constant 16 : i32
      %mul3A_515 = arith.muli %scan3A_513, %mul3A_514 : i32
      %get3A_516 = arith.index_cast %mul3A_515 : i32 to index
      %get3A_517 = tpu.vector_load %arg8[%get3A_516] {strides = array<i32>} : memref<6672xi32, #tpu.memory_space<vmem>>, vector<16xi32>,
      %sub3A_518 = vector.broadcast %add3A_157 : i32 to vector<16xi32>
      %sub3A_519 = arith.subi %get3A_517, %sub3A_518 : vector<16xi32>
      %mul3A_520 = arith.constant 16 : i32
      %mul3A_521 = arith.muli %scan3A_513, %mul3A_520 : i32
      %get3A_522 = arith.index_cast %mul3A_521 : i32 to index
      %get3A_523 = tpu.vector_load %arg9[%get3A_522] {strides = array<i32>} : memref<6672xi32, #tpu.memory_space<vmem>>, vector<16xi32>,
      %sub3A_524 = vector.broadcast %add3A_157 : i32 to vector<16xi32>
      %sub3A_525 = arith.subi %get3A_523, %sub3A_524 : vector<16xi32>
      %mul3A_526 = arith.constant 16 : i32
      %mul3A_527 = arith.muli %scan3A_513, %mul3A_526 : i32
      %get3A_528 = arith.index_cast %mul3A_527 : i32 to index
      %get3A_529 = tpu.vector_load %arg10[%get3A_528] {strides = array<i32>} : memref<6672xf32, #tpu.memory_space<vmem>>, vector<16xf32>,
      tpu.vector_store_idx %arg11[%sub3A_525, %sub3A_519], %get3A_529 {add = true} : memref<120x128xf32, #tpu.memory_space<vmem>>[vector<16xi32>, vector<16xi32>], vector<16xf32>,
      %scan3A_530 = arith.constant 2 : i32
      %scan3A_531 = arith.addi %scan3A_495, %scan3A_530 : i32
      %mul3A_532 = arith.constant 16 : i32
      %mul3A_533 = arith.muli %scan3A_531, %mul3A_532 : i32
      %get3A_534 = arith.index_cast %mul3A_533 : i32 to index
      %get3A_535 = tpu.vector_load %arg8[%get3A_534] {strides = array<i32>} : memref<6672xi32, #tpu.memory_space<vmem>>, vector<16xi32>,
      %sub3A_536 = vector.broadcast %add3A_157 : i32 to vector<16xi32>
      %sub3A_537 = arith.subi %get3A_535, %sub3A_536 : vector<16xi32>
      %mul3A_538 = arith.constant 16 : i32
      %mul3A_539 = arith.muli %scan3A_531, %mul3A_538 : i32
      %get3A_540 = arith.index_cast %mul3A_539 : i32 to index
      %get3A_541 = tpu.vector_load %arg9[%get3A_540] {strides = array<i32>} : memref<6672xi32, #tpu.memory_space<vmem>>, vector<16xi32>,
      %sub3A_542 = vector.broadcast %add3A_157 : i32 to vector<16xi32>
      %sub3A_543 = arith.subi %get3A_541, %sub3A_542 : vector<16xi32>
      %mul3A_544 = arith.constant 16 : i32
      %mul3A_545 = arith.muli %scan3A_531, %mul3A_544 : i32
      %get3A_546 = arith.index_cast %mul3A_545 : i32 to index
      %get3A_547 = tpu.vector_load %arg10[%get3A_546] {strides = array<i32>} : memref<6672xf32, #tpu.memory_space<vmem>>, vector<16xf32>,
      tpu.vector_store_idx %arg11[%sub3A_543, %sub3A_537], %get3A_547 {add = true} : memref<120x128xf32, #tpu.memory_space<vmem>>[vector<16xi32>, vector<16xi32>], vector<16xf32>,
      %scan3A_548 = arith.constant 3 : i32
      %scan3A_549 = arith.addi %scan3A_495, %scan3A_548 : i32
      %mul3A_550 = arith.constant 16 : i32
      %mul3A_551 = arith.muli %scan3A_549, %mul3A_550 : i32
      %get3A_552 = arith.index_cast %mul3A_551 : i32 to index
      %get3A_553 = tpu.vector_load %arg8[%get3A_552] {strides = array<i32>} : memref<6672xi32, #tpu.memory_space<vmem>>, vector<16xi32>,
      %sub3A_554 = vector.broadcast %add3A_157 : i32 to vector<16xi32>
      %sub3A_555 = arith.subi %get3A_553, %sub3A_554 : vector<16xi32>
      %mul3A_556 = arith.constant 16 : i32
      %mul3A_557 = arith.muli %scan3A_549, %mul3A_556 : i32
      %get3A_558 = arith.index_cast %mul3A_557 : i32 to index
      %get3A_559 = tpu.vector_load %arg9[%get3A_558] {strides = array<i32>} : memref<6672xi32, #tpu.memory_space<vmem>>, vector<16xi32>,
      %sub3A_560 = vector.broadcast %add3A_157 : i32 to vector<16xi32>
      %sub3A_561 = arith.subi %get3A_559, %sub3A_560 : vector<16xi32>
      %mul3A_562 = arith.constant 16 : i32
      %mul3A_563 = arith.muli %scan3A_549, %mul3A_562 : i32
      %get3A_564 = arith.index_cast %mul3A_563 : i32 to index
      %get3A_565 = tpu.vector_load %arg10[%get3A_564] {strides = array<i32>} : memref<6672xf32, #tpu.memory_space<vmem>>, vector<16xf32>,
      tpu.vector_store_idx %arg11[%sub3A_561, %sub3A_555], %get3A_565 {add = true} : memref<120x128xf32, #tpu.memory_space<vmem>>[vector<16xi32>, vector<16xi32>], vector<16xf32>,
      %scan3A_566 = arith.constant 4 : i32
      %scan3A_567 = arith.addi %scan3A_495, %scan3A_566 : i32
      %mul3A_568 = arith.constant 16 : i32
      %mul3A_569 = arith.muli %scan3A_567, %mul3A_568 : i32
      %get3A_570 = arith.index_cast %mul3A_569 : i32 to index
      %get3A_571 = tpu.vector_load %arg8[%get3A_570] {strides = array<i32>} : memref<6672xi32, #tpu.memory_space<vmem>>, vector<16xi32>,
      %sub3A_572 = vector.broadcast %add3A_157 : i32 to vector<16xi32>
      %sub3A_573 = arith.subi %get3A_571, %sub3A_572 : vector<16xi32>
      %mul3A_574 = arith.constant 16 : i32
      %mul3A_575 = arith.muli %scan3A_567, %mul3A_574 : i32
      %get3A_576 = arith.index_cast %mul3A_575 : i32 to index
      %get3A_577 = tpu.vector_load %arg9[%get3A_576] {strides = array<i32>} : memref<6672xi32, #tpu.memory_space<vmem>>, vector<16xi32>,
      %sub3A_578 = vector.broadcast %add3A_157 : i32 to vector<16xi32>
      %sub3A_579 = arith.subi %get3A_577, %sub3A_578 : vector<16xi32>
      %mul3A_580 = arith.constant 16 : i32
      %mul3A_581 = arith.muli %scan3A_567, %mul3A_580 : i32
      %get3A_582 = arith.index_cast %mul3A_581 : i32 to index
      %get3A_583 = tpu.vector_load %arg10[%get3A_582] {strides = array<i32>} : memref<6672xf32, #tpu.memory_space<vmem>>, vector<16xf32>,
      tpu.vector_store_idx %arg11[%sub3A_579, %sub3A_573], %get3A_583 {add = true} : memref<120x128xf32, #tpu.memory_space<vmem>>[vector<16xi32>, vector<16xi32>], vector<16xf32>,
      %scan3A_584 = arith.constant 5 : i32
      %scan3A_585 = arith.addi %scan3A_495, %scan3A_584 : i32
      %mul3A_586 = arith.constant 16 : i32
      %mul3A_587 = arith.muli %scan3A_585, %mul3A_586 : i32
      %get3A_588 = arith.index_cast %mul3A_587 : i32 to index
      %get3A_589 = tpu.vector_load %arg8[%get3A_588] {strides = array<i32>} : memref<6672xi32, #tpu.memory_space<vmem>>, vector<16xi32>,
      %sub3A_590 = vector.broadcast %add3A_157 : i32 to vector<16xi32>
      %sub3A_591 = arith.subi %get3A_589, %sub3A_590 : vector<16xi32>
      %mul3A_592 = arith.constant 16 : i32
      %mul3A_593 = arith.muli %scan3A_585, %mul3A_592 : i32
      %get3A_594 = arith.index_cast %mul3A_593 : i32 to index
      %get3A_595 = tpu.vector_load %arg9[%get3A_594] {strides = array<i32>} : memref<6672xi32, #tpu.memory_space<vmem>>, vector<16xi32>,
      %sub3A_596 = vector.broadcast %add3A_157 : i32 to vector<16xi32>
      %sub3A_597 = arith.subi %get3A_595, %sub3A_596 : vector<16xi32>
      %mul3A_598 = arith.constant 16 : i32
      %mul3A_599 = arith.muli %scan3A_585, %mul3A_598 : i32
      %get3A_600 = arith.index_cast %mul3A_599 : i32 to index
      %get3A_601 = tpu.vector_load %arg10[%get3A_600] {strides = array<i32>} : memref<6672xf32, #tpu.memory_space<vmem>>, vector<16xf32>,
      tpu.vector_store_idx %arg11[%sub3A_597, %sub3A_591], %get3A_601 {add = true} : memref<120x128xf32, #tpu.memory_space<vmem>>[vector<16xi32>, vector<16xi32>], vector<16xf32>,
      %scan3A_602 = arith.constant 6 : i32
      %scan3A_603 = arith.addi %scan3A_495, %scan3A_602 : i32
      %mul3A_604 = arith.constant 16 : i32
      %mul3A_605 = arith.muli %scan3A_603, %mul3A_604 : i32
      %get3A_606 = arith.index_cast %mul3A_605 : i32 to index
      %get3A_607 = tpu.vector_load %arg8[%get3A_606] {strides = array<i32>} : memref<6672xi32, #tpu.memory_space<vmem>>, vector<16xi32>,
      %sub3A_608 = vector.broadcast %add3A_157 : i32 to vector<16xi32>
      %sub3A_609 = arith.subi %get3A_607, %sub3A_608 : vector<16xi32>
      %mul3A_610 = arith.constant 16 : i32
      %mul3A_611 = arith.muli %scan3A_603, %mul3A_610 : i32
      %get3A_612 = arith.index_cast %mul3A_611 : i32 to index
      %get3A_613 = tpu.vector_load %arg9[%get3A_612] {strides = array<i32>} : memref<6672xi32, #tpu.memory_space<vmem>>, vector<16xi32>,
      %sub3A_614 = vector.broadcast %add3A_157 : i32 to vector<16xi32>
      %sub3A_615 = arith.subi %get3A_613, %sub3A_614 : vector<16xi32>
      %mul3A_616 = arith.constant 16 : i32
      %mul3A_617 = arith.muli %scan3A_603, %mul3A_616 : i32
      %get3A_618 = arith.index_cast %mul3A_617 : i32 to index
      %get3A_619 = tpu.vector_load %arg10[%get3A_618] {strides = array<i32>} : memref<6672xf32, #tpu.memory_space<vmem>>, vector<16xf32>,
      tpu.vector_store_idx %arg11[%sub3A_615, %sub3A_609], %get3A_619 {add = true} : memref<120x128xf32, #tpu.memory_space<vmem>>[vector<16xi32>, vector<16xi32>], vector<16xf32>,
      %scan3A_620 = arith.constant 7 : i32
      %scan3A_621 = arith.addi %scan3A_495, %scan3A_620 : i32
      %mul3A_622 = arith.constant 16 : i32
      %mul3A_623 = arith.muli %scan3A_621, %mul3A_622 : i32
      %get3A_624 = arith.index_cast %mul3A_623 : i32 to index
      %get3A_625 = tpu.vector_load %arg8[%get3A_624] {strides = array<i32>} : memref<6672xi32, #tpu.memory_space<vmem>>, vector<16xi32>,
      %sub3A_626 = vector.broadcast %add3A_157 : i32 to vector<16xi32>
      %sub3A_627 = arith.subi %get3A_625, %sub3A_626 : vector<16xi32>
      %mul3A_628 = arith.constant 16 : i32
      %mul3A_629 = arith.muli %scan3A_621, %mul3A_628 : i32
      %get3A_630 = arith.index_cast %mul3A_629 : i32 to index
      %get3A_631 = tpu.vector_load %arg9[%get3A_630] {strides = array<i32>} : memref<6672xi32, #tpu.memory_space<vmem>>, vector<16xi32>,
      %sub3A_632 = vector.broadcast %add3A_157 : i32 to vector<16xi32>
      %sub3A_633 = arith.subi %get3A_631, %sub3A_632 : vector<16xi32>
      %mul3A_634 = arith.constant 16 : i32
      %mul3A_635 = arith.muli %scan3A_621, %mul3A_634 : i32
      %get3A_636 = arith.index_cast %mul3A_635 : i32 to index
      %get3A_637 = tpu.vector_load %arg10[%get3A_636] {strides = array<i32>} : memref<6672xf32, #tpu.memory_space<vmem>>, vector<16xf32>,
      tpu.vector_store_idx %arg11[%sub3A_633, %sub3A_627], %get3A_637 {add = true} : memref<120x128xf32, #tpu.memory_space<vmem>>[vector<16xi32>, vector<16xi32>], vector<16xf32>,
    }
    %scan3A_164 = arith.constant 416 : i32
    %lt3A_165 = arith.constant 14 : i32
    %lt3A_166 = vector.broadcast %lt3A_165 : i32 to vector<16xi32>
    %lt3A_167 = arith.cmpi slt, %iota3A_158, %lt3A_166 : vector<16xi32>
    %get3A_168 = arith.constant 6656 : index
    %get3A_169 = tpu.vector_load %arg8[%get3A_168] {strides = array<i32>} : memref<6672xi32, #tpu.memory_space<vmem>>, vector<16xi32>,
    %sub3A_170 = vector.broadcast %add3A_157 : i32 to vector<16xi32>
    %sub3A_171 = arith.subi %get3A_169, %sub3A_170 : vector<16xi32>
    %get3A_172 = arith.constant 6656 : index
    %get3A_173 = tpu.vector_load %arg9[%get3A_172] {strides = array<i32>} : memref<6672xi32, #tpu.memory_space<vmem>>, vector<16xi32>,
    %sub3A_174 = vector.broadcast %add3A_157 : i32 to vector<16xi32>
    %sub3A_175 = arith.subi %get3A_173, %sub3A_174 : vector<16xi32>
    %get3A_176 = arith.constant 6656 : index
    %get3A_177 = tpu.vector_load %arg10[%get3A_176] {strides = array<i32>} : memref<6672xf32, #tpu.memory_space<vmem>>, vector<16xf32>,
    tpu.vector_store_idx %arg11[%sub3A_175, %sub3A_171], %get3A_177 masked %lt3A_167 {add = true} : memref<120x128xf32, #tpu.memory_space<vmem>>[vector<16xi32>, vector<16xi32>], vector<16xf32>, vector<16xi1>
    %mul3A_178 = arith.constant 120 : i32
    %mul3A_179 = arith.muli %add3A_129, %mul3A_178 : i32
    %dma_start3A_180 = arith.constant 0 : i32
    %dma_start3A_181 = tpu.memref_slice %arg6[%mul3A_179, %dma_start3A_180] : memref<15360x128xf32, #tpu.memory_space<hbm>> -> memref<120x128xf32, #tpu.memory_space<hbm>>
    %dma_start3A_182 = arith.constant 0 : i32
    %dma_start3A_183 = tpu.memref_slice %arg6[%mul3A_179, %dma_start3A_182] : memref<15360x128xf32, #tpu.memory_space<hbm>> -> memref<120x128xf32, #tpu.memory_space<hbm>>
    tpu.enqueue_dma source(%arg11 : memref<120x128xf32, #tpu.memory_space<vmem>>) target(%dma_start3A_183 : memref<120x128xf32, #tpu.memory_space<hbm>>) target_semaphore(%arg18 : memref<!tpu.dma_semaphore, #tpu.memory_space<semaphore_mem>>)
    %add3A_184 = arith.constant 1 : i32
    %add3A_185 = arith.addi %mul3A_2, %add3A_184 : i32
    %dma_wait3A_186 = tpu.memref_slice %arg2[%add3A_145] : memref<1722368xi32, #tpu.memory_space<hbm>> -> memref<6688xi32, #tpu.memory_space<hbm>>
    %dma_wait3A_187 = tpu.memref_slice %arg2[%add3A_145] : memref<1722368xi32, #tpu.memory_space<hbm>> -> memref<6688xi32, #tpu.memory_space<hbm>>
    tpu.wait_dma2 semaphore(%arg16 : memref<!tpu.dma_semaphore, #tpu.memory_space<semaphore_mem>>) src(%dma_wait3A_187 : memref<6688xi32, #tpu.memory_space<hbm>>) dst(%arg12 : memref<6688xi32, #tpu.memory_space<vmem>>)
    %dma_wait3A_188 = tpu.memref_slice %arg3[%add3A_145] : memref<1722368xi32, #tpu.memory_space<hbm>> -> memref<6688xi32, #tpu.memory_space<hbm>>
    %dma_wait3A_189 = tpu.memref_slice %arg3[%add3A_145] : memref<1722368xi32, #tpu.memory_space<hbm>> -> memref<6688xi32, #tpu.memory_space<hbm>>
    tpu.wait_dma2 semaphore(%arg16 : memref<!tpu.dma_semaphore, #tpu.memory_space<semaphore_mem>>) src(%dma_wait3A_189 : memref<6688xi32, #tpu.memory_space<hbm>>) dst(%arg13 : memref<6688xi32, #tpu.memory_space<vmem>>)
    %dma_wait3A_190 = tpu.memref_slice %arg4[%add3A_145] : memref<1722368xf32, #tpu.memory_space<hbm>> -> memref<6688xf32, #tpu.memory_space<hbm>>
    %dma_wait3A_191 = tpu.memref_slice %arg4[%add3A_145] : memref<1722368xf32, #tpu.memory_space<hbm>> -> memref<6688xf32, #tpu.memory_space<hbm>>
    tpu.wait_dma2 semaphore(%arg16 : memref<!tpu.dma_semaphore, #tpu.memory_space<semaphore_mem>>) src(%dma_wait3A_191 : memref<6688xf32, #tpu.memory_space<hbm>>) dst(%arg14 : memref<6688xf32, #tpu.memory_space<vmem>>)
    tpu.wait_dma2 semaphore(%arg17 : memref<!tpu.dma_semaphore, #tpu.memory_space<semaphore_mem>>) src(%arg5 : memref<120x128xf32, #tpu.memory_space<hbm>>) dst(%arg15 : memref<120x128xf32, #tpu.memory_space<vmem>>)
    %dma_wait3A_192 = arith.constant 0 : i32
    %dma_wait3A_193 = tpu.memref_slice %arg6[%mul3A_179, %dma_wait3A_192] : memref<15360x128xf32, #tpu.memory_space<hbm>> -> memref<120x128xf32, #tpu.memory_space<hbm>>
    %dma_wait3A_194 = arith.constant 0 : i32
    %dma_wait3A_195 = tpu.memref_slice %arg6[%mul3A_179, %dma_wait3A_194] : memref<15360x128xf32, #tpu.memory_space<hbm>> -> memref<120x128xf32, #tpu.memory_space<hbm>>
    tpu.wait_dma2 semaphore(%arg18 : memref<!tpu.dma_semaphore, #tpu.memory_space<semaphore_mem>>) src(%arg11 : memref<120x128xf32, #tpu.memory_space<vmem>>) dst(%dma_wait3A_195 : memref<120x128xf32, #tpu.memory_space<hbm>>)
    %add3A_196 = arith.constant 2 : i32
    %add3A_197 = arith.addi %mul3A_2, %add3A_196 : i32
    %mul3A_198 = arith.constant 13456 : i32
    %mul3A_199 = arith.muli %add3A_197, %mul3A_198 : i32
    %add3A_200 = arith.constant 0 : i32
    %add3A_201 = arith.addi %mul3A_199, %add3A_200 : i32
    %dma_start3A_202 = tpu.memref_slice %arg2[%add3A_201] : memref<1722368xi32, #tpu.memory_space<hbm>> -> memref<6672xi32, #tpu.memory_space<hbm>>
    %dma_start3A_203 = tpu.memref_slice %arg2[%add3A_201] : memref<1722368xi32, #tpu.memory_space<hbm>> -> memref<6672xi32, #tpu.memory_space<hbm>>
    tpu.enqueue_dma source(%dma_start3A_203 : memref<6672xi32, #tpu.memory_space<hbm>>) target(%arg8 : memref<6672xi32, #tpu.memory_space<vmem>>) target_semaphore(%arg16 : memref<!tpu.dma_semaphore, #tpu.memory_space<semaphore_mem>>)
    %dma_start3A_204 = tpu.memref_slice %arg3[%add3A_201] : memref<1722368xi32, #tpu.memory_space<hbm>> -> memref<6672xi32, #tpu.memory_space<hbm>>
    %dma_start3A_205 = tpu.memref_slice %arg3[%add3A_201] : memref<1722368xi32, #tpu.memory_space<hbm>> -> memref<6672xi32, #tpu.memory_space<hbm>>
    tpu.enqueue_dma source(%dma_start3A_205 : memref<6672xi32, #tpu.memory_space<hbm>>) target(%arg9 : memref<6672xi32, #tpu.memory_space<vmem>>) target_semaphore(%arg16 : memref<!tpu.dma_semaphore, #tpu.memory_space<semaphore_mem>>)
    %dma_start3A_206 = tpu.memref_slice %arg4[%add3A_201] : memref<1722368xf32, #tpu.memory_space<hbm>> -> memref<6672xf32, #tpu.memory_space<hbm>>
    %dma_start3A_207 = tpu.memref_slice %arg4[%add3A_201] : memref<1722368xf32, #tpu.memory_space<hbm>> -> memref<6672xf32, #tpu.memory_space<hbm>>
    tpu.enqueue_dma source(%dma_start3A_207 : memref<6672xf32, #tpu.memory_space<hbm>>) target(%arg10 : memref<6672xf32, #tpu.memory_space<vmem>>) target_semaphore(%arg16 : memref<!tpu.dma_semaphore, #tpu.memory_space<semaphore_mem>>)
    tpu.enqueue_dma source(%arg5 : memref<120x128xf32, #tpu.memory_space<hbm>>) target(%arg11 : memref<120x128xf32, #tpu.memory_space<vmem>>) target_semaphore(%arg17 : memref<!tpu.dma_semaphore, #tpu.memory_space<semaphore_mem>>)
    %add3A_208 = arith.constant 1 : i32
    %add3A_209 = arith.addi %mul3A_2, %add3A_208 : i32
    %mul3A_210 = arith.constant 232 : i32
    %mul3A_211 = arith.muli %add3A_209, %mul3A_210 : i32
    %add3A_212 = arith.constant 116 : i32
    %add3A_213 = arith.addi %mul3A_211, %add3A_212 : i32
    %iota3A_214 = tpu.iota {dimensions = array<i32: 0>} : vector<16xi32>
    %ge3A_215 = arith.constant 6 : i32
    %ge3A_216 = vector.broadcast %ge3A_215 : i32 to vector<16xi32>
    %ge3A_217 = arith.cmpi sge, %iota3A_214, %ge3A_216 : vector<16xi32>
    %get3A_218 = arith.constant 0 : index
    %get3A_219 = tpu.vector_load %arg12[%get3A_218] {strides = array<i32>} : memref<6688xi32, #tpu.memory_space<vmem>>, vector<16xi32>,
    %sub3A_220 = vector.broadcast %add3A_213 : i32 to vector<16xi32>
    %sub3A_221 = arith.subi %get3A_219, %sub3A_220 : vector<16xi32>
    %get3A_222 = arith.constant 0 : index
    %get3A_223 = tpu.vector_load %arg13[%get3A_222] {strides = array<i32>} : memref<6688xi32, #tpu.memory_space<vmem>>, vector<16xi32>,
    %sub3A_224 = vector.broadcast %add3A_213 : i32 to vector<16xi32>
    %sub3A_225 = arith.subi %get3A_223, %sub3A_224 : vector<16xi32>
    %get3A_226 = arith.constant 0 : index
    %get3A_227 = tpu.vector_load %arg14[%get3A_226] {strides = array<i32>} : memref<6688xf32, #tpu.memory_space<vmem>>, vector<16xf32>,
    tpu.vector_store_idx %arg15[%sub3A_225, %sub3A_221], %get3A_227 masked %ge3A_217 {add = true} : memref<120x128xf32, #tpu.memory_space<vmem>>[vector<16xi32>, vector<16xi32>], vector<16xf32>, vector<16xi1>
    %scan3A_228 = arith.constant 0 : i32
    %scan3A_229 = arith.constant 1 : i32
    %scan3A_230 = arith.constant 416 : i32
    %scan3A_231 = arith.addi %scan3A_229, %scan3A_230 : i32
    %scan3A_232 = arith.constant 8 : i32
    scf.for %scan3A_495 = %scan3A_229 to %scan3A_231 step %scan3A_232  : i32 {
      %mul3A_496 = arith.constant 16 : i32
      %mul3A_497 = arith.muli %scan3A_495, %mul3A_496 : i32
      %get3A_498 = arith.index_cast %mul3A_497 : i32 to index
      %get3A_499 = tpu.vector_load %arg12[%get3A_498] {strides = array<i32>} : memref<6688xi32, #tpu.memory_space<vmem>>, vector<16xi32>,
      %sub3A_500 = vector.broadcast %add3A_213 : i32 to vector<16xi32>
      %sub3A_501 = arith.subi %get3A_499, %sub3A_500 : vector<16xi32>
      %mul3A_502 = arith.constant 16 : i32
      %mul3A_503 = arith.muli %scan3A_495, %mul3A_502 : i32
      %get3A_504 = arith.index_cast %mul3A_503 : i32 to index
      %get3A_505 = tpu.vector_load %arg13[%get3A_504] {strides = array<i32>} : memref<6688xi32, #tpu.memory_space<vmem>>, vector<16xi32>,
      %sub3A_506 = vector.broadcast %add3A_213 : i32 to vector<16xi32>
      %sub3A_507 = arith.subi %get3A_505, %sub3A_506 : vector<16xi32>
      %mul3A_508 = arith.constant 16 : i32
      %mul3A_509 = arith.muli %scan3A_495, %mul3A_508 : i32
      %get3A_510 = arith.index_cast %mul3A_509 : i32 to index
      %get3A_511 = tpu.vector_load %arg14[%get3A_510] {strides = array<i32>} : memref<6688xf32, #tpu.memory_space<vmem>>, vector<16xf32>,
      tpu.vector_store_idx %arg15[%sub3A_507, %sub3A_501], %get3A_511 {add = true} : memref<120x128xf32, #tpu.memory_space<vmem>>[vector<16xi32>, vector<16xi32>], vector<16xf32>,
      %scan3A_512 = arith.constant 1 : i32
      %scan3A_513 = arith.addi %scan3A_495, %scan3A_512 : i32
      %mul3A_514 = arith.constant 16 : i32
      %mul3A_515 = arith.muli %scan3A_513, %mul3A_514 : i32
      %get3A_516 = arith.index_cast %mul3A_515 : i32 to index
      %get3A_517 = tpu.vector_load %arg12[%get3A_516] {strides = array<i32>} : memref<6688xi32, #tpu.memory_space<vmem>>, vector<16xi32>,
      %sub3A_518 = vector.broadcast %add3A_213 : i32 to vector<16xi32>
      %sub3A_519 = arith.subi %get3A_517, %sub3A_518 : vector<16xi32>
      %mul3A_520 = arith.constant 16 : i32
      %mul3A_521 = arith.muli %scan3A_513, %mul3A_520 : i32
      %get3A_522 = arith.index_cast %mul3A_521 : i32 to index
      %get3A_523 = tpu.vector_load %arg13[%get3A_522] {strides = array<i32>} : memref<6688xi32, #tpu.memory_space<vmem>>, vector<16xi32>,
      %sub3A_524 = vector.broadcast %add3A_213 : i32 to vector<16xi32>
      %sub3A_525 = arith.subi %get3A_523, %sub3A_524 : vector<16xi32>
      %mul3A_526 = arith.constant 16 : i32
      %mul3A_527 = arith.muli %scan3A_513, %mul3A_526 : i32
      %get3A_528 = arith.index_cast %mul3A_527 : i32 to index
      %get3A_529 = tpu.vector_load %arg14[%get3A_528] {strides = array<i32>} : memref<6688xf32, #tpu.memory_space<vmem>>, vector<16xf32>,
      tpu.vector_store_idx %arg15[%sub3A_525, %sub3A_519], %get3A_529 {add = true} : memref<120x128xf32, #tpu.memory_space<vmem>>[vector<16xi32>, vector<16xi32>], vector<16xf32>,
      %scan3A_530 = arith.constant 2 : i32
      %scan3A_531 = arith.addi %scan3A_495, %scan3A_530 : i32
      %mul3A_532 = arith.constant 16 : i32
      %mul3A_533 = arith.muli %scan3A_531, %mul3A_532 : i32
      %get3A_534 = arith.index_cast %mul3A_533 : i32 to index
      %get3A_535 = tpu.vector_load %arg12[%get3A_534] {strides = array<i32>} : memref<6688xi32, #tpu.memory_space<vmem>>, vector<16xi32>,
      %sub3A_536 = vector.broadcast %add3A_213 : i32 to vector<16xi32>
      %sub3A_537 = arith.subi %get3A_535, %sub3A_536 : vector<16xi32>
      %mul3A_538 = arith.constant 16 : i32
      %mul3A_539 = arith.muli %scan3A_531, %mul3A_538 : i32
      %get3A_540 = arith.index_cast %mul3A_539 : i32 to index
      %get3A_541 = tpu.vector_load %arg13[%get3A_540] {strides = array<i32>} : memref<6688xi32, #tpu.memory_space<vmem>>, vector<16xi32>,
      %sub3A_542 = vector.broadcast %add3A_213 : i32 to vector<16xi32>
      %sub3A_543 = arith.subi %get3A_541, %sub3A_542 : vector<16xi32>
      %mul3A_544 = arith.constant 16 : i32
      %mul3A_545 = arith.muli %scan3A_531, %mul3A_544 : i32
      %get3A_546 = arith.index_cast %mul3A_545 : i32 to index
      %get3A_547 = tpu.vector_load %arg14[%get3A_546] {strides = array<i32>} : memref<6688xf32, #tpu.memory_space<vmem>>, vector<16xf32>,
      tpu.vector_store_idx %arg15[%sub3A_543, %sub3A_537], %get3A_547 {add = true} : memref<120x128xf32, #tpu.memory_space<vmem>>[vector<16xi32>, vector<16xi32>], vector<16xf32>,
      %scan3A_548 = arith.constant 3 : i32
      %scan3A_549 = arith.addi %scan3A_495, %scan3A_548 : i32
      %mul3A_550 = arith.constant 16 : i32
      %mul3A_551 = arith.muli %scan3A_549, %mul3A_550 : i32
      %get3A_552 = arith.index_cast %mul3A_551 : i32 to index
      %get3A_553 = tpu.vector_load %arg12[%get3A_552] {strides = array<i32>} : memref<6688xi32, #tpu.memory_space<vmem>>, vector<16xi32>,
      %sub3A_554 = vector.broadcast %add3A_213 : i32 to vector<16xi32>
      %sub3A_555 = arith.subi %get3A_553, %sub3A_554 : vector<16xi32>
      %mul3A_556 = arith.constant 16 : i32
      %mul3A_557 = arith.muli %scan3A_549, %mul3A_556 : i32
      %get3A_558 = arith.index_cast %mul3A_557 : i32 to index
      %get3A_559 = tpu.vector_load %arg13[%get3A_558] {strides = array<i32>} : memref<6688xi32, #tpu.memory_space<vmem>>, vector<16xi32>,
      %sub3A_560 = vector.broadcast %add3A_213 : i32 to vector<16xi32>
      %sub3A_561 = arith.subi %get3A_559, %sub3A_560 : vector<16xi32>
      %mul3A_562 = arith.constant 16 : i32
      %mul3A_563 = arith.muli %scan3A_549, %mul3A_562 : i32
      %get3A_564 = arith.index_cast %mul3A_563 : i32 to index
      %get3A_565 = tpu.vector_load %arg14[%get3A_564] {strides = array<i32>} : memref<6688xf32, #tpu.memory_space<vmem>>, vector<16xf32>,
      tpu.vector_store_idx %arg15[%sub3A_561, %sub3A_555], %get3A_565 {add = true} : memref<120x128xf32, #tpu.memory_space<vmem>>[vector<16xi32>, vector<16xi32>], vector<16xf32>,
      %scan3A_566 = arith.constant 4 : i32
      %scan3A_567 = arith.addi %scan3A_495, %scan3A_566 : i32
      %mul3A_568 = arith.constant 16 : i32
      %mul3A_569 = arith.muli %scan3A_567, %mul3A_568 : i32
      %get3A_570 = arith.index_cast %mul3A_569 : i32 to index
      %get3A_571 = tpu.vector_load %arg12[%get3A_570] {strides = array<i32>} : memref<6688xi32, #tpu.memory_space<vmem>>, vector<16xi32>,
      %sub3A_572 = vector.broadcast %add3A_213 : i32 to vector<16xi32>
      %sub3A_573 = arith.subi %get3A_571, %sub3A_572 : vector<16xi32>
      %mul3A_574 = arith.constant 16 : i32
      %mul3A_575 = arith.muli %scan3A_567, %mul3A_574 : i32
      %get3A_576 = arith.index_cast %mul3A_575 : i32 to index
      %get3A_577 = tpu.vector_load %arg13[%get3A_576] {strides = array<i32>} : memref<6688xi32, #tpu.memory_space<vmem>>, vector<16xi32>,
      %sub3A_578 = vector.broadcast %add3A_213 : i32 to vector<16xi32>
      %sub3A_579 = arith.subi %get3A_577, %sub3A_578 : vector<16xi32>
      %mul3A_580 = arith.constant 16 : i32
      %mul3A_581 = arith.muli %scan3A_567, %mul3A_580 : i32
      %get3A_582 = arith.index_cast %mul3A_581 : i32 to index
      %get3A_583 = tpu.vector_load %arg14[%get3A_582] {strides = array<i32>} : memref<6688xf32, #tpu.memory_space<vmem>>, vector<16xf32>,
      tpu.vector_store_idx %arg15[%sub3A_579, %sub3A_573], %get3A_583 {add = true} : memref<120x128xf32, #tpu.memory_space<vmem>>[vector<16xi32>, vector<16xi32>], vector<16xf32>,
      %scan3A_584 = arith.constant 5 : i32
      %scan3A_585 = arith.addi %scan3A_495, %scan3A_584 : i32
      %mul3A_586 = arith.constant 16 : i32
      %mul3A_587 = arith.muli %scan3A_585, %mul3A_586 : i32
      %get3A_588 = arith.index_cast %mul3A_587 : i32 to index
      %get3A_589 = tpu.vector_load %arg12[%get3A_588] {strides = array<i32>} : memref<6688xi32, #tpu.memory_space<vmem>>, vector<16xi32>,
      %sub3A_590 = vector.broadcast %add3A_213 : i32 to vector<16xi32>
      %sub3A_591 = arith.subi %get3A_589, %sub3A_590 : vector<16xi32>
      %mul3A_592 = arith.constant 16 : i32
      %mul3A_593 = arith.muli %scan3A_585, %mul3A_592 : i32
      %get3A_594 = arith.index_cast %mul3A_593 : i32 to index
      %get3A_595 = tpu.vector_load %arg13[%get3A_594] {strides = array<i32>} : memref<6688xi32, #tpu.memory_space<vmem>>, vector<16xi32>,
      %sub3A_596 = vector.broadcast %add3A_213 : i32 to vector<16xi32>
      %sub3A_597 = arith.subi %get3A_595, %sub3A_596 : vector<16xi32>
      %mul3A_598 = arith.constant 16 : i32
      %mul3A_599 = arith.muli %scan3A_585, %mul3A_598 : i32
      %get3A_600 = arith.index_cast %mul3A_599 : i32 to index
      %get3A_601 = tpu.vector_load %arg14[%get3A_600] {strides = array<i32>} : memref<6688xf32, #tpu.memory_space<vmem>>, vector<16xf32>,
      tpu.vector_store_idx %arg15[%sub3A_597, %sub3A_591], %get3A_601 {add = true} : memref<120x128xf32, #tpu.memory_space<vmem>>[vector<16xi32>, vector<16xi32>], vector<16xf32>,
      %scan3A_602 = arith.constant 6 : i32
      %scan3A_603 = arith.addi %scan3A_495, %scan3A_602 : i32
      %mul3A_604 = arith.constant 16 : i32
      %mul3A_605 = arith.muli %scan3A_603, %mul3A_604 : i32
      %get3A_606 = arith.index_cast %mul3A_605 : i32 to index
      %get3A_607 = tpu.vector_load %arg12[%get3A_606] {strides = array<i32>} : memref<6688xi32, #tpu.memory_space<vmem>>, vector<16xi32>,
      %sub3A_608 = vector.broadcast %add3A_213 : i32 to vector<16xi32>
      %sub3A_609 = arith.subi %get3A_607, %sub3A_608 : vector<16xi32>
      %mul3A_610 = arith.constant 16 : i32
      %mul3A_611 = arith.muli %scan3A_603, %mul3A_610 : i32
      %get3A_612 = arith.index_cast %mul3A_611 : i32 to index
      %get3A_613 = tpu.vector_load %arg13[%get3A_612] {strides = array<i32>} : memref<6688xi32, #tpu.memory_space<vmem>>, vector<16xi32>,
      %sub3A_614 = vector.broadcast %add3A_213 : i32 to vector<16xi32>
      %sub3A_615 = arith.subi %get3A_613, %sub3A_614 : vector<16xi32>
      %mul3A_616 = arith.constant 16 : i32
      %mul3A_617 = arith.muli %scan3A_603, %mul3A_616 : i32
      %get3A_618 = arith.index_cast %mul3A_617 : i32 to index
      %get3A_619 = tpu.vector_load %arg14[%get3A_618] {strides = array<i32>} : memref<6688xf32, #tpu.memory_space<vmem>>, vector<16xf32>,
      tpu.vector_store_idx %arg15[%sub3A_615, %sub3A_609], %get3A_619 {add = true} : memref<120x128xf32, #tpu.memory_space<vmem>>[vector<16xi32>, vector<16xi32>], vector<16xf32>,
      %scan3A_620 = arith.constant 7 : i32
      %scan3A_621 = arith.addi %scan3A_495, %scan3A_620 : i32
      %mul3A_622 = arith.constant 16 : i32
      %mul3A_623 = arith.muli %scan3A_621, %mul3A_622 : i32
      %get3A_624 = arith.index_cast %mul3A_623 : i32 to index
      %get3A_625 = tpu.vector_load %arg12[%get3A_624] {strides = array<i32>} : memref<6688xi32, #tpu.memory_space<vmem>>, vector<16xi32>,
      %sub3A_626 = vector.broadcast %add3A_213 : i32 to vector<16xi32>
      %sub3A_627 = arith.subi %get3A_625, %sub3A_626 : vector<16xi32>
      %mul3A_628 = arith.constant 16 : i32
      %mul3A_629 = arith.muli %scan3A_621, %mul3A_628 : i32
      %get3A_630 = arith.index_cast %mul3A_629 : i32 to index
      %get3A_631 = tpu.vector_load %arg13[%get3A_630] {strides = array<i32>} : memref<6688xi32, #tpu.memory_space<vmem>>, vector<16xi32>,
      %sub3A_632 = vector.broadcast %add3A_213 : i32 to vector<16xi32>
      %sub3A_633 = arith.subi %get3A_631, %sub3A_632 : vector<16xi32>
      %mul3A_634 = arith.constant 16 : i32
      %mul3A_635 = arith.muli %scan3A_621, %mul3A_634 : i32
      %get3A_636 = arith.index_cast %mul3A_635 : i32 to index
      %get3A_637 = tpu.vector_load %arg14[%get3A_636] {strides = array<i32>} : memref<6688xf32, #tpu.memory_space<vmem>>, vector<16xf32>,
      tpu.vector_store_idx %arg15[%sub3A_633, %sub3A_627], %get3A_637 {add = true} : memref<120x128xf32, #tpu.memory_space<vmem>>[vector<16xi32>, vector<16xi32>], vector<16xf32>,
    }
    %scan3A_233 = arith.constant 416 : i32
    %lt3A_234 = arith.constant 4 : i32
    %lt3A_235 = vector.broadcast %lt3A_234 : i32 to vector<16xi32>
    %lt3A_236 = arith.cmpi slt, %iota3A_214, %lt3A_235 : vector<16xi32>
    %get3A_237 = arith.constant 6672 : index
    %get3A_238 = tpu.vector_load %arg12[%get3A_237] {strides = array<i32>} : memref<6688xi32, #tpu.memory_space<vmem>>, vector<16xi32>,
    %sub3A_239 = vector.broadcast %add3A_213 : i32 to vector<16xi32>
    %sub3A_240 = arith.subi %get3A_238, %sub3A_239 : vector<16xi32>
    %get3A_241 = arith.constant 6672 : index
    %get3A_242 = tpu.vector_load %arg13[%get3A_241] {strides = array<i32>} : memref<6688xi32, #tpu.memory_space<vmem>>, vector<16xi32>,
    %sub3A_243 = vector.broadcast %add3A_213 : i32 to vector<16xi32>
    %sub3A_244 = arith.subi %get3A_242, %sub3A_243 : vector<16xi32>
    %get3A_245 = arith.constant 6672 : index
    %get3A_246 = tpu.vector_load %arg14[%get3A_245] {strides = array<i32>} : memref<6688xf32, #tpu.memory_space<vmem>>, vector<16xf32>,
    tpu.vector_store_idx %arg15[%sub3A_244, %sub3A_240], %get3A_246 masked %lt3A_236 {add = true} : memref<120x128xf32, #tpu.memory_space<vmem>>[vector<16xi32>, vector<16xi32>], vector<16xf32>, vector<16xi1>
    %mul3A_247 = arith.constant 120 : i32
    %mul3A_248 = arith.muli %add3A_185, %mul3A_247 : i32
    %dma_start3A_249 = arith.constant 0 : i32
    %dma_start3A_250 = tpu.memref_slice %arg7[%mul3A_248, %dma_start3A_249] : memref<15360x128xf32, #tpu.memory_space<hbm>> -> memref<120x128xf32, #tpu.memory_space<hbm>>
    %dma_start3A_251 = arith.constant 0 : i32
    %dma_start3A_252 = tpu.memref_slice %arg7[%mul3A_248, %dma_start3A_251] : memref<15360x128xf32, #tpu.memory_space<hbm>> -> memref<120x128xf32, #tpu.memory_space<hbm>>
    tpu.enqueue_dma source(%arg15 : memref<120x128xf32, #tpu.memory_space<vmem>>) target(%dma_start3A_252 : memref<120x128xf32, #tpu.memory_space<hbm>>) target_semaphore(%arg18 : memref<!tpu.dma_semaphore, #tpu.memory_space<semaphore_mem>>)
    %add3A_253 = arith.constant 2 : i32
    %add3A_254 = arith.addi %mul3A_2, %add3A_253 : i32
    %dma_wait3A_255 = tpu.memref_slice %arg2[%add3A_201] : memref<1722368xi32, #tpu.memory_space<hbm>> -> memref<6672xi32, #tpu.memory_space<hbm>>
    %dma_wait3A_256 = tpu.memref_slice %arg2[%add3A_201] : memref<1722368xi32, #tpu.memory_space<hbm>> -> memref<6672xi32, #tpu.memory_space<hbm>>
    tpu.wait_dma2 semaphore(%arg16 : memref<!tpu.dma_semaphore, #tpu.memory_space<semaphore_mem>>) src(%dma_wait3A_256 : memref<6672xi32, #tpu.memory_space<hbm>>) dst(%arg8 : memref<6672xi32, #tpu.memory_space<vmem>>)
    %dma_wait3A_257 = tpu.memref_slice %arg3[%add3A_201] : memref<1722368xi32, #tpu.memory_space<hbm>> -> memref<6672xi32, #tpu.memory_space<hbm>>
    %dma_wait3A_258 = tpu.memref_slice %arg3[%add3A_201] : memref<1722368xi32, #tpu.memory_space<hbm>> -> memref<6672xi32, #tpu.memory_space<hbm>>
    tpu.wait_dma2 semaphore(%arg16 : memref<!tpu.dma_semaphore, #tpu.memory_space<semaphore_mem>>) src(%dma_wait3A_258 : memref<6672xi32, #tpu.memory_space<hbm>>) dst(%arg9 : memref<6672xi32, #tpu.memory_space<vmem>>)
    %dma_wait3A_259 = tpu.memref_slice %arg4[%add3A_201] : memref<1722368xf32, #tpu.memory_space<hbm>> -> memref<6672xf32, #tpu.memory_space<hbm>>
    %dma_wait3A_260 = tpu.memref_slice %arg4[%add3A_201] : memref<1722368xf32, #tpu.memory_space<hbm>> -> memref<6672xf32, #tpu.memory_space<hbm>>
    tpu.wait_dma2 semaphore(%arg16 : memref<!tpu.dma_semaphore, #tpu.memory_space<semaphore_mem>>) src(%dma_wait3A_260 : memref<6672xf32, #tpu.memory_space<hbm>>) dst(%arg10 : memref<6672xf32, #tpu.memory_space<vmem>>)
    tpu.wait_dma2 semaphore(%arg17 : memref<!tpu.dma_semaphore, #tpu.memory_space<semaphore_mem>>) src(%arg5 : memref<120x128xf32, #tpu.memory_space<hbm>>) dst(%arg11 : memref<120x128xf32, #tpu.memory_space<vmem>>)
    %dma_wait3A_261 = arith.constant 0 : i32
    %dma_wait3A_262 = tpu.memref_slice %arg7[%mul3A_248, %dma_wait3A_261] : memref<15360x128xf32, #tpu.memory_space<hbm>> -> memref<120x128xf32, #tpu.memory_space<hbm>>
    %dma_wait3A_263 = arith.constant 0 : i32
    %dma_wait3A_264 = tpu.memref_slice %arg7[%mul3A_248, %dma_wait3A_263] : memref<15360x128xf32, #tpu.memory_space<hbm>> -> memref<120x128xf32, #tpu.memory_space<hbm>>
    tpu.wait_dma2 semaphore(%arg18 : memref<!tpu.dma_semaphore, #tpu.memory_space<semaphore_mem>>) src(%arg15 : memref<120x128xf32, #tpu.memory_space<vmem>>) dst(%dma_wait3A_264 : memref<120x128xf32, #tpu.memory_space<hbm>>)
    %add3A_265 = arith.constant 2 : i32
    %add3A_266 = arith.addi %mul3A_2, %add3A_265 : i32
    %mul3A_267 = arith.constant 13456 : i32
    %mul3A_268 = arith.muli %add3A_266, %mul3A_267 : i32
    %add3A_269 = arith.constant 6664 : i32
    %add3A_270 = arith.addi %mul3A_268, %add3A_269 : i32
    %dma_start3A_271 = tpu.memref_slice %arg2[%add3A_270] : memref<1722368xi32, #tpu.memory_space<hbm>> -> memref<6688xi32, #tpu.memory_space<hbm>>
    %dma_start3A_272 = tpu.memref_slice %arg2[%add3A_270] : memref<1722368xi32, #tpu.memory_space<hbm>> -> memref<6688xi32, #tpu.memory_space<hbm>>
    tpu.enqueue_dma source(%dma_start3A_272 : memref<6688xi32, #tpu.memory_space<hbm>>) target(%arg12 : memref<6688xi32, #tpu.memory_space<vmem>>) target_semaphore(%arg16 : memref<!tpu.dma_semaphore, #tpu.memory_space<semaphore_mem>>)
    %dma_start3A_273 = tpu.memref_slice %arg3[%add3A_270] : memref<1722368xi32, #tpu.memory_space<hbm>> -> memref<6688xi32, #tpu.memory_space<hbm>>
    %dma_start3A_274 = tpu.memref_slice %arg3[%add3A_270] : memref<1722368xi32, #tpu.memory_space<hbm>> -> memref<6688xi32, #tpu.memory_space<hbm>>
    tpu.enqueue_dma source(%dma_start3A_274 : memref<6688xi32, #tpu.memory_space<hbm>>) target(%arg13 : memref<6688xi32, #tpu.memory_space<vmem>>) target_semaphore(%arg16 : memref<!tpu.dma_semaphore, #tpu.memory_space<semaphore_mem>>)
    %dma_start3A_275 = tpu.memref_slice %arg4[%add3A_270] : memref<1722368xf32, #tpu.memory_space<hbm>> -> memref<6688xf32, #tpu.memory_space<hbm>>
    %dma_start3A_276 = tpu.memref_slice %arg4[%add3A_270] : memref<1722368xf32, #tpu.memory_space<hbm>> -> memref<6688xf32, #tpu.memory_space<hbm>>
    tpu.enqueue_dma source(%dma_start3A_276 : memref<6688xf32, #tpu.memory_space<hbm>>) target(%arg14 : memref<6688xf32, #tpu.memory_space<vmem>>) target_semaphore(%arg16 : memref<!tpu.dma_semaphore, #tpu.memory_space<semaphore_mem>>)
    tpu.enqueue_dma source(%arg5 : memref<120x128xf32, #tpu.memory_space<hbm>>) target(%arg15 : memref<120x128xf32, #tpu.memory_space<vmem>>) target_semaphore(%arg17 : memref<!tpu.dma_semaphore, #tpu.memory_space<semaphore_mem>>)
    %add3A_277 = arith.constant 2 : i32
    %add3A_278 = arith.addi %mul3A_2, %add3A_277 : i32
    %mul3A_279 = arith.constant 232 : i32
    %mul3A_280 = arith.muli %add3A_278, %mul3A_279 : i32
    %add3A_281 = arith.constant 0 : i32
    %add3A_282 = arith.addi %mul3A_280, %add3A_281 : i32
    %iota3A_283 = tpu.iota {dimensions = array<i32: 0>} : vector<16xi32>
    %scan3A_284 = arith.constant 0 : i32
    %scan3A_285 = arith.constant 0 : i32
    %scan3A_286 = arith.constant 416 : i32
    %scan3A_287 = arith.addi %scan3A_285, %scan3A_286 : i32
    %scan3A_288 = arith.constant 8 : i32
    scf.for %scan3A_495 = %scan3A_285 to %scan3A_287 step %scan3A_288  : i32 {
      %mul3A_496 = arith.constant 16 : i32
      %mul3A_497 = arith.muli %scan3A_495, %mul3A_496 : i32
      %get3A_498 = arith.index_cast %mul3A_497 : i32 to index
      %get3A_499 = tpu.vector_load %arg8[%get3A_498] {strides = array<i32>} : memref<6672xi32, #tpu.memory_space<vmem>>, vector<16xi32>,
      %sub3A_500 = vector.broadcast %add3A_282 : i32 to vector<16xi32>
      %sub3A_501 = arith.subi %get3A_499, %sub3A_500 : vector<16xi32>
      %mul3A_502 = arith.constant 16 : i32
      %mul3A_503 = arith.muli %scan3A_495, %mul3A_502 : i32
      %get3A_504 = arith.index_cast %mul3A_503 : i32 to index
      %get3A_505 = tpu.vector_load %arg9[%get3A_504] {strides = array<i32>} : memref<6672xi32, #tpu.memory_space<vmem>>, vector<16xi32>,
      %sub3A_506 = vector.broadcast %add3A_282 : i32 to vector<16xi32>
      %sub3A_507 = arith.subi %get3A_505, %sub3A_506 : vector<16xi32>
      %mul3A_508 = arith.constant 16 : i32
      %mul3A_509 = arith.muli %scan3A_495, %mul3A_508 : i32
      %get3A_510 = arith.index_cast %mul3A_509 : i32 to index
      %get3A_511 = tpu.vector_load %arg10[%get3A_510] {strides = array<i32>} : memref<6672xf32, #tpu.memory_space<vmem>>, vector<16xf32>,
      tpu.vector_store_idx %arg11[%sub3A_507, %sub3A_501], %get3A_511 {add = true} : memref<120x128xf32, #tpu.memory_space<vmem>>[vector<16xi32>, vector<16xi32>], vector<16xf32>,
      %scan3A_512 = arith.constant 1 : i32
      %scan3A_513 = arith.addi %scan3A_495, %scan3A_512 : i32
      %mul3A_514 = arith.constant 16 : i32
      %mul3A_515 = arith.muli %scan3A_513, %mul3A_514 : i32
      %get3A_516 = arith.index_cast %mul3A_515 : i32 to index
      %get3A_517 = tpu.vector_load %arg8[%get3A_516] {strides = array<i32>} : memref<6672xi32, #tpu.memory_space<vmem>>, vector<16xi32>,
      %sub3A_518 = vector.broadcast %add3A_282 : i32 to vector<16xi32>
      %sub3A_519 = arith.subi %get3A_517, %sub3A_518 : vector<16xi32>
      %mul3A_520 = arith.constant 16 : i32
      %mul3A_521 = arith.muli %scan3A_513, %mul3A_520 : i32
      %get3A_522 = arith.index_cast %mul3A_521 : i32 to index
      %get3A_523 = tpu.vector_load %arg9[%get3A_522] {strides = array<i32>} : memref<6672xi32, #tpu.memory_space<vmem>>, vector<16xi32>,
      %sub3A_524 = vector.broadcast %add3A_282 : i32 to vector<16xi32>
      %sub3A_525 = arith.subi %get3A_523, %sub3A_524 : vector<16xi32>
      %mul3A_526 = arith.constant 16 : i32
      %mul3A_527 = arith.muli %scan3A_513, %mul3A_526 : i32
      %get3A_528 = arith.index_cast %mul3A_527 : i32 to index
      %get3A_529 = tpu.vector_load %arg10[%get3A_528] {strides = array<i32>} : memref<6672xf32, #tpu.memory_space<vmem>>, vector<16xf32>,
      tpu.vector_store_idx %arg11[%sub3A_525, %sub3A_519], %get3A_529 {add = true} : memref<120x128xf32, #tpu.memory_space<vmem>>[vector<16xi32>, vector<16xi32>], vector<16xf32>,
      %scan3A_530 = arith.constant 2 : i32
      %scan3A_531 = arith.addi %scan3A_495, %scan3A_530 : i32
      %mul3A_532 = arith.constant 16 : i32
      %mul3A_533 = arith.muli %scan3A_531, %mul3A_532 : i32
      %get3A_534 = arith.index_cast %mul3A_533 : i32 to index
      %get3A_535 = tpu.vector_load %arg8[%get3A_534] {strides = array<i32>} : memref<6672xi32, #tpu.memory_space<vmem>>, vector<16xi32>,
      %sub3A_536 = vector.broadcast %add3A_282 : i32 to vector<16xi32>
      %sub3A_537 = arith.subi %get3A_535, %sub3A_536 : vector<16xi32>
      %mul3A_538 = arith.constant 16 : i32
      %mul3A_539 = arith.muli %scan3A_531, %mul3A_538 : i32
      %get3A_540 = arith.index_cast %mul3A_539 : i32 to index
      %get3A_541 = tpu.vector_load %arg9[%get3A_540] {strides = array<i32>} : memref<6672xi32, #tpu.memory_space<vmem>>, vector<16xi32>,
      %sub3A_542 = vector.broadcast %add3A_282 : i32 to vector<16xi32>
      %sub3A_543 = arith.subi %get3A_541, %sub3A_542 : vector<16xi32>
      %mul3A_544 = arith.constant 16 : i32
      %mul3A_545 = arith.muli %scan3A_531, %mul3A_544 : i32
      %get3A_546 = arith.index_cast %mul3A_545 : i32 to index
      %get3A_547 = tpu.vector_load %arg10[%get3A_546] {strides = array<i32>} : memref<6672xf32, #tpu.memory_space<vmem>>, vector<16xf32>,
      tpu.vector_store_idx %arg11[%sub3A_543, %sub3A_537], %get3A_547 {add = true} : memref<120x128xf32, #tpu.memory_space<vmem>>[vector<16xi32>, vector<16xi32>], vector<16xf32>,
      %scan3A_548 = arith.constant 3 : i32
      %scan3A_549 = arith.addi %scan3A_495, %scan3A_548 : i32
      %mul3A_550 = arith.constant 16 : i32
      %mul3A_551 = arith.muli %scan3A_549, %mul3A_550 : i32
      %get3A_552 = arith.index_cast %mul3A_551 : i32 to index
      %get3A_553 = tpu.vector_load %arg8[%get3A_552] {strides = array<i32>} : memref<6672xi32, #tpu.memory_space<vmem>>, vector<16xi32>,
      %sub3A_554 = vector.broadcast %add3A_282 : i32 to vector<16xi32>
      %sub3A_555 = arith.subi %get3A_553, %sub3A_554 : vector<16xi32>
      %mul3A_556 = arith.constant 16 : i32
      %mul3A_557 = arith.muli %scan3A_549, %mul3A_556 : i32
      %get3A_558 = arith.index_cast %mul3A_557 : i32 to index
      %get3A_559 = tpu.vector_load %arg9[%get3A_558] {strides = array<i32>} : memref<6672xi32, #tpu.memory_space<vmem>>, vector<16xi32>,
      %sub3A_560 = vector.broadcast %add3A_282 : i32 to vector<16xi32>
      %sub3A_561 = arith.subi %get3A_559, %sub3A_560 : vector<16xi32>
      %mul3A_562 = arith.constant 16 : i32
      %mul3A_563 = arith.muli %scan3A_549, %mul3A_562 : i32
      %get3A_564 = arith.index_cast %mul3A_563 : i32 to index
      %get3A_565 = tpu.vector_load %arg10[%get3A_564] {strides = array<i32>} : memref<6672xf32, #tpu.memory_space<vmem>>, vector<16xf32>,
      tpu.vector_store_idx %arg11[%sub3A_561, %sub3A_555], %get3A_565 {add = true} : memref<120x128xf32, #tpu.memory_space<vmem>>[vector<16xi32>, vector<16xi32>], vector<16xf32>,
      %scan3A_566 = arith.constant 4 : i32
      %scan3A_567 = arith.addi %scan3A_495, %scan3A_566 : i32
      %mul3A_568 = arith.constant 16 : i32
      %mul3A_569 = arith.muli %scan3A_567, %mul3A_568 : i32
      %get3A_570 = arith.index_cast %mul3A_569 : i32 to index
      %get3A_571 = tpu.vector_load %arg8[%get3A_570] {strides = array<i32>} : memref<6672xi32, #tpu.memory_space<vmem>>, vector<16xi32>,
      %sub3A_572 = vector.broadcast %add3A_282 : i32 to vector<16xi32>
      %sub3A_573 = arith.subi %get3A_571, %sub3A_572 : vector<16xi32>
      %mul3A_574 = arith.constant 16 : i32
      %mul3A_575 = arith.muli %scan3A_567, %mul3A_574 : i32
      %get3A_576 = arith.index_cast %mul3A_575 : i32 to index
      %get3A_577 = tpu.vector_load %arg9[%get3A_576] {strides = array<i32>} : memref<6672xi32, #tpu.memory_space<vmem>>, vector<16xi32>,
      %sub3A_578 = vector.broadcast %add3A_282 : i32 to vector<16xi32>
      %sub3A_579 = arith.subi %get3A_577, %sub3A_578 : vector<16xi32>
      %mul3A_580 = arith.constant 16 : i32
      %mul3A_581 = arith.muli %scan3A_567, %mul3A_580 : i32
      %get3A_582 = arith.index_cast %mul3A_581 : i32 to index
      %get3A_583 = tpu.vector_load %arg10[%get3A_582] {strides = array<i32>} : memref<6672xf32, #tpu.memory_space<vmem>>, vector<16xf32>,
      tpu.vector_store_idx %arg11[%sub3A_579, %sub3A_573], %get3A_583 {add = true} : memref<120x128xf32, #tpu.memory_space<vmem>>[vector<16xi32>, vector<16xi32>], vector<16xf32>,
      %scan3A_584 = arith.constant 5 : i32
      %scan3A_585 = arith.addi %scan3A_495, %scan3A_584 : i32
      %mul3A_586 = arith.constant 16 : i32
      %mul3A_587 = arith.muli %scan3A_585, %mul3A_586 : i32
      %get3A_588 = arith.index_cast %mul3A_587 : i32 to index
      %get3A_589 = tpu.vector_load %arg8[%get3A_588] {strides = array<i32>} : memref<6672xi32, #tpu.memory_space<vmem>>, vector<16xi32>,
      %sub3A_590 = vector.broadcast %add3A_282 : i32 to vector<16xi32>
      %sub3A_591 = arith.subi %get3A_589, %sub3A_590 : vector<16xi32>
      %mul3A_592 = arith.constant 16 : i32
      %mul3A_593 = arith.muli %scan3A_585, %mul3A_592 : i32
      %get3A_594 = arith.index_cast %mul3A_593 : i32 to index
      %get3A_595 = tpu.vector_load %arg9[%get3A_594] {strides = array<i32>} : memref<6672xi32, #tpu.memory_space<vmem>>, vector<16xi32>,
      %sub3A_596 = vector.broadcast %add3A_282 : i32 to vector<16xi32>
      %sub3A_597 = arith.subi %get3A_595, %sub3A_596 : vector<16xi32>
      %mul3A_598 = arith.constant 16 : i32
      %mul3A_599 = arith.muli %scan3A_585, %mul3A_598 : i32
      %get3A_600 = arith.index_cast %mul3A_599 : i32 to index
      %get3A_601 = tpu.vector_load %arg10[%get3A_600] {strides = array<i32>} : memref<6672xf32, #tpu.memory_space<vmem>>, vector<16xf32>,
      tpu.vector_store_idx %arg11[%sub3A_597, %sub3A_591], %get3A_601 {add = true} : memref<120x128xf32, #tpu.memory_space<vmem>>[vector<16xi32>, vector<16xi32>], vector<16xf32>,
      %scan3A_602 = arith.constant 6 : i32
      %scan3A_603 = arith.addi %scan3A_495, %scan3A_602 : i32
      %mul3A_604 = arith.constant 16 : i32
      %mul3A_605 = arith.muli %scan3A_603, %mul3A_604 : i32
      %get3A_606 = arith.index_cast %mul3A_605 : i32 to index
      %get3A_607 = tpu.vector_load %arg8[%get3A_606] {strides = array<i32>} : memref<6672xi32, #tpu.memory_space<vmem>>, vector<16xi32>,
      %sub3A_608 = vector.broadcast %add3A_282 : i32 to vector<16xi32>
      %sub3A_609 = arith.subi %get3A_607, %sub3A_608 : vector<16xi32>
      %mul3A_610 = arith.constant 16 : i32
      %mul3A_611 = arith.muli %scan3A_603, %mul3A_610 : i32
      %get3A_612 = arith.index_cast %mul3A_611 : i32 to index
      %get3A_613 = tpu.vector_load %arg9[%get3A_612] {strides = array<i32>} : memref<6672xi32, #tpu.memory_space<vmem>>, vector<16xi32>,
      %sub3A_614 = vector.broadcast %add3A_282 : i32 to vector<16xi32>
      %sub3A_615 = arith.subi %get3A_613, %sub3A_614 : vector<16xi32>
      %mul3A_616 = arith.constant 16 : i32
      %mul3A_617 = arith.muli %scan3A_603, %mul3A_616 : i32
      %get3A_618 = arith.index_cast %mul3A_617 : i32 to index
      %get3A_619 = tpu.vector_load %arg10[%get3A_618] {strides = array<i32>} : memref<6672xf32, #tpu.memory_space<vmem>>, vector<16xf32>,
      tpu.vector_store_idx %arg11[%sub3A_615, %sub3A_609], %get3A_619 {add = true} : memref<120x128xf32, #tpu.memory_space<vmem>>[vector<16xi32>, vector<16xi32>], vector<16xf32>,
      %scan3A_620 = arith.constant 7 : i32
      %scan3A_621 = arith.addi %scan3A_495, %scan3A_620 : i32
      %mul3A_622 = arith.constant 16 : i32
      %mul3A_623 = arith.muli %scan3A_621, %mul3A_622 : i32
      %get3A_624 = arith.index_cast %mul3A_623 : i32 to index
      %get3A_625 = tpu.vector_load %arg8[%get3A_624] {strides = array<i32>} : memref<6672xi32, #tpu.memory_space<vmem>>, vector<16xi32>,
      %sub3A_626 = vector.broadcast %add3A_282 : i32 to vector<16xi32>
      %sub3A_627 = arith.subi %get3A_625, %sub3A_626 : vector<16xi32>
      %mul3A_628 = arith.constant 16 : i32
      %mul3A_629 = arith.muli %scan3A_621, %mul3A_628 : i32
      %get3A_630 = arith.index_cast %mul3A_629 : i32 to index
      %get3A_631 = tpu.vector_load %arg9[%get3A_630] {strides = array<i32>} : memref<6672xi32, #tpu.memory_space<vmem>>, vector<16xi32>,
      %sub3A_632 = vector.broadcast %add3A_282 : i32 to vector<16xi32>
      %sub3A_633 = arith.subi %get3A_631, %sub3A_632 : vector<16xi32>
      %mul3A_634 = arith.constant 16 : i32
      %mul3A_635 = arith.muli %scan3A_621, %mul3A_634 : i32
      %get3A_636 = arith.index_cast %mul3A_635 : i32 to index
      %get3A_637 = tpu.vector_load %arg10[%get3A_636] {strides = array<i32>} : memref<6672xf32, #tpu.memory_space<vmem>>, vector<16xf32>,
      tpu.vector_store_idx %arg11[%sub3A_633, %sub3A_627], %get3A_637 {add = true} : memref<120x128xf32, #tpu.memory_space<vmem>>[vector<16xi32>, vector<16xi32>], vector<16xf32>,
    }
    %scan3A_289 = arith.constant 416 : i32
    %lt3A_290 = arith.constant 14 : i32
    %lt3A_291 = vector.broadcast %lt3A_290 : i32 to vector<16xi32>
    %lt3A_292 = arith.cmpi slt, %iota3A_283, %lt3A_291 : vector<16xi32>
    %get3A_293 = arith.constant 6656 : index
    %get3A_294 = tpu.vector_load %arg8[%get3A_293] {strides = array<i32>} : memref<6672xi32, #tpu.memory_space<vmem>>, vector<16xi32>,
    %sub3A_295 = vector.broadcast %add3A_282 : i32 to vector<16xi32>
    %sub3A_296 = arith.subi %get3A_294, %sub3A_295 : vector<16xi32>
    %get3A_297 = arith.constant 6656 : index
    %get3A_298 = tpu.vector_load %arg9[%get3A_297] {strides = array<i32>} : memref<6672xi32, #tpu.memory_space<vmem>>, vector<16xi32>,
    %sub3A_299 = vector.broadcast %add3A_282 : i32 to vector<16xi32>
    %sub3A_300 = arith.subi %get3A_298, %sub3A_299 : vector<16xi32>
    %get3A_301 = arith.constant 6656 : index
    %get3A_302 = tpu.vector_load %arg10[%get3A_301] {strides = array<i32>} : memref<6672xf32, #tpu.memory_space<vmem>>, vector<16xf32>,
    tpu.vector_store_idx %arg11[%sub3A_300, %sub3A_296], %get3A_302 masked %lt3A_292 {add = true} : memref<120x128xf32, #tpu.memory_space<vmem>>[vector<16xi32>, vector<16xi32>], vector<16xf32>, vector<16xi1>
    %mul3A_303 = arith.constant 120 : i32
    %mul3A_304 = arith.muli %add3A_254, %mul3A_303 : i32
    %dma_start3A_305 = arith.constant 0 : i32
    %dma_start3A_306 = tpu.memref_slice %arg6[%mul3A_304, %dma_start3A_305] : memref<15360x128xf32, #tpu.memory_space<hbm>> -> memref<120x128xf32, #tpu.memory_space<hbm>>
    %dma_start3A_307 = arith.constant 0 : i32
    %dma_start3A_308 = tpu.memref_slice %arg6[%mul3A_304, %dma_start3A_307] : memref<15360x128xf32, #tpu.memory_space<hbm>> -> memref<120x128xf32, #tpu.memory_space<hbm>>
    tpu.enqueue_dma source(%arg11 : memref<120x128xf32, #tpu.memory_space<vmem>>) target(%dma_start3A_308 : memref<120x128xf32, #tpu.memory_space<hbm>>) target_semaphore(%arg18 : memref<!tpu.dma_semaphore, #tpu.memory_space<semaphore_mem>>)
    %add3A_309 = arith.constant 2 : i32
    %add3A_310 = arith.addi %mul3A_2, %add3A_309 : i32
    %dma_wait3A_311 = tpu.memref_slice %arg2[%add3A_270] : memref<1722368xi32, #tpu.memory_space<hbm>> -> memref<6688xi32, #tpu.memory_space<hbm>>
    %dma_wait3A_312 = tpu.memref_slice %arg2[%add3A_270] : memref<1722368xi32, #tpu.memory_space<hbm>> -> memref<6688xi32, #tpu.memory_space<hbm>>
    tpu.wait_dma2 semaphore(%arg16 : memref<!tpu.dma_semaphore, #tpu.memory_space<semaphore_mem>>) src(%dma_wait3A_312 : memref<6688xi32, #tpu.memory_space<hbm>>) dst(%arg12 : memref<6688xi32, #tpu.memory_space<vmem>>)
    %dma_wait3A_313 = tpu.memref_slice %arg3[%add3A_270] : memref<1722368xi32, #tpu.memory_space<hbm>> -> memref<6688xi32, #tpu.memory_space<hbm>>
    %dma_wait3A_314 = tpu.memref_slice %arg3[%add3A_270] : memref<1722368xi32, #tpu.memory_space<hbm>> -> memref<6688xi32, #tpu.memory_space<hbm>>
    tpu.wait_dma2 semaphore(%arg16 : memref<!tpu.dma_semaphore, #tpu.memory_space<semaphore_mem>>) src(%dma_wait3A_314 : memref<6688xi32, #tpu.memory_space<hbm>>) dst(%arg13 : memref<6688xi32, #tpu.memory_space<vmem>>)
    %dma_wait3A_315 = tpu.memref_slice %arg4[%add3A_270] : memref<1722368xf32, #tpu.memory_space<hbm>> -> memref<6688xf32, #tpu.memory_space<hbm>>
    %dma_wait3A_316 = tpu.memref_slice %arg4[%add3A_270] : memref<1722368xf32, #tpu.memory_space<hbm>> -> memref<6688xf32, #tpu.memory_space<hbm>>
    tpu.wait_dma2 semaphore(%arg16 : memref<!tpu.dma_semaphore, #tpu.memory_space<semaphore_mem>>) src(%dma_wait3A_316 : memref<6688xf32, #tpu.memory_space<hbm>>) dst(%arg14 : memref<6688xf32, #tpu.memory_space<vmem>>)
    tpu.wait_dma2 semaphore(%arg17 : memref<!tpu.dma_semaphore, #tpu.memory_space<semaphore_mem>>) src(%arg5 : memref<120x128xf32, #tpu.memory_space<hbm>>) dst(%arg15 : memref<120x128xf32, #tpu.memory_space<vmem>>)
    %dma_wait3A_317 = arith.constant 0 : i32
    %dma_wait3A_318 = tpu.memref_slice %arg6[%mul3A_304, %dma_wait3A_317] : memref<15360x128xf32, #tpu.memory_space<hbm>> -> memref<120x128xf32, #tpu.memory_space<hbm>>
    %dma_wait3A_319 = arith.constant 0 : i32
    %dma_wait3A_320 = tpu.memref_slice %arg6[%mul3A_304, %dma_wait3A_319] : memref<15360x128xf32, #tpu.memory_space<hbm>> -> memref<120x128xf32, #tpu.memory_space<hbm>>
    tpu.wait_dma2 semaphore(%arg18 : memref<!tpu.dma_semaphore, #tpu.memory_space<semaphore_mem>>) src(%arg11 : memref<120x128xf32, #tpu.memory_space<vmem>>) dst(%dma_wait3A_320 : memref<120x128xf32, #tpu.memory_space<hbm>>)
    %add3A_321 = arith.constant 3 : i32
    %add3A_322 = arith.addi %mul3A_2, %add3A_321 : i32
    %mul3A_323 = arith.constant 13456 : i32
    %mul3A_324 = arith.muli %add3A_322, %mul3A_323 : i32
    %add3A_325 = arith.constant 0 : i32
    %add3A_326 = arith.addi %mul3A_324, %add3A_325 : i32
    %dma_start3A_327 = tpu.memref_slice %arg2[%add3A_326] : memref<1722368xi32, #tpu.memory_space<hbm>> -> memref<6672xi32, #tpu.memory_space<hbm>>
    %dma_start3A_328 = tpu.memref_slice %arg2[%add3A_326] : memref<1722368xi32, #tpu.memory_space<hbm>> -> memref<6672xi32, #tpu.memory_space<hbm>>
    tpu.enqueue_dma source(%dma_start3A_328 : memref<6672xi32, #tpu.memory_space<hbm>>) target(%arg8 : memref<6672xi32, #tpu.memory_space<vmem>>) target_semaphore(%arg16 : memref<!tpu.dma_semaphore, #tpu.memory_space<semaphore_mem>>)
    %dma_start3A_329 = tpu.memref_slice %arg3[%add3A_326] : memref<1722368xi32, #tpu.memory_space<hbm>> -> memref<6672xi32, #tpu.memory_space<hbm>>
    %dma_start3A_330 = tpu.memref_slice %arg3[%add3A_326] : memref<1722368xi32, #tpu.memory_space<hbm>> -> memref<6672xi32, #tpu.memory_space<hbm>>
    tpu.enqueue_dma source(%dma_start3A_330 : memref<6672xi32, #tpu.memory_space<hbm>>) target(%arg9 : memref<6672xi32, #tpu.memory_space<vmem>>) target_semaphore(%arg16 : memref<!tpu.dma_semaphore, #tpu.memory_space<semaphore_mem>>)
    %dma_start3A_331 = tpu.memref_slice %arg4[%add3A_326] : memref<1722368xf32, #tpu.memory_space<hbm>> -> memref<6672xf32, #tpu.memory_space<hbm>>
    %dma_start3A_332 = tpu.memref_slice %arg4[%add3A_326] : memref<1722368xf32, #tpu.memory_space<hbm>> -> memref<6672xf32, #tpu.memory_space<hbm>>
    tpu.enqueue_dma source(%dma_start3A_332 : memref<6672xf32, #tpu.memory_space<hbm>>) target(%arg10 : memref<6672xf32, #tpu.memory_space<vmem>>) target_semaphore(%arg16 : memref<!tpu.dma_semaphore, #tpu.memory_space<semaphore_mem>>)
    tpu.enqueue_dma source(%arg5 : memref<120x128xf32, #tpu.memory_space<hbm>>) target(%arg11 : memref<120x128xf32, #tpu.memory_space<vmem>>) target_semaphore(%arg17 : memref<!tpu.dma_semaphore, #tpu.memory_space<semaphore_mem>>)
    %add3A_333 = arith.constant 2 : i32
    %add3A_334 = arith.addi %mul3A_2, %add3A_333 : i32
    %mul3A_335 = arith.constant 232 : i32
    %mul3A_336 = arith.muli %add3A_334, %mul3A_335 : i32
    %add3A_337 = arith.constant 116 : i32
    %add3A_338 = arith.addi %mul3A_336, %add3A_337 : i32
    %iota3A_339 = tpu.iota {dimensions = array<i32: 0>} : vector<16xi32>
    %ge3A_340 = arith.constant 6 : i32
    %ge3A_341 = vector.broadcast %ge3A_340 : i32 to vector<16xi32>
    %ge3A_342 = arith.cmpi sge, %iota3A_339, %ge3A_341 : vector<16xi32>
    %get3A_343 = arith.constant 0 : index
    %get3A_344 = tpu.vector_load %arg12[%get3A_343] {strides = array<i32>} : memref<6688xi32, #tpu.memory_space<vmem>>, vector<16xi32>,
    %sub3A_345 = vector.broadcast %add3A_338 : i32 to vector<16xi32>
    %sub3A_346 = arith.subi %get3A_344, %sub3A_345 : vector<16xi32>
    %get3A_347 = arith.constant 0 : index
    %get3A_348 = tpu.vector_load %arg13[%get3A_347] {strides = array<i32>} : memref<6688xi32, #tpu.memory_space<vmem>>, vector<16xi32>,
    %sub3A_349 = vector.broadcast %add3A_338 : i32 to vector<16xi32>
    %sub3A_350 = arith.subi %get3A_348, %sub3A_349 : vector<16xi32>
    %get3A_351 = arith.constant 0 : index
    %get3A_352 = tpu.vector_load %arg14[%get3A_351] {strides = array<i32>} : memref<6688xf32, #tpu.memory_space<vmem>>, vector<16xf32>,
    tpu.vector_store_idx %arg15[%sub3A_350, %sub3A_346], %get3A_352 masked %ge3A_342 {add = true} : memref<120x128xf32, #tpu.memory_space<vmem>>[vector<16xi32>, vector<16xi32>], vector<16xf32>, vector<16xi1>
    %scan3A_353 = arith.constant 0 : i32
    %scan3A_354 = arith.constant 1 : i32
    %scan3A_355 = arith.constant 416 : i32
    %scan3A_356 = arith.addi %scan3A_354, %scan3A_355 : i32
    %scan3A_357 = arith.constant 8 : i32
    scf.for %scan3A_495 = %scan3A_354 to %scan3A_356 step %scan3A_357  : i32 {
      %mul3A_496 = arith.constant 16 : i32
      %mul3A_497 = arith.muli %scan3A_495, %mul3A_496 : i32
      %get3A_498 = arith.index_cast %mul3A_497 : i32 to index
      %get3A_499 = tpu.vector_load %arg12[%get3A_498] {strides = array<i32>} : memref<6688xi32, #tpu.memory_space<vmem>>, vector<16xi32>,
      %sub3A_500 = vector.broadcast %add3A_338 : i32 to vector<16xi32>
      %sub3A_501 = arith.subi %get3A_499, %sub3A_500 : vector<16xi32>
      %mul3A_502 = arith.constant 16 : i32
      %mul3A_503 = arith.muli %scan3A_495, %mul3A_502 : i32
      %get3A_504 = arith.index_cast %mul3A_503 : i32 to index
      %get3A_505 = tpu.vector_load %arg13[%get3A_504] {strides = array<i32>} : memref<6688xi32, #tpu.memory_space<vmem>>, vector<16xi32>,
      %sub3A_506 = vector.broadcast %add3A_338 : i32 to vector<16xi32>
      %sub3A_507 = arith.subi %get3A_505, %sub3A_506 : vector<16xi32>
      %mul3A_508 = arith.constant 16 : i32
      %mul3A_509 = arith.muli %scan3A_495, %mul3A_508 : i32
      %get3A_510 = arith.index_cast %mul3A_509 : i32 to index
      %get3A_511 = tpu.vector_load %arg14[%get3A_510] {strides = array<i32>} : memref<6688xf32, #tpu.memory_space<vmem>>, vector<16xf32>,
      tpu.vector_store_idx %arg15[%sub3A_507, %sub3A_501], %get3A_511 {add = true} : memref<120x128xf32, #tpu.memory_space<vmem>>[vector<16xi32>, vector<16xi32>], vector<16xf32>,
      %scan3A_512 = arith.constant 1 : i32
      %scan3A_513 = arith.addi %scan3A_495, %scan3A_512 : i32
      %mul3A_514 = arith.constant 16 : i32
      %mul3A_515 = arith.muli %scan3A_513, %mul3A_514 : i32
      %get3A_516 = arith.index_cast %mul3A_515 : i32 to index
      %get3A_517 = tpu.vector_load %arg12[%get3A_516] {strides = array<i32>} : memref<6688xi32, #tpu.memory_space<vmem>>, vector<16xi32>,
      %sub3A_518 = vector.broadcast %add3A_338 : i32 to vector<16xi32>
      %sub3A_519 = arith.subi %get3A_517, %sub3A_518 : vector<16xi32>
      %mul3A_520 = arith.constant 16 : i32
      %mul3A_521 = arith.muli %scan3A_513, %mul3A_520 : i32
      %get3A_522 = arith.index_cast %mul3A_521 : i32 to index
      %get3A_523 = tpu.vector_load %arg13[%get3A_522] {strides = array<i32>} : memref<6688xi32, #tpu.memory_space<vmem>>, vector<16xi32>,
      %sub3A_524 = vector.broadcast %add3A_338 : i32 to vector<16xi32>
      %sub3A_525 = arith.subi %get3A_523, %sub3A_524 : vector<16xi32>
      %mul3A_526 = arith.constant 16 : i32
      %mul3A_527 = arith.muli %scan3A_513, %mul3A_526 : i32
      %get3A_528 = arith.index_cast %mul3A_527 : i32 to index
      %get3A_529 = tpu.vector_load %arg14[%get3A_528] {strides = array<i32>} : memref<6688xf32, #tpu.memory_space<vmem>>, vector<16xf32>,
      tpu.vector_store_idx %arg15[%sub3A_525, %sub3A_519], %get3A_529 {add = true} : memref<120x128xf32, #tpu.memory_space<vmem>>[vector<16xi32>, vector<16xi32>], vector<16xf32>,
      %scan3A_530 = arith.constant 2 : i32
      %scan3A_531 = arith.addi %scan3A_495, %scan3A_530 : i32
      %mul3A_532 = arith.constant 16 : i32
      %mul3A_533 = arith.muli %scan3A_531, %mul3A_532 : i32
      %get3A_534 = arith.index_cast %mul3A_533 : i32 to index
      %get3A_535 = tpu.vector_load %arg12[%get3A_534] {strides = array<i32>} : memref<6688xi32, #tpu.memory_space<vmem>>, vector<16xi32>,
      %sub3A_536 = vector.broadcast %add3A_338 : i32 to vector<16xi32>
      %sub3A_537 = arith.subi %get3A_535, %sub3A_536 : vector<16xi32>
      %mul3A_538 = arith.constant 16 : i32
      %mul3A_539 = arith.muli %scan3A_531, %mul3A_538 : i32
      %get3A_540 = arith.index_cast %mul3A_539 : i32 to index
      %get3A_541 = tpu.vector_load %arg13[%get3A_540] {strides = array<i32>} : memref<6688xi32, #tpu.memory_space<vmem>>, vector<16xi32>,
      %sub3A_542 = vector.broadcast %add3A_338 : i32 to vector<16xi32>
      %sub3A_543 = arith.subi %get3A_541, %sub3A_542 : vector<16xi32>
      %mul3A_544 = arith.constant 16 : i32
      %mul3A_545 = arith.muli %scan3A_531, %mul3A_544 : i32
      %get3A_546 = arith.index_cast %mul3A_545 : i32 to index
      %get3A_547 = tpu.vector_load %arg14[%get3A_546] {strides = array<i32>} : memref<6688xf32, #tpu.memory_space<vmem>>, vector<16xf32>,
      tpu.vector_store_idx %arg15[%sub3A_543, %sub3A_537], %get3A_547 {add = true} : memref<120x128xf32, #tpu.memory_space<vmem>>[vector<16xi32>, vector<16xi32>], vector<16xf32>,
      %scan3A_548 = arith.constant 3 : i32
      %scan3A_549 = arith.addi %scan3A_495, %scan3A_548 : i32
      %mul3A_550 = arith.constant 16 : i32
      %mul3A_551 = arith.muli %scan3A_549, %mul3A_550 : i32
      %get3A_552 = arith.index_cast %mul3A_551 : i32 to index
      %get3A_553 = tpu.vector_load %arg12[%get3A_552] {strides = array<i32>} : memref<6688xi32, #tpu.memory_space<vmem>>, vector<16xi32>,
      %sub3A_554 = vector.broadcast %add3A_338 : i32 to vector<16xi32>
      %sub3A_555 = arith.subi %get3A_553, %sub3A_554 : vector<16xi32>
      %mul3A_556 = arith.constant 16 : i32
      %mul3A_557 = arith.muli %scan3A_549, %mul3A_556 : i32
      %get3A_558 = arith.index_cast %mul3A_557 : i32 to index
      %get3A_559 = tpu.vector_load %arg13[%get3A_558] {strides = array<i32>} : memref<6688xi32, #tpu.memory_space<vmem>>, vector<16xi32>,
      %sub3A_560 = vector.broadcast %add3A_338 : i32 to vector<16xi32>
      %sub3A_561 = arith.subi %get3A_559, %sub3A_560 : vector<16xi32>
      %mul3A_562 = arith.constant 16 : i32
      %mul3A_563 = arith.muli %scan3A_549, %mul3A_562 : i32
      %get3A_564 = arith.index_cast %mul3A_563 : i32 to index
      %get3A_565 = tpu.vector_load %arg14[%get3A_564] {strides = array<i32>} : memref<6688xf32, #tpu.memory_space<vmem>>, vector<16xf32>,
      tpu.vector_store_idx %arg15[%sub3A_561, %sub3A_555], %get3A_565 {add = true} : memref<120x128xf32, #tpu.memory_space<vmem>>[vector<16xi32>, vector<16xi32>], vector<16xf32>,
      %scan3A_566 = arith.constant 4 : i32
      %scan3A_567 = arith.addi %scan3A_495, %scan3A_566 : i32
      %mul3A_568 = arith.constant 16 : i32
      %mul3A_569 = arith.muli %scan3A_567, %mul3A_568 : i32
      %get3A_570 = arith.index_cast %mul3A_569 : i32 to index
      %get3A_571 = tpu.vector_load %arg12[%get3A_570] {strides = array<i32>} : memref<6688xi32, #tpu.memory_space<vmem>>, vector<16xi32>,
      %sub3A_572 = vector.broadcast %add3A_338 : i32 to vector<16xi32>
      %sub3A_573 = arith.subi %get3A_571, %sub3A_572 : vector<16xi32>
      %mul3A_574 = arith.constant 16 : i32
      %mul3A_575 = arith.muli %scan3A_567, %mul3A_574 : i32
      %get3A_576 = arith.index_cast %mul3A_575 : i32 to index
      %get3A_577 = tpu.vector_load %arg13[%get3A_576] {strides = array<i32>} : memref<6688xi32, #tpu.memory_space<vmem>>, vector<16xi32>,
      %sub3A_578 = vector.broadcast %add3A_338 : i32 to vector<16xi32>
      %sub3A_579 = arith.subi %get3A_577, %sub3A_578 : vector<16xi32>
      %mul3A_580 = arith.constant 16 : i32
      %mul3A_581 = arith.muli %scan3A_567, %mul3A_580 : i32
      %get3A_582 = arith.index_cast %mul3A_581 : i32 to index
      %get3A_583 = tpu.vector_load %arg14[%get3A_582] {strides = array<i32>} : memref<6688xf32, #tpu.memory_space<vmem>>, vector<16xf32>,
      tpu.vector_store_idx %arg15[%sub3A_579, %sub3A_573], %get3A_583 {add = true} : memref<120x128xf32, #tpu.memory_space<vmem>>[vector<16xi32>, vector<16xi32>], vector<16xf32>,
      %scan3A_584 = arith.constant 5 : i32
      %scan3A_585 = arith.addi %scan3A_495, %scan3A_584 : i32
      %mul3A_586 = arith.constant 16 : i32
      %mul3A_587 = arith.muli %scan3A_585, %mul3A_586 : i32
      %get3A_588 = arith.index_cast %mul3A_587 : i32 to index
      %get3A_589 = tpu.vector_load %arg12[%get3A_588] {strides = array<i32>} : memref<6688xi32, #tpu.memory_space<vmem>>, vector<16xi32>,
      %sub3A_590 = vector.broadcast %add3A_338 : i32 to vector<16xi32>
      %sub3A_591 = arith.subi %get3A_589, %sub3A_590 : vector<16xi32>
      %mul3A_592 = arith.constant 16 : i32
      %mul3A_593 = arith.muli %scan3A_585, %mul3A_592 : i32
      %get3A_594 = arith.index_cast %mul3A_593 : i32 to index
      %get3A_595 = tpu.vector_load %arg13[%get3A_594] {strides = array<i32>} : memref<6688xi32, #tpu.memory_space<vmem>>, vector<16xi32>,
      %sub3A_596 = vector.broadcast %add3A_338 : i32 to vector<16xi32>
      %sub3A_597 = arith.subi %get3A_595, %sub3A_596 : vector<16xi32>
      %mul3A_598 = arith.constant 16 : i32
      %mul3A_599 = arith.muli %scan3A_585, %mul3A_598 : i32
      %get3A_600 = arith.index_cast %mul3A_599 : i32 to index
      %get3A_601 = tpu.vector_load %arg14[%get3A_600] {strides = array<i32>} : memref<6688xf32, #tpu.memory_space<vmem>>, vector<16xf32>,
      tpu.vector_store_idx %arg15[%sub3A_597, %sub3A_591], %get3A_601 {add = true} : memref<120x128xf32, #tpu.memory_space<vmem>>[vector<16xi32>, vector<16xi32>], vector<16xf32>,
      %scan3A_602 = arith.constant 6 : i32
      %scan3A_603 = arith.addi %scan3A_495, %scan3A_602 : i32
      %mul3A_604 = arith.constant 16 : i32
      %mul3A_605 = arith.muli %scan3A_603, %mul3A_604 : i32
      %get3A_606 = arith.index_cast %mul3A_605 : i32 to index
      %get3A_607 = tpu.vector_load %arg12[%get3A_606] {strides = array<i32>} : memref<6688xi32, #tpu.memory_space<vmem>>, vector<16xi32>,
      %sub3A_608 = vector.broadcast %add3A_338 : i32 to vector<16xi32>
      %sub3A_609 = arith.subi %get3A_607, %sub3A_608 : vector<16xi32>
      %mul3A_610 = arith.constant 16 : i32
      %mul3A_611 = arith.muli %scan3A_603, %mul3A_610 : i32
      %get3A_612 = arith.index_cast %mul3A_611 : i32 to index
      %get3A_613 = tpu.vector_load %arg13[%get3A_612] {strides = array<i32>} : memref<6688xi32, #tpu.memory_space<vmem>>, vector<16xi32>,
      %sub3A_614 = vector.broadcast %add3A_338 : i32 to vector<16xi32>
      %sub3A_615 = arith.subi %get3A_613, %sub3A_614 : vector<16xi32>
      %mul3A_616 = arith.constant 16 : i32
      %mul3A_617 = arith.muli %scan3A_603, %mul3A_616 : i32
      %get3A_618 = arith.index_cast %mul3A_617 : i32 to index
      %get3A_619 = tpu.vector_load %arg14[%get3A_618] {strides = array<i32>} : memref<6688xf32, #tpu.memory_space<vmem>>, vector<16xf32>,
      tpu.vector_store_idx %arg15[%sub3A_615, %sub3A_609], %get3A_619 {add = true} : memref<120x128xf32, #tpu.memory_space<vmem>>[vector<16xi32>, vector<16xi32>], vector<16xf32>,
      %scan3A_620 = arith.constant 7 : i32
      %scan3A_621 = arith.addi %scan3A_495, %scan3A_620 : i32
      %mul3A_622 = arith.constant 16 : i32
      %mul3A_623 = arith.muli %scan3A_621, %mul3A_622 : i32
      %get3A_624 = arith.index_cast %mul3A_623 : i32 to index
      %get3A_625 = tpu.vector_load %arg12[%get3A_624] {strides = array<i32>} : memref<6688xi32, #tpu.memory_space<vmem>>, vector<16xi32>,
      %sub3A_626 = vector.broadcast %add3A_338 : i32 to vector<16xi32>
      %sub3A_627 = arith.subi %get3A_625, %sub3A_626 : vector<16xi32>
      %mul3A_628 = arith.constant 16 : i32
      %mul3A_629 = arith.muli %scan3A_621, %mul3A_628 : i32
      %get3A_630 = arith.index_cast %mul3A_629 : i32 to index
      %get3A_631 = tpu.vector_load %arg13[%get3A_630] {strides = array<i32>} : memref<6688xi32, #tpu.memory_space<vmem>>, vector<16xi32>,
      %sub3A_632 = vector.broadcast %add3A_338 : i32 to vector<16xi32>
      %sub3A_633 = arith.subi %get3A_631, %sub3A_632 : vector<16xi32>
      %mul3A_634 = arith.constant 16 : i32
      %mul3A_635 = arith.muli %scan3A_621, %mul3A_634 : i32
      %get3A_636 = arith.index_cast %mul3A_635 : i32 to index
      %get3A_637 = tpu.vector_load %arg14[%get3A_636] {strides = array<i32>} : memref<6688xf32, #tpu.memory_space<vmem>>, vector<16xf32>,
      tpu.vector_store_idx %arg15[%sub3A_633, %sub3A_627], %get3A_637 {add = true} : memref<120x128xf32, #tpu.memory_space<vmem>>[vector<16xi32>, vector<16xi32>], vector<16xf32>,
    }
    %scan3A_358 = arith.constant 416 : i32
    %lt3A_359 = arith.constant 4 : i32
    %lt3A_360 = vector.broadcast %lt3A_359 : i32 to vector<16xi32>
    %lt3A_361 = arith.cmpi slt, %iota3A_339, %lt3A_360 : vector<16xi32>
    %get3A_362 = arith.constant 6672 : index
    %get3A_363 = tpu.vector_load %arg12[%get3A_362] {strides = array<i32>} : memref<6688xi32, #tpu.memory_space<vmem>>, vector<16xi32>,
    %sub3A_364 = vector.broadcast %add3A_338 : i32 to vector<16xi32>
    %sub3A_365 = arith.subi %get3A_363, %sub3A_364 : vector<16xi32>
    %get3A_366 = arith.constant 6672 : index
    %get3A_367 = tpu.vector_load %arg13[%get3A_366] {strides = array<i32>} : memref<6688xi32, #tpu.memory_space<vmem>>, vector<16xi32>,
    %sub3A_368 = vector.broadcast %add3A_338 : i32 to vector<16xi32>
    %sub3A_369 = arith.subi %get3A_367, %sub3A_368 : vector<16xi32>
    %get3A_370 = arith.constant 6672 : index
    %get3A_371 = tpu.vector_load %arg14[%get3A_370] {strides = array<i32>} : memref<6688xf32, #tpu.memory_space<vmem>>, vector<16xf32>,
    tpu.vector_store_idx %arg15[%sub3A_369, %sub3A_365], %get3A_371 masked %lt3A_361 {add = true} : memref<120x128xf32, #tpu.memory_space<vmem>>[vector<16xi32>, vector<16xi32>], vector<16xf32>, vector<16xi1>
    %mul3A_372 = arith.constant 120 : i32
    %mul3A_373 = arith.muli %add3A_310, %mul3A_372 : i32
    %dma_start3A_374 = arith.constant 0 : i32
    %dma_start3A_375 = tpu.memref_slice %arg7[%mul3A_373, %dma_start3A_374] : memref<15360x128xf32, #tpu.memory_space<hbm>> -> memref<120x128xf32, #tpu.memory_space<hbm>>
    %dma_start3A_376 = arith.constant 0 : i32
    %dma_start3A_377 = tpu.memref_slice %arg7[%mul3A_373, %dma_start3A_376] : memref<15360x128xf32, #tpu.memory_space<hbm>> -> memref<120x128xf32, #tpu.memory_space<hbm>>
    tpu.enqueue_dma source(%arg15 : memref<120x128xf32, #tpu.memory_space<vmem>>) target(%dma_start3A_377 : memref<120x128xf32, #tpu.memory_space<hbm>>) target_semaphore(%arg18 : memref<!tpu.dma_semaphore, #tpu.memory_space<semaphore_mem>>)
    %add3A_378 = arith.constant 3 : i32
    %add3A_379 = arith.addi %mul3A_2, %add3A_378 : i32
    %dma_wait3A_380 = tpu.memref_slice %arg2[%add3A_326] : memref<1722368xi32, #tpu.memory_space<hbm>> -> memref<6672xi32, #tpu.memory_space<hbm>>
    %dma_wait3A_381 = tpu.memref_slice %arg2[%add3A_326] : memref<1722368xi32, #tpu.memory_space<hbm>> -> memref<6672xi32, #tpu.memory_space<hbm>>
    tpu.wait_dma2 semaphore(%arg16 : memref<!tpu.dma_semaphore, #tpu.memory_space<semaphore_mem>>) src(%dma_wait3A_381 : memref<6672xi32, #tpu.memory_space<hbm>>) dst(%arg8 : memref<6672xi32, #tpu.memory_space<vmem>>)
    %dma_wait3A_382 = tpu.memref_slice %arg3[%add3A_326] : memref<1722368xi32, #tpu.memory_space<hbm>> -> memref<6672xi32, #tpu.memory_space<hbm>>
    %dma_wait3A_383 = tpu.memref_slice %arg3[%add3A_326] : memref<1722368xi32, #tpu.memory_space<hbm>> -> memref<6672xi32, #tpu.memory_space<hbm>>
    tpu.wait_dma2 semaphore(%arg16 : memref<!tpu.dma_semaphore, #tpu.memory_space<semaphore_mem>>) src(%dma_wait3A_383 : memref<6672xi32, #tpu.memory_space<hbm>>) dst(%arg9 : memref<6672xi32, #tpu.memory_space<vmem>>)
    %dma_wait3A_384 = tpu.memref_slice %arg4[%add3A_326] : memref<1722368xf32, #tpu.memory_space<hbm>> -> memref<6672xf32, #tpu.memory_space<hbm>>
    %dma_wait3A_385 = tpu.memref_slice %arg4[%add3A_326] : memref<1722368xf32, #tpu.memory_space<hbm>> -> memref<6672xf32, #tpu.memory_space<hbm>>
    tpu.wait_dma2 semaphore(%arg16 : memref<!tpu.dma_semaphore, #tpu.memory_space<semaphore_mem>>) src(%dma_wait3A_385 : memref<6672xf32, #tpu.memory_space<hbm>>) dst(%arg10 : memref<6672xf32, #tpu.memory_space<vmem>>)
    tpu.wait_dma2 semaphore(%arg17 : memref<!tpu.dma_semaphore, #tpu.memory_space<semaphore_mem>>) src(%arg5 : memref<120x128xf32, #tpu.memory_space<hbm>>) dst(%arg11 : memref<120x128xf32, #tpu.memory_space<vmem>>)
    %dma_wait3A_386 = arith.constant 0 : i32
    %dma_wait3A_387 = tpu.memref_slice %arg7[%mul3A_373, %dma_wait3A_386] : memref<15360x128xf32, #tpu.memory_space<hbm>> -> memref<120x128xf32, #tpu.memory_space<hbm>>
    %dma_wait3A_388 = arith.constant 0 : i32
    %dma_wait3A_389 = tpu.memref_slice %arg7[%mul3A_373, %dma_wait3A_388] : memref<15360x128xf32, #tpu.memory_space<hbm>> -> memref<120x128xf32, #tpu.memory_space<hbm>>
    tpu.wait_dma2 semaphore(%arg18 : memref<!tpu.dma_semaphore, #tpu.memory_space<semaphore_mem>>) src(%arg15 : memref<120x128xf32, #tpu.memory_space<vmem>>) dst(%dma_wait3A_389 : memref<120x128xf32, #tpu.memory_space<hbm>>)
    %add3A_390 = arith.constant 3 : i32
    %add3A_391 = arith.addi %mul3A_2, %add3A_390 : i32
    %mul3A_392 = arith.constant 13456 : i32
    %mul3A_393 = arith.muli %add3A_391, %mul3A_392 : i32
    %add3A_394 = arith.constant 6664 : i32
    %add3A_395 = arith.addi %mul3A_393, %add3A_394 : i32
    %dma_start3A_396 = tpu.memref_slice %arg2[%add3A_395] : memref<1722368xi32, #tpu.memory_space<hbm>> -> memref<6688xi32, #tpu.memory_space<hbm>>
    %dma_start3A_397 = tpu.memref_slice %arg2[%add3A_395] : memref<1722368xi32, #tpu.memory_space<hbm>> -> memref<6688xi32, #tpu.memory_space<hbm>>
    tpu.enqueue_dma source(%dma_start3A_397 : memref<6688xi32, #tpu.memory_space<hbm>>) target(%arg12 : memref<6688xi32, #tpu.memory_space<vmem>>) target_semaphore(%arg16 : memref<!tpu.dma_semaphore, #tpu.memory_space<semaphore_mem>>)
    %dma_start3A_398 = tpu.memref_slice %arg3[%add3A_395] : memref<1722368xi32, #tpu.memory_space<hbm>> -> memref<6688xi32, #tpu.memory_space<hbm>>
    %dma_start3A_399 = tpu.memref_slice %arg3[%add3A_395] : memref<1722368xi32, #tpu.memory_space<hbm>> -> memref<6688xi32, #tpu.memory_space<hbm>>
    tpu.enqueue_dma source(%dma_start3A_399 : memref<6688xi32, #tpu.memory_space<hbm>>) target(%arg13 : memref<6688xi32, #tpu.memory_space<vmem>>) target_semaphore(%arg16 : memref<!tpu.dma_semaphore, #tpu.memory_space<semaphore_mem>>)
    %dma_start3A_400 = tpu.memref_slice %arg4[%add3A_395] : memref<1722368xf32, #tpu.memory_space<hbm>> -> memref<6688xf32, #tpu.memory_space<hbm>>
    %dma_start3A_401 = tpu.memref_slice %arg4[%add3A_395] : memref<1722368xf32, #tpu.memory_space<hbm>> -> memref<6688xf32, #tpu.memory_space<hbm>>
    tpu.enqueue_dma source(%dma_start3A_401 : memref<6688xf32, #tpu.memory_space<hbm>>) target(%arg14 : memref<6688xf32, #tpu.memory_space<vmem>>) target_semaphore(%arg16 : memref<!tpu.dma_semaphore, #tpu.memory_space<semaphore_mem>>)
    tpu.enqueue_dma source(%arg5 : memref<120x128xf32, #tpu.memory_space<hbm>>) target(%arg15 : memref<120x128xf32, #tpu.memory_space<vmem>>) target_semaphore(%arg17 : memref<!tpu.dma_semaphore, #tpu.memory_space<semaphore_mem>>)
    %add3A_402 = arith.constant 3 : i32
    %add3A_403 = arith.addi %mul3A_2, %add3A_402 : i32
    %mul3A_404 = arith.constant 232 : i32
    %mul3A_405 = arith.muli %add3A_403, %mul3A_404 : i32
    %add3A_406 = arith.constant 0 : i32
    %add3A_407 = arith.addi %mul3A_405, %add3A_406 : i32
    %iota3A_408 = tpu.iota {dimensions = array<i32: 0>} : vector<16xi32>
    %scan3A_409 = arith.constant 0 : i32
    %scan3A_410 = arith.constant 0 : i32
    %scan3A_411 = arith.constant 416 : i32
    %scan3A_412 = arith.addi %scan3A_410, %scan3A_411 : i32
    %scan3A_413 = arith.constant 8 : i32
    scf.for %scan3A_495 = %scan3A_410 to %scan3A_412 step %scan3A_413  : i32 {
      %mul3A_496 = arith.constant 16 : i32
      %mul3A_497 = arith.muli %scan3A_495, %mul3A_496 : i32
      %get3A_498 = arith.index_cast %mul3A_497 : i32 to index
      %get3A_499 = tpu.vector_load %arg8[%get3A_498] {strides = array<i32>} : memref<6672xi32, #tpu.memory_space<vmem>>, vector<16xi32>,
      %sub3A_500 = vector.broadcast %add3A_407 : i32 to vector<16xi32>
      %sub3A_501 = arith.subi %get3A_499, %sub3A_500 : vector<16xi32>
      %mul3A_502 = arith.constant 16 : i32
      %mul3A_503 = arith.muli %scan3A_495, %mul3A_502 : i32
      %get3A_504 = arith.index_cast %mul3A_503 : i32 to index
      %get3A_505 = tpu.vector_load %arg9[%get3A_504] {strides = array<i32>} : memref<6672xi32, #tpu.memory_space<vmem>>, vector<16xi32>,
      %sub3A_506 = vector.broadcast %add3A_407 : i32 to vector<16xi32>
      %sub3A_507 = arith.subi %get3A_505, %sub3A_506 : vector<16xi32>
      %mul3A_508 = arith.constant 16 : i32
      %mul3A_509 = arith.muli %scan3A_495, %mul3A_508 : i32
      %get3A_510 = arith.index_cast %mul3A_509 : i32 to index
      %get3A_511 = tpu.vector_load %arg10[%get3A_510] {strides = array<i32>} : memref<6672xf32, #tpu.memory_space<vmem>>, vector<16xf32>,
      tpu.vector_store_idx %arg11[%sub3A_507, %sub3A_501], %get3A_511 {add = true} : memref<120x128xf32, #tpu.memory_space<vmem>>[vector<16xi32>, vector<16xi32>], vector<16xf32>,
      %scan3A_512 = arith.constant 1 : i32
      %scan3A_513 = arith.addi %scan3A_495, %scan3A_512 : i32
      %mul3A_514 = arith.constant 16 : i32
      %mul3A_515 = arith.muli %scan3A_513, %mul3A_514 : i32
      %get3A_516 = arith.index_cast %mul3A_515 : i32 to index
      %get3A_517 = tpu.vector_load %arg8[%get3A_516] {strides = array<i32>} : memref<6672xi32, #tpu.memory_space<vmem>>, vector<16xi32>,
      %sub3A_518 = vector.broadcast %add3A_407 : i32 to vector<16xi32>
      %sub3A_519 = arith.subi %get3A_517, %sub3A_518 : vector<16xi32>
      %mul3A_520 = arith.constant 16 : i32
      %mul3A_521 = arith.muli %scan3A_513, %mul3A_520 : i32
      %get3A_522 = arith.index_cast %mul3A_521 : i32 to index
      %get3A_523 = tpu.vector_load %arg9[%get3A_522] {strides = array<i32>} : memref<6672xi32, #tpu.memory_space<vmem>>, vector<16xi32>,
      %sub3A_524 = vector.broadcast %add3A_407 : i32 to vector<16xi32>
      %sub3A_525 = arith.subi %get3A_523, %sub3A_524 : vector<16xi32>
      %mul3A_526 = arith.constant 16 : i32
      %mul3A_527 = arith.muli %scan3A_513, %mul3A_526 : i32
      %get3A_528 = arith.index_cast %mul3A_527 : i32 to index
      %get3A_529 = tpu.vector_load %arg10[%get3A_528] {strides = array<i32>} : memref<6672xf32, #tpu.memory_space<vmem>>, vector<16xf32>,
      tpu.vector_store_idx %arg11[%sub3A_525, %sub3A_519], %get3A_529 {add = true} : memref<120x128xf32, #tpu.memory_space<vmem>>[vector<16xi32>, vector<16xi32>], vector<16xf32>,
      %scan3A_530 = arith.constant 2 : i32
      %scan3A_531 = arith.addi %scan3A_495, %scan3A_530 : i32
      %mul3A_532 = arith.constant 16 : i32
      %mul3A_533 = arith.muli %scan3A_531, %mul3A_532 : i32
      %get3A_534 = arith.index_cast %mul3A_533 : i32 to index
      %get3A_535 = tpu.vector_load %arg8[%get3A_534] {strides = array<i32>} : memref<6672xi32, #tpu.memory_space<vmem>>, vector<16xi32>,
      %sub3A_536 = vector.broadcast %add3A_407 : i32 to vector<16xi32>
      %sub3A_537 = arith.subi %get3A_535, %sub3A_536 : vector<16xi32>
      %mul3A_538 = arith.constant 16 : i32
      %mul3A_539 = arith.muli %scan3A_531, %mul3A_538 : i32
      %get3A_540 = arith.index_cast %mul3A_539 : i32 to index
      %get3A_541 = tpu.vector_load %arg9[%get3A_540] {strides = array<i32>} : memref<6672xi32, #tpu.memory_space<vmem>>, vector<16xi32>,
      %sub3A_542 = vector.broadcast %add3A_407 : i32 to vector<16xi32>
      %sub3A_543 = arith.subi %get3A_541, %sub3A_542 : vector<16xi32>
      %mul3A_544 = arith.constant 16 : i32
      %mul3A_545 = arith.muli %scan3A_531, %mul3A_544 : i32
      %get3A_546 = arith.index_cast %mul3A_545 : i32 to index
      %get3A_547 = tpu.vector_load %arg10[%get3A_546] {strides = array<i32>} : memref<6672xf32, #tpu.memory_space<vmem>>, vector<16xf32>,
      tpu.vector_store_idx %arg11[%sub3A_543, %sub3A_537], %get3A_547 {add = true} : memref<120x128xf32, #tpu.memory_space<vmem>>[vector<16xi32>, vector<16xi32>], vector<16xf32>,
      %scan3A_548 = arith.constant 3 : i32
      %scan3A_549 = arith.addi %scan3A_495, %scan3A_548 : i32
      %mul3A_550 = arith.constant 16 : i32
      %mul3A_551 = arith.muli %scan3A_549, %mul3A_550 : i32
      %get3A_552 = arith.index_cast %mul3A_551 : i32 to index
      %get3A_553 = tpu.vector_load %arg8[%get3A_552] {strides = array<i32>} : memref<6672xi32, #tpu.memory_space<vmem>>, vector<16xi32>,
      %sub3A_554 = vector.broadcast %add3A_407 : i32 to vector<16xi32>
      %sub3A_555 = arith.subi %get3A_553, %sub3A_554 : vector<16xi32>
      %mul3A_556 = arith.constant 16 : i32
      %mul3A_557 = arith.muli %scan3A_549, %mul3A_556 : i32
      %get3A_558 = arith.index_cast %mul3A_557 : i32 to index
      %get3A_559 = tpu.vector_load %arg9[%get3A_558] {strides = array<i32>} : memref<6672xi32, #tpu.memory_space<vmem>>, vector<16xi32>,
      %sub3A_560 = vector.broadcast %add3A_407 : i32 to vector<16xi32>
      %sub3A_561 = arith.subi %get3A_559, %sub3A_560 : vector<16xi32>
      %mul3A_562 = arith.constant 16 : i32
      %mul3A_563 = arith.muli %scan3A_549, %mul3A_562 : i32
      %get3A_564 = arith.index_cast %mul3A_563 : i32 to index
      %get3A_565 = tpu.vector_load %arg10[%get3A_564] {strides = array<i32>} : memref<6672xf32, #tpu.memory_space<vmem>>, vector<16xf32>,
      tpu.vector_store_idx %arg11[%sub3A_561, %sub3A_555], %get3A_565 {add = true} : memref<120x128xf32, #tpu.memory_space<vmem>>[vector<16xi32>, vector<16xi32>], vector<16xf32>,
      %scan3A_566 = arith.constant 4 : i32
      %scan3A_567 = arith.addi %scan3A_495, %scan3A_566 : i32
      %mul3A_568 = arith.constant 16 : i32
      %mul3A_569 = arith.muli %scan3A_567, %mul3A_568 : i32
      %get3A_570 = arith.index_cast %mul3A_569 : i32 to index
      %get3A_571 = tpu.vector_load %arg8[%get3A_570] {strides = array<i32>} : memref<6672xi32, #tpu.memory_space<vmem>>, vector<16xi32>,
      %sub3A_572 = vector.broadcast %add3A_407 : i32 to vector<16xi32>
      %sub3A_573 = arith.subi %get3A_571, %sub3A_572 : vector<16xi32>
      %mul3A_574 = arith.constant 16 : i32
      %mul3A_575 = arith.muli %scan3A_567, %mul3A_574 : i32
      %get3A_576 = arith.index_cast %mul3A_575 : i32 to index
      %get3A_577 = tpu.vector_load %arg9[%get3A_576] {strides = array<i32>} : memref<6672xi32, #tpu.memory_space<vmem>>, vector<16xi32>,
      %sub3A_578 = vector.broadcast %add3A_407 : i32 to vector<16xi32>
      %sub3A_579 = arith.subi %get3A_577, %sub3A_578 : vector<16xi32>
      %mul3A_580 = arith.constant 16 : i32
      %mul3A_581 = arith.muli %scan3A_567, %mul3A_580 : i32
      %get3A_582 = arith.index_cast %mul3A_581 : i32 to index
      %get3A_583 = tpu.vector_load %arg10[%get3A_582] {strides = array<i32>} : memref<6672xf32, #tpu.memory_space<vmem>>, vector<16xf32>,
      tpu.vector_store_idx %arg11[%sub3A_579, %sub3A_573], %get3A_583 {add = true} : memref<120x128xf32, #tpu.memory_space<vmem>>[vector<16xi32>, vector<16xi32>], vector<16xf32>,
      %scan3A_584 = arith.constant 5 : i32
      %scan3A_585 = arith.addi %scan3A_495, %scan3A_584 : i32
      %mul3A_586 = arith.constant 16 : i32
      %mul3A_587 = arith.muli %scan3A_585, %mul3A_586 : i32
      %get3A_588 = arith.index_cast %mul3A_587 : i32 to index
      %get3A_589 = tpu.vector_load %arg8[%get3A_588] {strides = array<i32>} : memref<6672xi32, #tpu.memory_space<vmem>>, vector<16xi32>,
      %sub3A_590 = vector.broadcast %add3A_407 : i32 to vector<16xi32>
      %sub3A_591 = arith.subi %get3A_589, %sub3A_590 : vector<16xi32>
      %mul3A_592 = arith.constant 16 : i32
      %mul3A_593 = arith.muli %scan3A_585, %mul3A_592 : i32
      %get3A_594 = arith.index_cast %mul3A_593 : i32 to index
      %get3A_595 = tpu.vector_load %arg9[%get3A_594] {strides = array<i32>} : memref<6672xi32, #tpu.memory_space<vmem>>, vector<16xi32>,
      %sub3A_596 = vector.broadcast %add3A_407 : i32 to vector<16xi32>
      %sub3A_597 = arith.subi %get3A_595, %sub3A_596 : vector<16xi32>
      %mul3A_598 = arith.constant 16 : i32
      %mul3A_599 = arith.muli %scan3A_585, %mul3A_598 : i32
      %get3A_600 = arith.index_cast %mul3A_599 : i32 to index
      %get3A_601 = tpu.vector_load %arg10[%get3A_600] {strides = array<i32>} : memref<6672xf32, #tpu.memory_space<vmem>>, vector<16xf32>,
      tpu.vector_store_idx %arg11[%sub3A_597, %sub3A_591], %get3A_601 {add = true} : memref<120x128xf32, #tpu.memory_space<vmem>>[vector<16xi32>, vector<16xi32>], vector<16xf32>,
      %scan3A_602 = arith.constant 6 : i32
      %scan3A_603 = arith.addi %scan3A_495, %scan3A_602 : i32
      %mul3A_604 = arith.constant 16 : i32
      %mul3A_605 = arith.muli %scan3A_603, %mul3A_604 : i32
      %get3A_606 = arith.index_cast %mul3A_605 : i32 to index
      %get3A_607 = tpu.vector_load %arg8[%get3A_606] {strides = array<i32>} : memref<6672xi32, #tpu.memory_space<vmem>>, vector<16xi32>,
      %sub3A_608 = vector.broadcast %add3A_407 : i32 to vector<16xi32>
      %sub3A_609 = arith.subi %get3A_607, %sub3A_608 : vector<16xi32>
      %mul3A_610 = arith.constant 16 : i32
      %mul3A_611 = arith.muli %scan3A_603, %mul3A_610 : i32
      %get3A_612 = arith.index_cast %mul3A_611 : i32 to index
      %get3A_613 = tpu.vector_load %arg9[%get3A_612] {strides = array<i32>} : memref<6672xi32, #tpu.memory_space<vmem>>, vector<16xi32>,
      %sub3A_614 = vector.broadcast %add3A_407 : i32 to vector<16xi32>
      %sub3A_615 = arith.subi %get3A_613, %sub3A_614 : vector<16xi32>
      %mul3A_616 = arith.constant 16 : i32
      %mul3A_617 = arith.muli %scan3A_603, %mul3A_616 : i32
      %get3A_618 = arith.index_cast %mul3A_617 : i32 to index
      %get3A_619 = tpu.vector_load %arg10[%get3A_618] {strides = array<i32>} : memref<6672xf32, #tpu.memory_space<vmem>>, vector<16xf32>,
      tpu.vector_store_idx %arg11[%sub3A_615, %sub3A_609], %get3A_619 {add = true} : memref<120x128xf32, #tpu.memory_space<vmem>>[vector<16xi32>, vector<16xi32>], vector<16xf32>,
      %scan3A_620 = arith.constant 7 : i32
      %scan3A_621 = arith.addi %scan3A_495, %scan3A_620 : i32
      %mul3A_622 = arith.constant 16 : i32
      %mul3A_623 = arith.muli %scan3A_621, %mul3A_622 : i32
      %get3A_624 = arith.index_cast %mul3A_623 : i32 to index
      %get3A_625 = tpu.vector_load %arg8[%get3A_624] {strides = array<i32>} : memref<6672xi32, #tpu.memory_space<vmem>>, vector<16xi32>,
      %sub3A_626 = vector.broadcast %add3A_407 : i32 to vector<16xi32>
      %sub3A_627 = arith.subi %get3A_625, %sub3A_626 : vector<16xi32>
      %mul3A_628 = arith.constant 16 : i32
      %mul3A_629 = arith.muli %scan3A_621, %mul3A_628 : i32
      %get3A_630 = arith.index_cast %mul3A_629 : i32 to index
      %get3A_631 = tpu.vector_load %arg9[%get3A_630] {strides = array<i32>} : memref<6672xi32, #tpu.memory_space<vmem>>, vector<16xi32>,
      %sub3A_632 = vector.broadcast %add3A_407 : i32 to vector<16xi32>
      %sub3A_633 = arith.subi %get3A_631, %sub3A_632 : vector<16xi32>
      %mul3A_634 = arith.constant 16 : i32
      %mul3A_635 = arith.muli %scan3A_621, %mul3A_634 : i32
      %get3A_636 = arith.index_cast %mul3A_635 : i32 to index
      %get3A_637 = tpu.vector_load %arg10[%get3A_636] {strides = array<i32>} : memref<6672xf32, #tpu.memory_space<vmem>>, vector<16xf32>,
      tpu.vector_store_idx %arg11[%sub3A_633, %sub3A_627], %get3A_637 {add = true} : memref<120x128xf32, #tpu.memory_space<vmem>>[vector<16xi32>, vector<16xi32>], vector<16xf32>,
    }
    %scan3A_414 = arith.constant 416 : i32
    %lt3A_415 = arith.constant 14 : i32
    %lt3A_416 = vector.broadcast %lt3A_415 : i32 to vector<16xi32>
    %lt3A_417 = arith.cmpi slt, %iota3A_408, %lt3A_416 : vector<16xi32>
    %get3A_418 = arith.constant 6656 : index
    %get3A_419 = tpu.vector_load %arg8[%get3A_418] {strides = array<i32>} : memref<6672xi32, #tpu.memory_space<vmem>>, vector<16xi32>,
    %sub3A_420 = vector.broadcast %add3A_407 : i32 to vector<16xi32>
    %sub3A_421 = arith.subi %get3A_419, %sub3A_420 : vector<16xi32>
    %get3A_422 = arith.constant 6656 : index
    %get3A_423 = tpu.vector_load %arg9[%get3A_422] {strides = array<i32>} : memref<6672xi32, #tpu.memory_space<vmem>>, vector<16xi32>,
    %sub3A_424 = vector.broadcast %add3A_407 : i32 to vector<16xi32>
    %sub3A_425 = arith.subi %get3A_423, %sub3A_424 : vector<16xi32>
    %get3A_426 = arith.constant 6656 : index
    %get3A_427 = tpu.vector_load %arg10[%get3A_426] {strides = array<i32>} : memref<6672xf32, #tpu.memory_space<vmem>>, vector<16xf32>,
    tpu.vector_store_idx %arg11[%sub3A_425, %sub3A_421], %get3A_427 masked %lt3A_417 {add = true} : memref<120x128xf32, #tpu.memory_space<vmem>>[vector<16xi32>, vector<16xi32>], vector<16xf32>, vector<16xi1>
    %mul3A_428 = arith.constant 120 : i32
    %mul3A_429 = arith.muli %add3A_379, %mul3A_428 : i32
    %dma_start3A_430 = arith.constant 0 : i32
    %dma_start3A_431 = tpu.memref_slice %arg6[%mul3A_429, %dma_start3A_430] : memref<15360x128xf32, #tpu.memory_space<hbm>> -> memref<120x128xf32, #tpu.memory_space<hbm>>
    %dma_start3A_432 = arith.constant 0 : i32
    %dma_start3A_433 = tpu.memref_slice %arg6[%mul3A_429, %dma_start3A_432] : memref<15360x128xf32, #tpu.memory_space<hbm>> -> memref<120x128xf32, #tpu.memory_space<hbm>>
    tpu.enqueue_dma source(%arg11 : memref<120x128xf32, #tpu.memory_space<vmem>>) target(%dma_start3A_433 : memref<120x128xf32, #tpu.memory_space<hbm>>) target_semaphore(%arg18 : memref<!tpu.dma_semaphore, #tpu.memory_space<semaphore_mem>>)
    %add3A_434 = arith.constant 3 : i32
    %add3A_435 = arith.addi %mul3A_2, %add3A_434 : i32
    %dma_wait3A_436 = tpu.memref_slice %arg2[%add3A_395] : memref<1722368xi32, #tpu.memory_space<hbm>> -> memref<6688xi32, #tpu.memory_space<hbm>>
    %dma_wait3A_437 = tpu.memref_slice %arg2[%add3A_395] : memref<1722368xi32, #tpu.memory_space<hbm>> -> memref<6688xi32, #tpu.memory_space<hbm>>
    tpu.wait_dma2 semaphore(%arg16 : memref<!tpu.dma_semaphore, #tpu.memory_space<semaphore_mem>>) src(%dma_wait3A_437 : memref<6688xi32, #tpu.memory_space<hbm>>) dst(%arg12 : memref<6688xi32, #tpu.memory_space<vmem>>)
    %dma_wait3A_438 = tpu.memref_slice %arg3[%add3A_395] : memref<1722368xi32, #tpu.memory_space<hbm>> -> memref<6688xi32, #tpu.memory_space<hbm>>
    %dma_wait3A_439 = tpu.memref_slice %arg3[%add3A_395] : memref<1722368xi32, #tpu.memory_space<hbm>> -> memref<6688xi32, #tpu.memory_space<hbm>>
    tpu.wait_dma2 semaphore(%arg16 : memref<!tpu.dma_semaphore, #tpu.memory_space<semaphore_mem>>) src(%dma_wait3A_439 : memref<6688xi32, #tpu.memory_space<hbm>>) dst(%arg13 : memref<6688xi32, #tpu.memory_space<vmem>>)
    %dma_wait3A_440 = tpu.memref_slice %arg4[%add3A_395] : memref<1722368xf32, #tpu.memory_space<hbm>> -> memref<6688xf32, #tpu.memory_space<hbm>>
    %dma_wait3A_441 = tpu.memref_slice %arg4[%add3A_395] : memref<1722368xf32, #tpu.memory_space<hbm>> -> memref<6688xf32, #tpu.memory_space<hbm>>
    tpu.wait_dma2 semaphore(%arg16 : memref<!tpu.dma_semaphore, #tpu.memory_space<semaphore_mem>>) src(%dma_wait3A_441 : memref<6688xf32, #tpu.memory_space<hbm>>) dst(%arg14 : memref<6688xf32, #tpu.memory_space<vmem>>)
    tpu.wait_dma2 semaphore(%arg17 : memref<!tpu.dma_semaphore, #tpu.memory_space<semaphore_mem>>) src(%arg5 : memref<120x128xf32, #tpu.memory_space<hbm>>) dst(%arg15 : memref<120x128xf32, #tpu.memory_space<vmem>>)
    %add3A_442 = arith.constant 3 : i32
    %add3A_443 = arith.addi %mul3A_2, %add3A_442 : i32
    %mul3A_444 = arith.constant 232 : i32
    %mul3A_445 = arith.muli %add3A_443, %mul3A_444 : i32
    %add3A_446 = arith.constant 116 : i32
    %add3A_447 = arith.addi %mul3A_445, %add3A_446 : i32
    %iota3A_448 = tpu.iota {dimensions = array<i32: 0>} : vector<16xi32>
    %ge3A_449 = arith.constant 6 : i32
    %ge3A_450 = vector.broadcast %ge3A_449 : i32 to vector<16xi32>
    %ge3A_451 = arith.cmpi sge, %iota3A_448, %ge3A_450 : vector<16xi32>
    %get3A_452 = arith.constant 0 : index
    %get3A_453 = tpu.vector_load %arg12[%get3A_452] {strides = array<i32>} : memref<6688xi32, #tpu.memory_space<vmem>>, vector<16xi32>,
    %sub3A_454 = vector.broadcast %add3A_447 : i32 to vector<16xi32>
    %sub3A_455 = arith.subi %get3A_453, %sub3A_454 : vector<16xi32>
    %get3A_456 = arith.constant 0 : index
    %get3A_457 = tpu.vector_load %arg13[%get3A_456] {strides = array<i32>} : memref<6688xi32, #tpu.memory_space<vmem>>, vector<16xi32>,
    %sub3A_458 = vector.broadcast %add3A_447 : i32 to vector<16xi32>
    %sub3A_459 = arith.subi %get3A_457, %sub3A_458 : vector<16xi32>
    %get3A_460 = arith.constant 0 : index
    %get3A_461 = tpu.vector_load %arg14[%get3A_460] {strides = array<i32>} : memref<6688xf32, #tpu.memory_space<vmem>>, vector<16xf32>,
    tpu.vector_store_idx %arg15[%sub3A_459, %sub3A_455], %get3A_461 masked %ge3A_451 {add = true} : memref<120x128xf32, #tpu.memory_space<vmem>>[vector<16xi32>, vector<16xi32>], vector<16xf32>, vector<16xi1>
    %scan3A_462 = arith.constant 0 : i32
    %scan3A_463 = arith.constant 1 : i32
    %scan3A_464 = arith.constant 416 : i32
    %scan3A_465 = arith.addi %scan3A_463, %scan3A_464 : i32
    %scan3A_466 = arith.constant 8 : i32
    scf.for %scan3A_495 = %scan3A_463 to %scan3A_465 step %scan3A_466  : i32 {
      %mul3A_496 = arith.constant 16 : i32
      %mul3A_497 = arith.muli %scan3A_495, %mul3A_496 : i32
      %get3A_498 = arith.index_cast %mul3A_497 : i32 to index
      %get3A_499 = tpu.vector_load %arg12[%get3A_498] {strides = array<i32>} : memref<6688xi32, #tpu.memory_space<vmem>>, vector<16xi32>,
      %sub3A_500 = vector.broadcast %add3A_447 : i32 to vector<16xi32>
      %sub3A_501 = arith.subi %get3A_499, %sub3A_500 : vector<16xi32>
      %mul3A_502 = arith.constant 16 : i32
      %mul3A_503 = arith.muli %scan3A_495, %mul3A_502 : i32
      %get3A_504 = arith.index_cast %mul3A_503 : i32 to index
      %get3A_505 = tpu.vector_load %arg13[%get3A_504] {strides = array<i32>} : memref<6688xi32, #tpu.memory_space<vmem>>, vector<16xi32>,
      %sub3A_506 = vector.broadcast %add3A_447 : i32 to vector<16xi32>
      %sub3A_507 = arith.subi %get3A_505, %sub3A_506 : vector<16xi32>
      %mul3A_508 = arith.constant 16 : i32
      %mul3A_509 = arith.muli %scan3A_495, %mul3A_508 : i32
      %get3A_510 = arith.index_cast %mul3A_509 : i32 to index
      %get3A_511 = tpu.vector_load %arg14[%get3A_510] {strides = array<i32>} : memref<6688xf32, #tpu.memory_space<vmem>>, vector<16xf32>,
      tpu.vector_store_idx %arg15[%sub3A_507, %sub3A_501], %get3A_511 {add = true} : memref<120x128xf32, #tpu.memory_space<vmem>>[vector<16xi32>, vector<16xi32>], vector<16xf32>,
      %scan3A_512 = arith.constant 1 : i32
      %scan3A_513 = arith.addi %scan3A_495, %scan3A_512 : i32
      %mul3A_514 = arith.constant 16 : i32
      %mul3A_515 = arith.muli %scan3A_513, %mul3A_514 : i32
      %get3A_516 = arith.index_cast %mul3A_515 : i32 to index
      %get3A_517 = tpu.vector_load %arg12[%get3A_516] {strides = array<i32>} : memref<6688xi32, #tpu.memory_space<vmem>>, vector<16xi32>,
      %sub3A_518 = vector.broadcast %add3A_447 : i32 to vector<16xi32>
      %sub3A_519 = arith.subi %get3A_517, %sub3A_518 : vector<16xi32>
      %mul3A_520 = arith.constant 16 : i32
      %mul3A_521 = arith.muli %scan3A_513, %mul3A_520 : i32
      %get3A_522 = arith.index_cast %mul3A_521 : i32 to index
      %get3A_523 = tpu.vector_load %arg13[%get3A_522] {strides = array<i32>} : memref<6688xi32, #tpu.memory_space<vmem>>, vector<16xi32>,
      %sub3A_524 = vector.broadcast %add3A_447 : i32 to vector<16xi32>
      %sub3A_525 = arith.subi %get3A_523, %sub3A_524 : vector<16xi32>
      %mul3A_526 = arith.constant 16 : i32
      %mul3A_527 = arith.muli %scan3A_513, %mul3A_526 : i32
      %get3A_528 = arith.index_cast %mul3A_527 : i32 to index
      %get3A_529 = tpu.vector_load %arg14[%get3A_528] {strides = array<i32>} : memref<6688xf32, #tpu.memory_space<vmem>>, vector<16xf32>,
      tpu.vector_store_idx %arg15[%sub3A_525, %sub3A_519], %get3A_529 {add = true} : memref<120x128xf32, #tpu.memory_space<vmem>>[vector<16xi32>, vector<16xi32>], vector<16xf32>,
      %scan3A_530 = arith.constant 2 : i32
      %scan3A_531 = arith.addi %scan3A_495, %scan3A_530 : i32
      %mul3A_532 = arith.constant 16 : i32
      %mul3A_533 = arith.muli %scan3A_531, %mul3A_532 : i32
      %get3A_534 = arith.index_cast %mul3A_533 : i32 to index
      %get3A_535 = tpu.vector_load %arg12[%get3A_534] {strides = array<i32>} : memref<6688xi32, #tpu.memory_space<vmem>>, vector<16xi32>,
      %sub3A_536 = vector.broadcast %add3A_447 : i32 to vector<16xi32>
      %sub3A_537 = arith.subi %get3A_535, %sub3A_536 : vector<16xi32>
      %mul3A_538 = arith.constant 16 : i32
      %mul3A_539 = arith.muli %scan3A_531, %mul3A_538 : i32
      %get3A_540 = arith.index_cast %mul3A_539 : i32 to index
      %get3A_541 = tpu.vector_load %arg13[%get3A_540] {strides = array<i32>} : memref<6688xi32, #tpu.memory_space<vmem>>, vector<16xi32>,
      %sub3A_542 = vector.broadcast %add3A_447 : i32 to vector<16xi32>
      %sub3A_543 = arith.subi %get3A_541, %sub3A_542 : vector<16xi32>
      %mul3A_544 = arith.constant 16 : i32
      %mul3A_545 = arith.muli %scan3A_531, %mul3A_544 : i32
      %get3A_546 = arith.index_cast %mul3A_545 : i32 to index
      %get3A_547 = tpu.vector_load %arg14[%get3A_546] {strides = array<i32>} : memref<6688xf32, #tpu.memory_space<vmem>>, vector<16xf32>,
      tpu.vector_store_idx %arg15[%sub3A_543, %sub3A_537], %get3A_547 {add = true} : memref<120x128xf32, #tpu.memory_space<vmem>>[vector<16xi32>, vector<16xi32>], vector<16xf32>,
      %scan3A_548 = arith.constant 3 : i32
      %scan3A_549 = arith.addi %scan3A_495, %scan3A_548 : i32
      %mul3A_550 = arith.constant 16 : i32
      %mul3A_551 = arith.muli %scan3A_549, %mul3A_550 : i32
      %get3A_552 = arith.index_cast %mul3A_551 : i32 to index
      %get3A_553 = tpu.vector_load %arg12[%get3A_552] {strides = array<i32>} : memref<6688xi32, #tpu.memory_space<vmem>>, vector<16xi32>,
      %sub3A_554 = vector.broadcast %add3A_447 : i32 to vector<16xi32>
      %sub3A_555 = arith.subi %get3A_553, %sub3A_554 : vector<16xi32>
      %mul3A_556 = arith.constant 16 : i32
      %mul3A_557 = arith.muli %scan3A_549, %mul3A_556 : i32
      %get3A_558 = arith.index_cast %mul3A_557 : i32 to index
      %get3A_559 = tpu.vector_load %arg13[%get3A_558] {strides = array<i32>} : memref<6688xi32, #tpu.memory_space<vmem>>, vector<16xi32>,
      %sub3A_560 = vector.broadcast %add3A_447 : i32 to vector<16xi32>
      %sub3A_561 = arith.subi %get3A_559, %sub3A_560 : vector<16xi32>
      %mul3A_562 = arith.constant 16 : i32
      %mul3A_563 = arith.muli %scan3A_549, %mul3A_562 : i32
      %get3A_564 = arith.index_cast %mul3A_563 : i32 to index
      %get3A_565 = tpu.vector_load %arg14[%get3A_564] {strides = array<i32>} : memref<6688xf32, #tpu.memory_space<vmem>>, vector<16xf32>,
      tpu.vector_store_idx %arg15[%sub3A_561, %sub3A_555], %get3A_565 {add = true} : memref<120x128xf32, #tpu.memory_space<vmem>>[vector<16xi32>, vector<16xi32>], vector<16xf32>,
      %scan3A_566 = arith.constant 4 : i32
      %scan3A_567 = arith.addi %scan3A_495, %scan3A_566 : i32
      %mul3A_568 = arith.constant 16 : i32
      %mul3A_569 = arith.muli %scan3A_567, %mul3A_568 : i32
      %get3A_570 = arith.index_cast %mul3A_569 : i32 to index
      %get3A_571 = tpu.vector_load %arg12[%get3A_570] {strides = array<i32>} : memref<6688xi32, #tpu.memory_space<vmem>>, vector<16xi32>,
      %sub3A_572 = vector.broadcast %add3A_447 : i32 to vector<16xi32>
      %sub3A_573 = arith.subi %get3A_571, %sub3A_572 : vector<16xi32>
      %mul3A_574 = arith.constant 16 : i32
      %mul3A_575 = arith.muli %scan3A_567, %mul3A_574 : i32
      %get3A_576 = arith.index_cast %mul3A_575 : i32 to index
      %get3A_577 = tpu.vector_load %arg13[%get3A_576] {strides = array<i32>} : memref<6688xi32, #tpu.memory_space<vmem>>, vector<16xi32>,
      %sub3A_578 = vector.broadcast %add3A_447 : i32 to vector<16xi32>
      %sub3A_579 = arith.subi %get3A_577, %sub3A_578 : vector<16xi32>
      %mul3A_580 = arith.constant 16 : i32
      %mul3A_581 = arith.muli %scan3A_567, %mul3A_580 : i32
      %get3A_582 = arith.index_cast %mul3A_581 : i32 to index
      %get3A_583 = tpu.vector_load %arg14[%get3A_582] {strides = array<i32>} : memref<6688xf32, #tpu.memory_space<vmem>>, vector<16xf32>,
      tpu.vector_store_idx %arg15[%sub3A_579, %sub3A_573], %get3A_583 {add = true} : memref<120x128xf32, #tpu.memory_space<vmem>>[vector<16xi32>, vector<16xi32>], vector<16xf32>,
      %scan3A_584 = arith.constant 5 : i32
      %scan3A_585 = arith.addi %scan3A_495, %scan3A_584 : i32
      %mul3A_586 = arith.constant 16 : i32
      %mul3A_587 = arith.muli %scan3A_585, %mul3A_586 : i32
      %get3A_588 = arith.index_cast %mul3A_587 : i32 to index
      %get3A_589 = tpu.vector_load %arg12[%get3A_588] {strides = array<i32>} : memref<6688xi32, #tpu.memory_space<vmem>>, vector<16xi32>,
      %sub3A_590 = vector.broadcast %add3A_447 : i32 to vector<16xi32>
      %sub3A_591 = arith.subi %get3A_589, %sub3A_590 : vector<16xi32>
      %mul3A_592 = arith.constant 16 : i32
      %mul3A_593 = arith.muli %scan3A_585, %mul3A_592 : i32
      %get3A_594 = arith.index_cast %mul3A_593 : i32 to index
      %get3A_595 = tpu.vector_load %arg13[%get3A_594] {strides = array<i32>} : memref<6688xi32, #tpu.memory_space<vmem>>, vector<16xi32>,
      %sub3A_596 = vector.broadcast %add3A_447 : i32 to vector<16xi32>
      %sub3A_597 = arith.subi %get3A_595, %sub3A_596 : vector<16xi32>
      %mul3A_598 = arith.constant 16 : i32
      %mul3A_599 = arith.muli %scan3A_585, %mul3A_598 : i32
      %get3A_600 = arith.index_cast %mul3A_599 : i32 to index
      %get3A_601 = tpu.vector_load %arg14[%get3A_600] {strides = array<i32>} : memref<6688xf32, #tpu.memory_space<vmem>>, vector<16xf32>,
      tpu.vector_store_idx %arg15[%sub3A_597, %sub3A_591], %get3A_601 {add = true} : memref<120x128xf32, #tpu.memory_space<vmem>>[vector<16xi32>, vector<16xi32>], vector<16xf32>,
      %scan3A_602 = arith.constant 6 : i32
      %scan3A_603 = arith.addi %scan3A_495, %scan3A_602 : i32
      %mul3A_604 = arith.constant 16 : i32
      %mul3A_605 = arith.muli %scan3A_603, %mul3A_604 : i32
      %get3A_606 = arith.index_cast %mul3A_605 : i32 to index
      %get3A_607 = tpu.vector_load %arg12[%get3A_606] {strides = array<i32>} : memref<6688xi32, #tpu.memory_space<vmem>>, vector<16xi32>,
      %sub3A_608 = vector.broadcast %add3A_447 : i32 to vector<16xi32>
      %sub3A_609 = arith.subi %get3A_607, %sub3A_608 : vector<16xi32>
      %mul3A_610 = arith.constant 16 : i32
      %mul3A_611 = arith.muli %scan3A_603, %mul3A_610 : i32
      %get3A_612 = arith.index_cast %mul3A_611 : i32 to index
      %get3A_613 = tpu.vector_load %arg13[%get3A_612] {strides = array<i32>} : memref<6688xi32, #tpu.memory_space<vmem>>, vector<16xi32>,
      %sub3A_614 = vector.broadcast %add3A_447 : i32 to vector<16xi32>
      %sub3A_615 = arith.subi %get3A_613, %sub3A_614 : vector<16xi32>
      %mul3A_616 = arith.constant 16 : i32
      %mul3A_617 = arith.muli %scan3A_603, %mul3A_616 : i32
      %get3A_618 = arith.index_cast %mul3A_617 : i32 to index
      %get3A_619 = tpu.vector_load %arg14[%get3A_618] {strides = array<i32>} : memref<6688xf32, #tpu.memory_space<vmem>>, vector<16xf32>,
      tpu.vector_store_idx %arg15[%sub3A_615, %sub3A_609], %get3A_619 {add = true} : memref<120x128xf32, #tpu.memory_space<vmem>>[vector<16xi32>, vector<16xi32>], vector<16xf32>,
      %scan3A_620 = arith.constant 7 : i32
      %scan3A_621 = arith.addi %scan3A_495, %scan3A_620 : i32
      %mul3A_622 = arith.constant 16 : i32
      %mul3A_623 = arith.muli %scan3A_621, %mul3A_622 : i32
      %get3A_624 = arith.index_cast %mul3A_623 : i32 to index
      %get3A_625 = tpu.vector_load %arg12[%get3A_624] {strides = array<i32>} : memref<6688xi32, #tpu.memory_space<vmem>>, vector<16xi32>,
      %sub3A_626 = vector.broadcast %add3A_447 : i32 to vector<16xi32>
      %sub3A_627 = arith.subi %get3A_625, %sub3A_626 : vector<16xi32>
      %mul3A_628 = arith.constant 16 : i32
      %mul3A_629 = arith.muli %scan3A_621, %mul3A_628 : i32
      %get3A_630 = arith.index_cast %mul3A_629 : i32 to index
      %get3A_631 = tpu.vector_load %arg13[%get3A_630] {strides = array<i32>} : memref<6688xi32, #tpu.memory_space<vmem>>, vector<16xi32>,
      %sub3A_632 = vector.broadcast %add3A_447 : i32 to vector<16xi32>
      %sub3A_633 = arith.subi %get3A_631, %sub3A_632 : vector<16xi32>
      %mul3A_634 = arith.constant 16 : i32
      %mul3A_635 = arith.muli %scan3A_621, %mul3A_634 : i32
      %get3A_636 = arith.index_cast %mul3A_635 : i32 to index
      %get3A_637 = tpu.vector_load %arg14[%get3A_636] {strides = array<i32>} : memref<6688xf32, #tpu.memory_space<vmem>>, vector<16xf32>,
      tpu.vector_store_idx %arg15[%sub3A_633, %sub3A_627], %get3A_637 {add = true} : memref<120x128xf32, #tpu.memory_space<vmem>>[vector<16xi32>, vector<16xi32>], vector<16xf32>,
    }
    %scan3A_467 = arith.constant 416 : i32
    %lt3A_468 = arith.constant 4 : i32
    %lt3A_469 = vector.broadcast %lt3A_468 : i32 to vector<16xi32>
    %lt3A_470 = arith.cmpi slt, %iota3A_448, %lt3A_469 : vector<16xi32>
    %get3A_471 = arith.constant 6672 : index
    %get3A_472 = tpu.vector_load %arg12[%get3A_471] {strides = array<i32>} : memref<6688xi32, #tpu.memory_space<vmem>>, vector<16xi32>,
    %sub3A_473 = vector.broadcast %add3A_447 : i32 to vector<16xi32>
    %sub3A_474 = arith.subi %get3A_472, %sub3A_473 : vector<16xi32>
    %get3A_475 = arith.constant 6672 : index
    %get3A_476 = tpu.vector_load %arg13[%get3A_475] {strides = array<i32>} : memref<6688xi32, #tpu.memory_space<vmem>>, vector<16xi32>,
    %sub3A_477 = vector.broadcast %add3A_447 : i32 to vector<16xi32>
    %sub3A_478 = arith.subi %get3A_476, %sub3A_477 : vector<16xi32>
    %get3A_479 = arith.constant 6672 : index
    %get3A_480 = tpu.vector_load %arg14[%get3A_479] {strides = array<i32>} : memref<6688xf32, #tpu.memory_space<vmem>>, vector<16xf32>,
    tpu.vector_store_idx %arg15[%sub3A_478, %sub3A_474], %get3A_480 masked %lt3A_470 {add = true} : memref<120x128xf32, #tpu.memory_space<vmem>>[vector<16xi32>, vector<16xi32>], vector<16xf32>, vector<16xi1>
    %mul3A_481 = arith.constant 120 : i32
    %mul3A_482 = arith.muli %add3A_435, %mul3A_481 : i32
    %dma_start3A_483 = arith.constant 0 : i32
    %dma_start3A_484 = tpu.memref_slice %arg7[%mul3A_482, %dma_start3A_483] : memref<15360x128xf32, #tpu.memory_space<hbm>> -> memref<120x128xf32, #tpu.memory_space<hbm>>
    %dma_start3A_485 = arith.constant 0 : i32
    %dma_start3A_486 = tpu.memref_slice %arg7[%mul3A_482, %dma_start3A_485] : memref<15360x128xf32, #tpu.memory_space<hbm>> -> memref<120x128xf32, #tpu.memory_space<hbm>>
    tpu.enqueue_dma source(%arg15 : memref<120x128xf32, #tpu.memory_space<vmem>>) target(%dma_start3A_486 : memref<120x128xf32, #tpu.memory_space<hbm>>) target_semaphore(%arg18 : memref<!tpu.dma_semaphore, #tpu.memory_space<semaphore_mem>>)
    %dma_wait3A_487 = arith.constant 0 : i32
    %dma_wait3A_488 = tpu.memref_slice %arg6[%mul3A_429, %dma_wait3A_487] : memref<15360x128xf32, #tpu.memory_space<hbm>> -> memref<120x128xf32, #tpu.memory_space<hbm>>
    %dma_wait3A_489 = arith.constant 0 : i32
    %dma_wait3A_490 = tpu.memref_slice %arg6[%mul3A_429, %dma_wait3A_489] : memref<15360x128xf32, #tpu.memory_space<hbm>> -> memref<120x128xf32, #tpu.memory_space<hbm>>
    tpu.wait_dma2 semaphore(%arg18 : memref<!tpu.dma_semaphore, #tpu.memory_space<semaphore_mem>>) src(%arg11 : memref<120x128xf32, #tpu.memory_space<vmem>>) dst(%dma_wait3A_490 : memref<120x128xf32, #tpu.memory_space<hbm>>)
    %dma_wait3A_491 = arith.constant 0 : i32
    %dma_wait3A_492 = tpu.memref_slice %arg7[%mul3A_482, %dma_wait3A_491] : memref<15360x128xf32, #tpu.memory_space<hbm>> -> memref<120x128xf32, #tpu.memory_space<hbm>>
    %dma_wait3A_493 = arith.constant 0 : i32
    %dma_wait3A_494 = tpu.memref_slice %arg7[%mul3A_482, %dma_wait3A_493] : memref<15360x128xf32, #tpu.memory_space<hbm>> -> memref<120x128xf32, #tpu.memory_space<hbm>>
    tpu.wait_dma2 semaphore(%arg18 : memref<!tpu.dma_semaphore, #tpu.memory_space<semaphore_mem>>) src(%arg15 : memref<120x128xf32, #tpu.memory_space<vmem>>) dst(%dma_wait3A_494 : memref<120x128xf32, #tpu.memory_space<hbm>>)
    return
  }
}

module attributes {stable_mosaic.version = 14 : i64} {
  func.func @_head_body(%arg0: memref<128x7424xf32, #tpu.memory_space<vmem>>, %arg1: memref<128x7424xf32, #tpu.memory_space<vmem>>, %arg2: memref<128x116xf32, #tpu.memory_space<vmem>>, %arg3: memref<7424x128xf32, #tpu.memory_space<vmem>>, %arg4: memref<1x128xf32, #tpu.memory_space<vmem>>, %arg5: memref<128x2xf32, #tpu.memory_space<vmem>>, %arg6: memref<1x2xf32, #tpu.memory_space<vmem>>, %arg7: memref<7424x128xf32, #tpu.memory_space<vmem>>, %arg8: memref<1x128xf32, #tpu.memory_space<vmem>>, %arg9: memref<128x2xf32, #tpu.memory_space<vmem>>, %arg10: memref<1x2xf32, #tpu.memory_space<vmem>>, %arg11: memref<116x64xf32, #tpu.memory_space<vmem>>, %arg12: memref<1x64xf32, #tpu.memory_space<vmem>>, %arg13: memref<64x116xf32, #tpu.memory_space<vmem>>, %arg14: memref<1x116xf32, #tpu.memory_space<vmem>>, %arg15: memref<128x2xf32, #tpu.memory_space<vmem>>, %arg16: memref<128x2xf32, #tpu.memory_space<vmem>>, %arg17: memref<128x116xf32, #tpu.memory_space<vmem>>) attributes {dimension_semantics = [], scalar_prefetch = 0 : i64, scratch_operands = 0 : i64, tpu.core_type = #tpu.core_type<tc>} {
    %get3A = arith.constant 0 : index
    %get3A_0 = arith.constant 0 : index
    %get3A_1 = vector.load %arg0[%get3A, %get3A_0] : memref<128x7424xf32, #tpu.memory_space<vmem>>, vector<128x7424xf32>
    %get3A_2 = arith.constant 0 : index
    %get3A_3 = arith.constant 0 : index
    %get3A_4 = vector.load %arg3[%get3A_2, %get3A_3] : memref<7424x128xf32, #tpu.memory_space<vmem>>, vector<7424x128xf32>
    %get3A_5 = arith.constant 0 : index
    %get3A_6 = arith.constant 0 : index
    %get3A_7 = vector.load %arg4[%get3A_5, %get3A_6] : memref<1x128xf32, #tpu.memory_space<vmem>>, vector<1x128xf32>
    %get3A_8 = arith.constant 0 : index
    %get3A_9 = arith.constant 0 : index
    %get3A_10 = vector.load %arg5[%get3A_8, %get3A_9] : memref<128x2xf32, #tpu.memory_space<vmem>>, vector<128x2xf32>
    %get3A_11 = arith.constant 0 : index
    %get3A_12 = arith.constant 0 : index
    %get3A_13 = vector.load %arg6[%get3A_11, %get3A_12] : memref<1x2xf32, #tpu.memory_space<vmem>>, vector<1x2xf32>
    %dot_general3A = arith.constant dense<0.000000e+00> : vector<128x128xf32>
    %dot_general3A_14 = tpu.matmul %get3A_1, %get3A_4, %dot_general3A {dimension_numbers = #tpu.dot_dimension_numbers<[1], [0], [0], [1], [0, 0, 1, 1], [], []>, transpose_lhs_hint = false} : vector<128x7424xf32>, vector<7424x128xf32>, vector<128x128xf32> -> vector<128x128xf32>
    %add3A = vector.broadcast %get3A_7 : vector<1x128xf32> to vector<128x128xf32>
    %add3A_15 = arith.addf %dot_general3A_14, %add3A : vector<128x128xf32>
    %max3A = arith.constant 0.000000e+00 : f32
    %max3A_16 = vector.broadcast %max3A : f32 to vector<128x128xf32>
    %max3A_17 = arith.maximumf %add3A_15, %max3A_16 : vector<128x128xf32>
    %dot_general3A_18 = arith.constant dense<0.000000e+00> : vector<128x2xf32>
    %dot_general3A_19 = tpu.matmul %max3A_17, %get3A_10, %dot_general3A_18 {dimension_numbers = #tpu.dot_dimension_numbers<[1], [0], [0], [1], [0, 0, 1, 1], [], []>, transpose_lhs_hint = false} : vector<128x128xf32>, vector<128x2xf32>, vector<128x2xf32> -> vector<128x2xf32>
    %add3A_20 = vector.broadcast %get3A_13 : vector<1x2xf32> to vector<128x2xf32>
    %add3A_21 = arith.addf %dot_general3A_19, %add3A_20 : vector<128x2xf32>
    %reduce_max3A = arith.constant dense<0xFF800000> : vector<128xf32>
    %reduce_max3A_22 = vector.multi_reduction <maximumf>, %add3A_21, %reduce_max3A [1] : vector<128x2xf32> to vector<128xf32>
    %broadcast_in_dim3A = vector.shape_cast %reduce_max3A_22 : vector<128xf32> to vector<128x1xf32>
    %sub3A = vector.broadcast %broadcast_in_dim3A : vector<128x1xf32> to vector<128x2xf32>
    %sub3A_23 = arith.subf %add3A_21, %sub3A : vector<128x2xf32>
    %exp3A = math.exp %sub3A_23 : vector<128x2xf32>
    %reduce_sum3A = arith.constant dense<0.000000e+00> : vector<128xf32>
    %reduce_sum3A_24 = vector.multi_reduction <add>, %exp3A, %reduce_sum3A [1] : vector<128x2xf32> to vector<128xf32>
    %broadcast_in_dim3A_25 = vector.shape_cast %reduce_sum3A_24 : vector<128xf32> to vector<128x1xf32>
    %div3A = vector.broadcast %broadcast_in_dim3A_25 : vector<128x1xf32> to vector<128x2xf32>
    %div3A_26 = arith.divf %exp3A, %div3A : vector<128x2xf32>
    %swap3A = arith.constant 0 : index
    %swap3A_27 = arith.constant 0 : index
    %swap3A_28 = vector.load %arg15[%swap3A, %swap3A_27] : memref<128x2xf32, #tpu.memory_space<vmem>>, vector<128x2xf32>
    tpu.vector_store %arg15[%swap3A, %swap3A_27], %div3A_26 {strides = array<i32>} : memref<128x2xf32, #tpu.memory_space<vmem>>, vector<128x2xf32>,
    %get3A_29 = arith.constant 0 : index
    %get3A_30 = arith.constant 0 : index
    %get3A_31 = vector.load %arg1[%get3A_29, %get3A_30] : memref<128x7424xf32, #tpu.memory_space<vmem>>, vector<128x7424xf32>
    %get3A_32 = arith.constant 0 : index
    %get3A_33 = arith.constant 0 : index
    %get3A_34 = vector.load %arg7[%get3A_32, %get3A_33] : memref<7424x128xf32, #tpu.memory_space<vmem>>, vector<7424x128xf32>
    %get3A_35 = arith.constant 0 : index
    %get3A_36 = arith.constant 0 : index
    %get3A_37 = vector.load %arg8[%get3A_35, %get3A_36] : memref<1x128xf32, #tpu.memory_space<vmem>>, vector<1x128xf32>
    %get3A_38 = arith.constant 0 : index
    %get3A_39 = arith.constant 0 : index
    %get3A_40 = vector.load %arg9[%get3A_38, %get3A_39] : memref<128x2xf32, #tpu.memory_space<vmem>>, vector<128x2xf32>
    %get3A_41 = arith.constant 0 : index
    %get3A_42 = arith.constant 0 : index
    %get3A_43 = vector.load %arg10[%get3A_41, %get3A_42] : memref<1x2xf32, #tpu.memory_space<vmem>>, vector<1x2xf32>
    %dot_general3A_44 = arith.constant dense<0.000000e+00> : vector<128x128xf32>
    %dot_general3A_45 = tpu.matmul %get3A_31, %get3A_34, %dot_general3A_44 {dimension_numbers = #tpu.dot_dimension_numbers<[1], [0], [0], [1], [0, 0, 1, 1], [], []>, transpose_lhs_hint = false} : vector<128x7424xf32>, vector<7424x128xf32>, vector<128x128xf32> -> vector<128x128xf32>
    %add3A_46 = vector.broadcast %get3A_37 : vector<1x128xf32> to vector<128x128xf32>
    %add3A_47 = arith.addf %dot_general3A_45, %add3A_46 : vector<128x128xf32>
    %max3A_48 = arith.constant 0.000000e+00 : f32
    %max3A_49 = vector.broadcast %max3A_48 : f32 to vector<128x128xf32>
    %max3A_50 = arith.maximumf %add3A_47, %max3A_49 : vector<128x128xf32>
    %dot_general3A_51 = arith.constant dense<0.000000e+00> : vector<128x2xf32>
    %dot_general3A_52 = tpu.matmul %max3A_50, %get3A_40, %dot_general3A_51 {dimension_numbers = #tpu.dot_dimension_numbers<[1], [0], [0], [1], [0, 0, 1, 1], [], []>, transpose_lhs_hint = false} : vector<128x128xf32>, vector<128x2xf32>, vector<128x2xf32> -> vector<128x2xf32>
    %add3A_53 = vector.broadcast %get3A_43 : vector<1x2xf32> to vector<128x2xf32>
    %add3A_54 = arith.addf %dot_general3A_52, %add3A_53 : vector<128x2xf32>
    %reduce_max3A_55 = arith.constant dense<0xFF800000> : vector<128xf32>
    %reduce_max3A_56 = vector.multi_reduction <maximumf>, %add3A_54, %reduce_max3A_55 [1] : vector<128x2xf32> to vector<128xf32>
    %broadcast_in_dim3A_57 = vector.shape_cast %reduce_max3A_56 : vector<128xf32> to vector<128x1xf32>
    %sub3A_58 = vector.broadcast %broadcast_in_dim3A_57 : vector<128x1xf32> to vector<128x2xf32>
    %sub3A_59 = arith.subf %add3A_54, %sub3A_58 : vector<128x2xf32>
    %exp3A_60 = math.exp %sub3A_59 : vector<128x2xf32>
    %reduce_sum3A_61 = arith.constant dense<0.000000e+00> : vector<128xf32>
    %reduce_sum3A_62 = vector.multi_reduction <add>, %exp3A_60, %reduce_sum3A_61 [1] : vector<128x2xf32> to vector<128xf32>
    %broadcast_in_dim3A_63 = vector.shape_cast %reduce_sum3A_62 : vector<128xf32> to vector<128x1xf32>
    %div3A_64 = vector.broadcast %broadcast_in_dim3A_63 : vector<128x1xf32> to vector<128x2xf32>
    %div3A_65 = arith.divf %exp3A_60, %div3A_64 : vector<128x2xf32>
    %swap3A_66 = arith.constant 0 : index
    %swap3A_67 = arith.constant 0 : index
    %swap3A_68 = vector.load %arg16[%swap3A_66, %swap3A_67] : memref<128x2xf32, #tpu.memory_space<vmem>>, vector<128x2xf32>
    tpu.vector_store %arg16[%swap3A_66, %swap3A_67], %div3A_65 {strides = array<i32>} : memref<128x2xf32, #tpu.memory_space<vmem>>, vector<128x2xf32>,
    %get3A_69 = arith.constant 0 : index
    %get3A_70 = arith.constant 0 : index
    %get3A_71 = vector.load %arg2[%get3A_69, %get3A_70] : memref<128x116xf32, #tpu.memory_space<vmem>>, vector<128x116xf32>
    %get3A_72 = arith.constant 0 : index
    %get3A_73 = arith.constant 0 : index
    %get3A_74 = vector.load %arg11[%get3A_72, %get3A_73] : memref<116x64xf32, #tpu.memory_space<vmem>>, vector<116x64xf32>
    %dot_general3A_75 = arith.constant dense<0.000000e+00> : vector<128x64xf32>
    %dot_general3A_76 = tpu.matmul %get3A_71, %get3A_74, %dot_general3A_75 {dimension_numbers = #tpu.dot_dimension_numbers<[1], [0], [0], [1], [0, 0, 1, 1], [], []>, transpose_lhs_hint = false} : vector<128x116xf32>, vector<116x64xf32>, vector<128x64xf32> -> vector<128x64xf32>
    %get3A_77 = arith.constant 0 : index
    %get3A_78 = arith.constant 0 : index
    %get3A_79 = vector.load %arg12[%get3A_77, %get3A_78] : memref<1x64xf32, #tpu.memory_space<vmem>>, vector<1x64xf32>
    %add3A_80 = vector.broadcast %get3A_79 : vector<1x64xf32> to vector<128x64xf32>
    %add3A_81 = arith.addf %dot_general3A_76, %add3A_80 : vector<128x64xf32>
    %max3A_82 = arith.constant 0.000000e+00 : f32
    %max3A_83 = vector.broadcast %max3A_82 : f32 to vector<128x64xf32>
    %max3A_84 = arith.maximumf %add3A_81, %max3A_83 : vector<128x64xf32>
    %get3A_85 = arith.constant 0 : index
    %get3A_86 = arith.constant 0 : index
    %get3A_87 = vector.load %arg13[%get3A_85, %get3A_86] : memref<64x116xf32, #tpu.memory_space<vmem>>, vector<64x116xf32>
    %dot_general3A_88 = arith.constant dense<0.000000e+00> : vector<128x116xf32>
    %dot_general3A_89 = tpu.matmul %max3A_84, %get3A_87, %dot_general3A_88 {dimension_numbers = #tpu.dot_dimension_numbers<[1], [0], [0], [1], [0, 0, 1, 1], [], []>, transpose_lhs_hint = false} : vector<128x64xf32>, vector<64x116xf32>, vector<128x116xf32> -> vector<128x116xf32>
    %get3A_90 = arith.constant 0 : index
    %get3A_91 = arith.constant 0 : index
    %get3A_92 = vector.load %arg14[%get3A_90, %get3A_91] : memref<1x116xf32, #tpu.memory_space<vmem>>, vector<1x116xf32>
    %add3A_93 = vector.broadcast %get3A_92 : vector<1x116xf32> to vector<128x116xf32>
    %add3A_94 = arith.addf %dot_general3A_89, %add3A_93 : vector<128x116xf32>
    %max3A_95 = arith.constant 0.000000e+00 : f32
    %max3A_96 = vector.broadcast %max3A_95 : f32 to vector<128x116xf32>
    %max3A_97 = arith.maximumf %add3A_94, %max3A_96 : vector<128x116xf32>
    %swap3A_98 = arith.constant 0 : index
    %swap3A_99 = arith.constant 0 : index
    %swap3A_100 = vector.load %arg17[%swap3A_98, %swap3A_99] : memref<128x116xf32, #tpu.memory_space<vmem>>, vector<128x116xf32>
    tpu.vector_store %arg17[%swap3A_98, %swap3A_99], %max3A_97 {strides = array<i32>} : memref<128x116xf32, #tpu.memory_space<vmem>>, vector<128x116xf32>,
    return
  }
}

module attributes {stable_mosaic.version = 14 : i64} {
  func.func @_z_body(%arg0: i32, %arg1: memref<16x232x115xf32, #tpu.memory_space<vmem>>, %arg2: memref<1920x128xf32, #tpu.memory_space<vmem>>, %arg3: memref<1920x128xf32, #tpu.memory_space<vmem>>, %arg4: memref<115x64xf32, #tpu.memory_space<vmem>>, %arg5: memref<1x1x64xf32, #tpu.memory_space<vmem>>, %arg6: memref<115x64xf32, #tpu.memory_space<vmem>>, %arg7: memref<1x1x64xf32, #tpu.memory_space<vmem>>, %arg8: memref<1x1x128xf32, #tpu.memory_space<vmem>>, %arg9: memref<1x1x1xf32, #tpu.memory_space<vmem>>, %arg10: memref<16x7424xf32, #tpu.memory_space<vmem>>, %arg11: memref<16x7424xf32, #tpu.memory_space<vmem>>, %arg12: memref<16x116xf32, #tpu.memory_space<vmem>>) attributes {dimension_semantics = [#tpu.dimension_semantics<arbitrary>], iteration_bounds = array<i64: 8>, scalar_prefetch = 0 : i64, scratch_operands = 0 : i64, tpu.core_type = #tpu.core_type<tc>, window_params = [{transform_indices = @transform_0, window_bounds = array<i64: 16, 232, 115>}, {transform_indices = @transform_1, window_bounds = array<i64: 1920, 128>}, {transform_indices = @transform_2, window_bounds = array<i64: 1920, 128>}, {pipeline_mode = #tpu.pipeline_mode<synchronous>, transform_indices = @transform_3, window_bounds = array<i64: 115, 64>}, {pipeline_mode = #tpu.pipeline_mode<synchronous>, transform_indices = @transform_4, window_bounds = array<i64: 1, 1, 64>}, {pipeline_mode = #tpu.pipeline_mode<synchronous>, transform_indices = @transform_5, window_bounds = array<i64: 115, 64>}, {pipeline_mode = #tpu.pipeline_mode<synchronous>, transform_indices = @transform_6, window_bounds = array<i64: 1, 1, 64>}, {pipeline_mode = #tpu.pipeline_mode<synchronous>, transform_indices = @transform_7, window_bounds = array<i64: 1, 1, 128>}, {pipeline_mode = #tpu.pipeline_mode<synchronous>, transform_indices = @transform_8, window_bounds = array<i64: 1, 1, 1>}, {transform_indices = @transform_9, window_bounds = array<i64: 16, 7424>}, {transform_indices = @transform_10, window_bounds = array<i64: 16, 7424>}, {transform_indices = @transform_11, window_bounds = array<i64: 16, 116>}]} {
    %get3A = arith.constant 0 : index
    %get3A_0 = arith.constant 0 : index
    %get3A_1 = arith.constant 0 : index
    %get3A_2 = vector.load %arg1[%get3A, %get3A_0, %get3A_1] : memref<16x232x115xf32, #tpu.memory_space<vmem>>, vector<16x232x115xf32>
    %get3A_3 = arith.constant 0 : index
    %get3A_4 = arith.constant 0 : index
    %get3A_5 = vector.load %arg2[%get3A_3, %get3A_4] : memref<1920x128xf32, #tpu.memory_space<vmem>>, vector<1920x128xf32>
    %reshape3A = vector.shape_cast %get3A_5 : vector<1920x128xf32> to vector<16x120x128xf32>
    %slice3A = vector.extract_strided_slice %reshape3A {offsets = [0, 0, 0], sizes = [16, 116, 116], strides = [1, 1, 1]} : vector<16x120x128xf32> to vector<16x116x116xf32>
    %get3A_6 = arith.constant 0 : index
    %get3A_7 = arith.constant 0 : index
    %get3A_8 = vector.load %arg3[%get3A_6, %get3A_7] : memref<1920x128xf32, #tpu.memory_space<vmem>>, vector<1920x128xf32>
    %reshape3A_9 = vector.shape_cast %get3A_8 : vector<1920x128xf32> to vector<16x120x128xf32>
    %slice3A_10 = vector.extract_strided_slice %reshape3A_9 {offsets = [0, 0, 0], sizes = [16, 116, 116], strides = [1, 1, 1]} : vector<16x120x128xf32> to vector<16x116x116xf32>
    %slice3A_11 = vector.extract_strided_slice %get3A_2 {offsets = [0, 0, 0], sizes = [16, 116, 115], strides = [1, 1, 1]} : vector<16x232x115xf32> to vector<16x116x115xf32>
    %get3A_12 = arith.constant 0 : index
    %get3A_13 = arith.constant 0 : index
    %get3A_14 = vector.load %arg4[%get3A_12, %get3A_13] : memref<115x64xf32, #tpu.memory_space<vmem>>, vector<115x64xf32>
    %get3A_15 = arith.constant 0 : index
    %get3A_16 = arith.constant 0 : index
    %get3A_17 = arith.constant 0 : index
    %get3A_18 = vector.load %arg5[%get3A_15, %get3A_16, %get3A_17] : memref<1x1x64xf32, #tpu.memory_space<vmem>>, vector<1x1x64xf32>
    %dot_general3A = arith.constant dense<0.000000e+00> : vector<16x116x64xf32>
    %dot_general3A_19 = tpu.matmul %slice3A_11, %get3A_14, %dot_general3A {dimension_numbers = #tpu.dot_dimension_numbers<[2], [0], [0, 1], [1], [0, 0, 0, 1, 1, 1], [], []>, transpose_lhs_hint = false} : vector<16x116x115xf32>, vector<115x64xf32>, vector<16x116x64xf32> -> vector<16x116x64xf32>
    %reduce_sum3A = arith.constant dense<0.000000e+00> : vector<16x116xf32>
    %reduce_sum3A_20 = vector.multi_reduction <add>, %slice3A, %reduce_sum3A [2] : vector<16x116x116xf32> to vector<16x116xf32>
    %broadcast_in_dim3A = vector.shape_cast %reduce_sum3A_20 : vector<16x116xf32> to vector<16x116x1xf32>
    %add3A = arith.constant 1.000000e+00 : f32
    %add3A_21 = vector.broadcast %add3A : f32 to vector<16x116x1xf32>
    %add3A_22 = arith.addf %broadcast_in_dim3A, %add3A_21 : vector<16x116x1xf32>
    %rsqrt3A = math.rsqrt %add3A_22 : vector<16x116x1xf32>
    %mul3A = vector.broadcast %rsqrt3A : vector<16x116x1xf32> to vector<16x116x64xf32>
    %mul3A_23 = arith.mulf %mul3A, %dot_general3A_19 : vector<16x116x64xf32>
    %dot_general3A_24 = arith.constant dense<0.000000e+00> : vector<16x116x64xf32>
    %dot_general3A_25 = tpu.matmul %slice3A, %mul3A_23, %dot_general3A_24 {dimension_numbers = #tpu.dot_dimension_numbers<[2], [1], [1], [2], [0, 0, 0, 1, 1, 2], [0], [0]>, transpose_lhs_hint = false} : vector<16x116x116xf32>, vector<16x116x64xf32>, vector<16x116x64xf32> -> vector<16x116x64xf32>
    %mul3A_26 = vector.broadcast %rsqrt3A : vector<16x116x1xf32> to vector<16x116x64xf32>
    %mul3A_27 = arith.mulf %mul3A_26, %dot_general3A_25 : vector<16x116x64xf32>
    %mul3A_28 = arith.mulf %rsqrt3A, %rsqrt3A : vector<16x116x1xf32>
    %mul3A_29 = vector.broadcast %mul3A_28 : vector<16x116x1xf32> to vector<16x116x64xf32>
    %mul3A_30 = arith.mulf %mul3A_29, %dot_general3A_19 : vector<16x116x64xf32>
    %add3A_31 = arith.addf %mul3A_27, %mul3A_30 : vector<16x116x64xf32>
    %add3A_32 = vector.broadcast %get3A_18 : vector<1x1x64xf32> to vector<16x116x64xf32>
    %add3A_33 = arith.addf %add3A_31, %add3A_32 : vector<16x116x64xf32>
    %max3A = arith.constant 0.000000e+00 : f32
    %max3A_34 = vector.broadcast %max3A : f32 to vector<16x116x64xf32>
    %max3A_35 = arith.maximumf %add3A_33, %max3A_34 : vector<16x116x64xf32>
    %slice3A_36 = vector.extract_strided_slice %get3A_2 {offsets = [0, 116, 0], sizes = [16, 116, 115], strides = [1, 1, 1]} : vector<16x232x115xf32> to vector<16x116x115xf32>
    %get3A_37 = arith.constant 0 : index
    %get3A_38 = arith.constant 0 : index
    %get3A_39 = vector.load %arg6[%get3A_37, %get3A_38] : memref<115x64xf32, #tpu.memory_space<vmem>>, vector<115x64xf32>
    %get3A_40 = arith.constant 0 : index
    %get3A_41 = arith.constant 0 : index
    %get3A_42 = arith.constant 0 : index
    %get3A_43 = vector.load %arg7[%get3A_40, %get3A_41, %get3A_42] : memref<1x1x64xf32, #tpu.memory_space<vmem>>, vector<1x1x64xf32>
    %dot_general3A_44 = arith.constant dense<0.000000e+00> : vector<16x116x64xf32>
    %dot_general3A_45 = tpu.matmul %slice3A_36, %get3A_39, %dot_general3A_44 {dimension_numbers = #tpu.dot_dimension_numbers<[2], [0], [0, 1], [1], [0, 0, 0, 1, 1, 1], [], []>, transpose_lhs_hint = false} : vector<16x116x115xf32>, vector<115x64xf32>, vector<16x116x64xf32> -> vector<16x116x64xf32>
    %reduce_sum3A_46 = arith.constant dense<0.000000e+00> : vector<16x116xf32>
    %reduce_sum3A_47 = vector.multi_reduction <add>, %slice3A_10, %reduce_sum3A_46 [2] : vector<16x116x116xf32> to vector<16x116xf32>
    %broadcast_in_dim3A_48 = vector.shape_cast %reduce_sum3A_47 : vector<16x116xf32> to vector<16x116x1xf32>
    %add3A_49 = arith.constant 1.000000e+00 : f32
    %add3A_50 = vector.broadcast %add3A_49 : f32 to vector<16x116x1xf32>
    %add3A_51 = arith.addf %broadcast_in_dim3A_48, %add3A_50 : vector<16x116x1xf32>
    %rsqrt3A_52 = math.rsqrt %add3A_51 : vector<16x116x1xf32>
    %mul3A_53 = vector.broadcast %rsqrt3A_52 : vector<16x116x1xf32> to vector<16x116x64xf32>
    %mul3A_54 = arith.mulf %mul3A_53, %dot_general3A_45 : vector<16x116x64xf32>
    %dot_general3A_55 = arith.constant dense<0.000000e+00> : vector<16x116x64xf32>
    %dot_general3A_56 = tpu.matmul %slice3A_10, %mul3A_54, %dot_general3A_55 {dimension_numbers = #tpu.dot_dimension_numbers<[2], [1], [1], [2], [0, 0, 0, 1, 1, 2], [0], [0]>, transpose_lhs_hint = false} : vector<16x116x116xf32>, vector<16x116x64xf32>, vector<16x116x64xf32> -> vector<16x116x64xf32>
    %mul3A_57 = vector.broadcast %rsqrt3A_52 : vector<16x116x1xf32> to vector<16x116x64xf32>
    %mul3A_58 = arith.mulf %mul3A_57, %dot_general3A_56 : vector<16x116x64xf32>
    %mul3A_59 = arith.mulf %rsqrt3A_52, %rsqrt3A_52 : vector<16x116x1xf32>
    %mul3A_60 = vector.broadcast %mul3A_59 : vector<16x116x1xf32> to vector<16x116x64xf32>
    %mul3A_61 = arith.mulf %mul3A_60, %dot_general3A_45 : vector<16x116x64xf32>
    %add3A_62 = arith.addf %mul3A_58, %mul3A_61 : vector<16x116x64xf32>
    %add3A_63 = vector.broadcast %get3A_43 : vector<1x1x64xf32> to vector<16x116x64xf32>
    %add3A_64 = arith.addf %add3A_62, %add3A_63 : vector<16x116x64xf32>
    %max3A_65 = arith.constant 0.000000e+00 : f32
    %max3A_66 = vector.broadcast %max3A_65 : f32 to vector<16x116x64xf32>
    %max3A_67 = arith.maximumf %add3A_64, %max3A_66 : vector<16x116x64xf32>
    %reshape3A_68 = vector.shape_cast %max3A_35 : vector<16x116x64xf32> to vector<16x7424xf32>
    %swap3A = arith.constant 0 : index
    %swap3A_69 = arith.constant 0 : index
    %swap3A_70 = vector.load %arg10[%swap3A, %swap3A_69] : memref<16x7424xf32, #tpu.memory_space<vmem>>, vector<16x7424xf32>
    tpu.vector_store %arg10[%swap3A, %swap3A_69], %reshape3A_68 {strides = array<i32>} : memref<16x7424xf32, #tpu.memory_space<vmem>>, vector<16x7424xf32>,
    %reshape3A_71 = vector.shape_cast %max3A_67 : vector<16x116x64xf32> to vector<16x7424xf32>
    %swap3A_72 = arith.constant 0 : index
    %swap3A_73 = arith.constant 0 : index
    %swap3A_74 = vector.load %arg11[%swap3A_72, %swap3A_73] : memref<16x7424xf32, #tpu.memory_space<vmem>>, vector<16x7424xf32>
    tpu.vector_store %arg11[%swap3A_72, %swap3A_73], %reshape3A_71 {strides = array<i32>} : memref<16x7424xf32, #tpu.memory_space<vmem>>, vector<16x7424xf32>,
    %get3A_75 = arith.constant 0 : index
    %get3A_76 = arith.constant 0 : index
    %get3A_77 = arith.constant 0 : index
    %get3A_78 = vector.load %arg8[%get3A_75, %get3A_76, %get3A_77] : memref<1x1x128xf32, #tpu.memory_space<vmem>>, vector<1x1x128xf32>
    %slice3A_79 = vector.extract_strided_slice %get3A_78 {offsets = [0, 0, 0], sizes = [1, 1, 64], strides = [1, 1, 1]} : vector<1x1x128xf32> to vector<1x1x64xf32>
    %mul3A_80 = vector.broadcast %slice3A_79 : vector<1x1x64xf32> to vector<16x116x64xf32>
    %mul3A_81 = arith.mulf %max3A_35, %mul3A_80 : vector<16x116x64xf32>
    %reduce_sum3A_82 = arith.constant dense<0.000000e+00> : vector<16x116xf32>
    %reduce_sum3A_83 = vector.multi_reduction <add>, %mul3A_81, %reduce_sum3A_82 [2] : vector<16x116x64xf32> to vector<16x116xf32>
    %slice3A_84 = vector.extract_strided_slice %get3A_78 {offsets = [0, 0, 64], sizes = [1, 1, 64], strides = [1, 1, 1]} : vector<1x1x128xf32> to vector<1x1x64xf32>
    %mul3A_85 = vector.broadcast %slice3A_84 : vector<1x1x64xf32> to vector<16x116x64xf32>
    %mul3A_86 = arith.mulf %max3A_67, %mul3A_85 : vector<16x116x64xf32>
    %reduce_sum3A_87 = arith.constant dense<0.000000e+00> : vector<16x116xf32>
    %reduce_sum3A_88 = vector.multi_reduction <add>, %mul3A_86, %reduce_sum3A_87 [2] : vector<16x116x64xf32> to vector<16x116xf32>
    %add3A_89 = arith.addf %reduce_sum3A_83, %reduce_sum3A_88 : vector<16x116xf32>
    %get3A_90 = arith.constant 0 : index
    %get3A_91 = arith.constant 0 : index
    %get3A_92 = arith.constant 0 : index
    %get3A_93 = vector.load %arg9[%get3A_90, %get3A_91, %get3A_92] : memref<1x1x1xf32, #tpu.memory_space<vmem>>, vector<1x1x1xf32>
    %get3A_94 = vector.extract %get3A_93[0, 0, 0] : f32 from vector<1x1x1xf32>
    %add3A_95 = vector.broadcast %get3A_94 : f32 to vector<16x116xf32>
    %add3A_96 = arith.addf %add3A_89, %add3A_95 : vector<16x116xf32>
    %swap3A_97 = arith.constant 0 : index
    %swap3A_98 = arith.constant 0 : index
    %swap3A_99 = vector.load %arg12[%swap3A_97, %swap3A_98] : memref<16x116xf32, #tpu.memory_space<vmem>>, vector<16x116xf32>
    tpu.vector_store %arg12[%swap3A_97, %swap3A_98], %add3A_96 {strides = array<i32>} : memref<16x116xf32, #tpu.memory_space<vmem>>, vector<16x116xf32>,
    return
  }
  func.func @transform_0(%arg0: i32) -> (i32, i32, i32) {
    %c0_i32 = arith.constant 0 : i32
    %c0_i32_0 = arith.constant 0 : i32
    %c0_i32_1 = arith.constant 0 : i32
    return %arg0, %c0_i32, %c0_i32_0 : i32, i32, i32
  }
  func.func @transform_1(%arg0: i32) -> (i32, i32) {
    %c0_i32 = arith.constant 0 : i32
    %c0_i32_0 = arith.constant 0 : i32
    return %arg0, %c0_i32 : i32, i32
  }
  func.func @transform_2(%arg0: i32) -> (i32, i32) {
    %c0_i32 = arith.constant 0 : i32
    %c0_i32_0 = arith.constant 0 : i32
    return %arg0, %c0_i32 : i32, i32
  }
  func.func @transform_3(%arg0: i32) -> (i32, i32) {
    %c0_i32 = arith.constant 0 : i32
    %c0_i32_0 = arith.constant 0 : i32
    %c0_i32_1 = arith.constant 0 : i32
    return %c0_i32, %c0_i32_0 : i32, i32
  }
  func.func @transform_4(%arg0: i32) -> (i32, i32, i32) {
    %c0_i32 = arith.constant 0 : i32
    %c0_i32_0 = arith.constant 0 : i32
    %c0_i32_1 = arith.constant 0 : i32
    %c0_i32_2 = arith.constant 0 : i32
    return %c0_i32, %c0_i32_0, %c0_i32_1 : i32, i32, i32
  }
  func.func @transform_5(%arg0: i32) -> (i32, i32) {
    %c0_i32 = arith.constant 0 : i32
    %c0_i32_0 = arith.constant 0 : i32
    %c0_i32_1 = arith.constant 0 : i32
    return %c0_i32, %c0_i32_0 : i32, i32
  }
  func.func @transform_6(%arg0: i32) -> (i32, i32, i32) {
    %c0_i32 = arith.constant 0 : i32
    %c0_i32_0 = arith.constant 0 : i32
    %c0_i32_1 = arith.constant 0 : i32
    %c0_i32_2 = arith.constant 0 : i32
    return %c0_i32, %c0_i32_0, %c0_i32_1 : i32, i32, i32
  }
  func.func @transform_7(%arg0: i32) -> (i32, i32, i32) {
    %c0_i32 = arith.constant 0 : i32
    %c0_i32_0 = arith.constant 0 : i32
    %c0_i32_1 = arith.constant 0 : i32
    %c0_i32_2 = arith.constant 0 : i32
    return %c0_i32, %c0_i32_0, %c0_i32_1 : i32, i32, i32
  }
  func.func @transform_8(%arg0: i32) -> (i32, i32, i32) {
    %c0_i32 = arith.constant 0 : i32
    %c0_i32_0 = arith.constant 0 : i32
    %c0_i32_1 = arith.constant 0 : i32
    %c0_i32_2 = arith.constant 0 : i32
    return %c0_i32, %c0_i32_0, %c0_i32_1 : i32, i32, i32
  }
  func.func @transform_9(%arg0: i32) -> (i32, i32) {
    %c0_i32 = arith.constant 0 : i32
    %c0_i32_0 = arith.constant 0 : i32
    return %arg0, %c0_i32 : i32, i32
  }
  func.func @transform_10(%arg0: i32) -> (i32, i32) {
    %c0_i32 = arith.constant 0 : i32
    %c0_i32_0 = arith.constant 0 : i32
    return %arg0, %c0_i32 : i32, i32
  }
  func.func @transform_11(%arg0: i32) -> (i32, i32) {
    %c0_i32 = arith.constant 0 : i32
    %c0_i32_0 = arith.constant 0 : i32
    return %arg0, %c0_i32 : i32, i32
  }
}

module attributes {stable_mosaic.version = 14 : i64} {
  func.func @_g2_body(%arg0: i32, %arg1: memref<16x7424xf32, #tpu.memory_space<vmem>>, %arg2: memref<16x7424xf32, #tpu.memory_space<vmem>>, %arg3: memref<16x116xf32, #tpu.memory_space<vmem>>, %arg4: memref<1920x128xf32, #tpu.memory_space<vmem>>, %arg5: memref<1920x128xf32, #tpu.memory_space<vmem>>, %arg6: memref<64x64xf32, #tpu.memory_space<vmem>>, %arg7: memref<1x1x64xf32, #tpu.memory_space<vmem>>, %arg8: memref<16x14848xf32, #tpu.memory_space<vmem>>) attributes {dimension_semantics = [#tpu.dimension_semantics<arbitrary>], iteration_bounds = array<i64: 8>, scalar_prefetch = 0 : i64, scratch_operands = 0 : i64, tpu.core_type = #tpu.core_type<tc>, window_params = [{transform_indices = @transform_0, window_bounds = array<i64: 16, 7424>}, {transform_indices = @transform_1, window_bounds = array<i64: 16, 7424>}, {transform_indices = @transform_2, window_bounds = array<i64: 16, 116>}, {transform_indices = @transform_3, window_bounds = array<i64: 1920, 128>}, {transform_indices = @transform_4, window_bounds = array<i64: 1920, 128>}, {pipeline_mode = #tpu.pipeline_mode<synchronous>, transform_indices = @transform_5, window_bounds = array<i64: 64, 64>}, {pipeline_mode = #tpu.pipeline_mode<synchronous>, transform_indices = @transform_6, window_bounds = array<i64: 1, 1, 64>}, {transform_indices = @transform_7, window_bounds = array<i64: 16, 14848>}]} {
    %get3A = arith.constant 0 : index
    %get3A_0 = arith.constant 0 : index
    %get3A_1 = vector.load %arg4[%get3A, %get3A_0] : memref<1920x128xf32, #tpu.memory_space<vmem>>, vector<1920x128xf32>
    %reshape3A = vector.shape_cast %get3A_1 : vector<1920x128xf32> to vector<16x120x128xf32>
    %slice3A = vector.extract_strided_slice %reshape3A {offsets = [0, 0, 0], sizes = [16, 116, 116], strides = [1, 1, 1]} : vector<16x120x128xf32> to vector<16x116x116xf32>
    %get3A_2 = arith.constant 0 : index
    %get3A_3 = arith.constant 0 : index
    %get3A_4 = vector.load %arg5[%get3A_2, %get3A_3] : memref<1920x128xf32, #tpu.memory_space<vmem>>, vector<1920x128xf32>
    %reshape3A_5 = vector.shape_cast %get3A_4 : vector<1920x128xf32> to vector<16x120x128xf32>
    %slice3A_6 = vector.extract_strided_slice %reshape3A_5 {offsets = [0, 0, 0], sizes = [16, 116, 116], strides = [1, 1, 1]} : vector<16x120x128xf32> to vector<16x116x116xf32>
    %get3A_7 = arith.constant 0 : index
    %get3A_8 = arith.constant 0 : index
    %get3A_9 = vector.load %arg3[%get3A_7, %get3A_8] : memref<16x116xf32, #tpu.memory_space<vmem>>, vector<16x116xf32>
    %reshape3A_10 = vector.shape_cast %get3A_9 : vector<16x116xf32> to vector<16x116x1xf32>
    %get3A_11 = arith.constant 0 : index
    %get3A_12 = arith.constant 0 : index
    %get3A_13 = arith.constant 0 : index
    %get3A_14 = vector.load %arg7[%get3A_11, %get3A_12, %get3A_13] : memref<1x1x64xf32, #tpu.memory_space<vmem>>, vector<1x1x64xf32>
    %get3A_15 = arith.constant 0 : index
    %get3A_16 = arith.constant 0 : index
    %get3A_17 = vector.load %arg6[%get3A_15, %get3A_16] : memref<64x64xf32, #tpu.memory_space<vmem>>, vector<64x64xf32>
    %get3A_18 = arith.constant 0 : index
    %get3A_19 = arith.constant 0 : index
    %get3A_20 = vector.load %arg1[%get3A_18, %get3A_19] : memref<16x7424xf32, #tpu.memory_space<vmem>>, vector<16x7424xf32>
    %reshape3A_21 = vector.shape_cast %get3A_20 : vector<16x7424xf32> to vector<16x116x64xf32>
    %get3A_22 = arith.constant 0 : index
    %get3A_23 = arith.constant 0 : index
    %get3A_24 = vector.load %arg2[%get3A_22, %get3A_23] : memref<16x7424xf32, #tpu.memory_space<vmem>>, vector<16x7424xf32>
    %reshape3A_25 = vector.shape_cast %get3A_24 : vector<16x7424xf32> to vector<16x116x64xf32>
    %dot_general3A = arith.constant dense<0.000000e+00> : vector<16x116x64xf32>
    %dot_general3A_26 = tpu.matmul %reshape3A_21, %get3A_17, %dot_general3A {dimension_numbers = #tpu.dot_dimension_numbers<[2], [0], [0, 1], [1], [0, 0, 0, 1, 1, 1], [], []>, transpose_lhs_hint = false} : vector<16x116x64xf32>, vector<64x64xf32>, vector<16x116x64xf32> -> vector<16x116x64xf32>
    %dot_general3A_27 = arith.constant dense<0.000000e+00> : vector<16x116x64xf32>
    %dot_general3A_28 = tpu.matmul %reshape3A_25, %get3A_17, %dot_general3A_27 {dimension_numbers = #tpu.dot_dimension_numbers<[2], [0], [0, 1], [1], [0, 0, 0, 1, 1, 1], [], []>, transpose_lhs_hint = false} : vector<16x116x64xf32>, vector<64x64xf32>, vector<16x116x64xf32> -> vector<16x116x64xf32>
    %reduce_sum3A = arith.constant dense<0.000000e+00> : vector<16x116xf32>
    %reduce_sum3A_29 = vector.multi_reduction <add>, %slice3A, %reduce_sum3A [2] : vector<16x116x116xf32> to vector<16x116xf32>
    %broadcast_in_dim3A = vector.shape_cast %reduce_sum3A_29 : vector<16x116xf32> to vector<16x116x1xf32>
    %add3A = arith.constant 1.000000e+00 : f32
    %add3A_30 = vector.broadcast %add3A : f32 to vector<16x116x1xf32>
    %add3A_31 = arith.addf %broadcast_in_dim3A, %add3A_30 : vector<16x116x1xf32>
    %reduce_sum3A_32 = arith.constant dense<0.000000e+00> : vector<16x116xf32>
    %reduce_sum3A_33 = vector.multi_reduction <add>, %slice3A_6, %reduce_sum3A_32 [2] : vector<16x116x116xf32> to vector<16x116xf32>
    %broadcast_in_dim3A_34 = vector.shape_cast %reduce_sum3A_33 : vector<16x116xf32> to vector<16x116x1xf32>
    %add3A_35 = arith.addf %broadcast_in_dim3A_34, %reshape3A_10 : vector<16x116x1xf32>
    %add3A_36 = arith.constant 1.000000e+00 : f32
    %add3A_37 = vector.broadcast %add3A_36 : f32 to vector<16x116x1xf32>
    %add3A_38 = arith.addf %add3A_35, %add3A_37 : vector<16x116x1xf32>
    %rsqrt3A = math.rsqrt %add3A_31 : vector<16x116x1xf32>
    %rsqrt3A_39 = math.rsqrt %add3A_38 : vector<16x116x1xf32>
    %mul3A = vector.broadcast %rsqrt3A : vector<16x116x1xf32> to vector<16x116x64xf32>
    %mul3A_40 = arith.mulf %mul3A, %dot_general3A_26 : vector<16x116x64xf32>
    %dot_general3A_41 = arith.constant dense<0.000000e+00> : vector<16x116x64xf32>
    %dot_general3A_42 = tpu.matmul %slice3A, %mul3A_40, %dot_general3A_41 {dimension_numbers = #tpu.dot_dimension_numbers<[2], [1], [1], [2], [0, 0, 0, 1, 1, 2], [0], [0]>, transpose_lhs_hint = false} : vector<16x116x116xf32>, vector<16x116x64xf32>, vector<16x116x64xf32> -> vector<16x116x64xf32>
    %mul3A_43 = vector.broadcast %rsqrt3A : vector<16x116x1xf32> to vector<16x116x64xf32>
    %mul3A_44 = arith.mulf %mul3A_43, %dot_general3A_42 : vector<16x116x64xf32>
    %mul3A_45 = arith.mulf %rsqrt3A, %rsqrt3A : vector<16x116x1xf32>
    %mul3A_46 = vector.broadcast %mul3A_45 : vector<16x116x1xf32> to vector<16x116x64xf32>
    %mul3A_47 = arith.mulf %mul3A_46, %dot_general3A_26 : vector<16x116x64xf32>
    %add3A_48 = arith.addf %mul3A_44, %mul3A_47 : vector<16x116x64xf32>
    %add3A_49 = vector.broadcast %get3A_14 : vector<1x1x64xf32> to vector<16x116x64xf32>
    %add3A_50 = arith.addf %add3A_48, %add3A_49 : vector<16x116x64xf32>
    %mul3A_51 = vector.broadcast %rsqrt3A_39 : vector<16x116x1xf32> to vector<16x116x64xf32>
    %mul3A_52 = arith.mulf %mul3A_51, %dot_general3A_28 : vector<16x116x64xf32>
    %dot_general3A_53 = arith.constant dense<0.000000e+00> : vector<16x116x64xf32>
    %dot_general3A_54 = tpu.matmul %slice3A_6, %mul3A_52, %dot_general3A_53 {dimension_numbers = #tpu.dot_dimension_numbers<[2], [1], [1], [2], [0, 0, 0, 1, 1, 2], [0], [0]>, transpose_lhs_hint = false} : vector<16x116x116xf32>, vector<16x116x64xf32>, vector<16x116x64xf32> -> vector<16x116x64xf32>
    %mul3A_55 = vector.broadcast %rsqrt3A_39 : vector<16x116x1xf32> to vector<16x116x64xf32>
    %mul3A_56 = arith.mulf %mul3A_55, %dot_general3A_54 : vector<16x116x64xf32>
    %mul3A_57 = arith.mulf %rsqrt3A_39, %rsqrt3A_39 : vector<16x116x1xf32>
    %mul3A_58 = vector.broadcast %mul3A_57 : vector<16x116x1xf32> to vector<16x116x64xf32>
    %mul3A_59 = arith.mulf %mul3A_58, %dot_general3A_28 : vector<16x116x64xf32>
    %add3A_60 = arith.addf %mul3A_56, %mul3A_59 : vector<16x116x64xf32>
    %mul3A_61 = arith.mulf %rsqrt3A_39, %reshape3A_10 : vector<16x116x1xf32>
    %mul3A_62 = arith.mulf %mul3A_61, %rsqrt3A : vector<16x116x1xf32>
    %mul3A_63 = vector.broadcast %mul3A_62 : vector<16x116x1xf32> to vector<16x116x64xf32>
    %mul3A_64 = arith.mulf %mul3A_63, %dot_general3A_26 : vector<16x116x64xf32>
    %add3A_65 = arith.addf %add3A_60, %mul3A_64 : vector<16x116x64xf32>
    %add3A_66 = vector.broadcast %get3A_14 : vector<1x1x64xf32> to vector<16x116x64xf32>
    %add3A_67 = arith.addf %add3A_65, %add3A_66 : vector<16x116x64xf32>
    %concatenate3A = tpu.concatenate %add3A_50, %add3A_67 in 1 : vector<16x116x64xf32>, vector<16x116x64xf32> -> vector<16x232x64xf32>
    %max3A = arith.constant 0.000000e+00 : f32
    %max3A_68 = vector.broadcast %max3A : f32 to vector<16x232x64xf32>
    %max3A_69 = arith.maximumf %concatenate3A, %max3A_68 : vector<16x232x64xf32>
    %reshape3A_70 = vector.shape_cast %max3A_69 : vector<16x232x64xf32> to vector<16x14848xf32>
    %swap3A = arith.constant 0 : index
    %swap3A_71 = arith.constant 0 : index
    %swap3A_72 = vector.load %arg8[%swap3A, %swap3A_71] : memref<16x14848xf32, #tpu.memory_space<vmem>>, vector<16x14848xf32>
    tpu.vector_store %arg8[%swap3A, %swap3A_71], %reshape3A_70 {strides = array<i32>} : memref<16x14848xf32, #tpu.memory_space<vmem>>, vector<16x14848xf32>,
    return
  }
  func.func @transform_0(%arg0: i32) -> (i32, i32) {
    %c0_i32 = arith.constant 0 : i32
    %c0_i32_0 = arith.constant 0 : i32
    return %arg0, %c0_i32 : i32, i32
  }
  func.func @transform_1(%arg0: i32) -> (i32, i32) {
    %c0_i32 = arith.constant 0 : i32
    %c0_i32_0 = arith.constant 0 : i32
    return %arg0, %c0_i32 : i32, i32
  }
  func.func @transform_2(%arg0: i32) -> (i32, i32) {
    %c0_i32 = arith.constant 0 : i32
    %c0_i32_0 = arith.constant 0 : i32
    return %arg0, %c0_i32 : i32, i32
  }
  func.func @transform_3(%arg0: i32) -> (i32, i32) {
    %c0_i32 = arith.constant 0 : i32
    %c0_i32_0 = arith.constant 0 : i32
    return %arg0, %c0_i32 : i32, i32
  }
  func.func @transform_4(%arg0: i32) -> (i32, i32) {
    %c0_i32 = arith.constant 0 : i32
    %c0_i32_0 = arith.constant 0 : i32
    return %arg0, %c0_i32 : i32, i32
  }
  func.func @transform_5(%arg0: i32) -> (i32, i32) {
    %c0_i32 = arith.constant 0 : i32
    %c0_i32_0 = arith.constant 0 : i32
    %c0_i32_1 = arith.constant 0 : i32
    return %c0_i32, %c0_i32_0 : i32, i32
  }
  func.func @transform_6(%arg0: i32) -> (i32, i32, i32) {
    %c0_i32 = arith.constant 0 : i32
    %c0_i32_0 = arith.constant 0 : i32
    %c0_i32_1 = arith.constant 0 : i32
    %c0_i32_2 = arith.constant 0 : i32
    return %c0_i32, %c0_i32_0, %c0_i32_1 : i32, i32, i32
  }
  func.func @transform_7(%arg0: i32) -> (i32, i32) {
    %c0_i32 = arith.constant 0 : i32
    %c0_i32_0 = arith.constant 0 : i32
    return %arg0, %c0_i32 : i32, i32
  }
}

module attributes {stable_mosaic.version = 14 : i64} {
  func.func @_final_body(%arg0: memref<128x14848xf32, #tpu.memory_space<vmem>>, %arg1: memref<14848x128xf32, #tpu.memory_space<vmem>>, %arg2: memref<1x128xf32, #tpu.memory_space<vmem>>, %arg3: memref<128x2xf32, #tpu.memory_space<vmem>>, %arg4: memref<1x2xf32, #tpu.memory_space<vmem>>, %arg5: memref<128x2xf32, #tpu.memory_space<vmem>>) attributes {dimension_semantics = [], scalar_prefetch = 0 : i64, scratch_operands = 0 : i64, tpu.core_type = #tpu.core_type<tc>} {
    %get3A = arith.constant 0 : index
    %get3A_0 = arith.constant 0 : index
    %get3A_1 = vector.load %arg0[%get3A, %get3A_0] : memref<128x14848xf32, #tpu.memory_space<vmem>>, vector<128x14848xf32>
    %get3A_2 = arith.constant 0 : index
    %get3A_3 = arith.constant 0 : index
    %get3A_4 = vector.load %arg1[%get3A_2, %get3A_3] : memref<14848x128xf32, #tpu.memory_space<vmem>>, vector<14848x128xf32>
    %dot_general3A = arith.constant dense<0.000000e+00> : vector<128x128xf32>
    %dot_general3A_5 = tpu.matmul %get3A_1, %get3A_4, %dot_general3A {dimension_numbers = #tpu.dot_dimension_numbers<[1], [0], [0], [1], [0, 0, 1, 1], [], []>, transpose_lhs_hint = false} : vector<128x14848xf32>, vector<14848x128xf32>, vector<128x128xf32> -> vector<128x128xf32>
    %get3A_6 = arith.constant 0 : index
    %get3A_7 = arith.constant 0 : index
    %get3A_8 = vector.load %arg2[%get3A_6, %get3A_7] : memref<1x128xf32, #tpu.memory_space<vmem>>, vector<1x128xf32>
    %add3A = vector.broadcast %get3A_8 : vector<1x128xf32> to vector<128x128xf32>
    %add3A_9 = arith.addf %dot_general3A_5, %add3A : vector<128x128xf32>
    %max3A = arith.constant 0.000000e+00 : f32
    %max3A_10 = vector.broadcast %max3A : f32 to vector<128x128xf32>
    %max3A_11 = arith.maximumf %add3A_9, %max3A_10 : vector<128x128xf32>
    %get3A_12 = arith.constant 0 : index
    %get3A_13 = arith.constant 0 : index
    %get3A_14 = vector.load %arg3[%get3A_12, %get3A_13] : memref<128x2xf32, #tpu.memory_space<vmem>>, vector<128x2xf32>
    %dot_general3A_15 = arith.constant dense<0.000000e+00> : vector<128x2xf32>
    %dot_general3A_16 = tpu.matmul %max3A_11, %get3A_14, %dot_general3A_15 {dimension_numbers = #tpu.dot_dimension_numbers<[1], [0], [0], [1], [0, 0, 1, 1], [], []>, transpose_lhs_hint = false} : vector<128x128xf32>, vector<128x2xf32>, vector<128x2xf32> -> vector<128x2xf32>
    %get3A_17 = arith.constant 0 : index
    %get3A_18 = arith.constant 0 : index
    %get3A_19 = vector.load %arg4[%get3A_17, %get3A_18] : memref<1x2xf32, #tpu.memory_space<vmem>>, vector<1x2xf32>
    %add3A_20 = vector.broadcast %get3A_19 : vector<1x2xf32> to vector<128x2xf32>
    %add3A_21 = arith.addf %dot_general3A_16, %add3A_20 : vector<128x2xf32>
    %reduce_max3A = arith.constant dense<0xFF800000> : vector<128xf32>
    %reduce_max3A_22 = vector.multi_reduction <maximumf>, %add3A_21, %reduce_max3A [1] : vector<128x2xf32> to vector<128xf32>
    %broadcast_in_dim3A = vector.shape_cast %reduce_max3A_22 : vector<128xf32> to vector<128x1xf32>
    %sub3A = vector.broadcast %broadcast_in_dim3A : vector<128x1xf32> to vector<128x2xf32>
    %sub3A_23 = arith.subf %add3A_21, %sub3A : vector<128x2xf32>
    %exp3A = math.exp %sub3A_23 : vector<128x2xf32>
    %reduce_sum3A = arith.constant dense<0.000000e+00> : vector<128xf32>
    %reduce_sum3A_24 = vector.multi_reduction <add>, %exp3A, %reduce_sum3A [1] : vector<128x2xf32> to vector<128xf32>
    %broadcast_in_dim3A_25 = vector.shape_cast %reduce_sum3A_24 : vector<128xf32> to vector<128x1xf32>
    %div3A = vector.broadcast %broadcast_in_dim3A_25 : vector<128x1xf32> to vector<128x2xf32>
    %div3A_26 = arith.divf %exp3A, %div3A : vector<128x2xf32>
    %swap3A = arith.constant 0 : index
    %swap3A_27 = arith.constant 0 : index
    %swap3A_28 = vector.load %arg5[%swap3A, %swap3A_27] : memref<128x2xf32, #tpu.memory_space<vmem>>, vector<128x2xf32>
    tpu.vector_store %arg5[%swap3A, %swap3A_27], %div3A_26 {strides = array<i32>} : memref<128x2xf32, #tpu.memory_space<vmem>>, vector<128x2xf32>,
    return
  }
}

</mosaic_0001>

<sc_bundles>
// kernel: kernel.7.cloned.1.call-start
scs
__scs_entry_jumppad:
0x0: {  	(pc) =	sbr.rel $0x88, $3  }
0x1: {  	(tag) =	ssettag $0x0;
	lr =	simm.s32 $0x1  }
0x2: {  	[smem:$0x3F86] =	sst lr;
	_ =	strace $0xD0000000  }
0x3: {  	_ = 	snop  }
0x4: {  	_ = 	snop  }
0x5: {  	_ = 	snop  }
0x6: {  	_ = 	snop  }
0x7: {  	_ = 	snop  }
__scs_overlays_trampoline_lowered:
0x8: {  	[smem:$0x3F95] =	sst s0  }
0x9: {  	[smem:$0x3F96] =	sst s1  }
0xa: {  	[smem:$0x3F97] =	sst s2  }
0xb: {  	[smem:$0x3F98] =	sst s3  }
0xc: {  	[smem:$0x3F99] =	sst s4  }
0xd: {  	[smem:$0x3F9A] =	sst s5  }
0xe: {  	[smem:$0x3F9B] =	sst s6  }
0xf: {  	[smem:$0x3F9C] =	sst s7  }
0x10: {  	[smem:$0x3F9D] =	sst s8  }
0x11: {  	[smem:$0x3F9E] =	sst s9;
	s0 =	simm.s32 @!p0 $0x0  }
0x12: {  	s1 =	sld [smem:$0x3F84];
	s0 =	simm.s32 @p0 $0x1  }
0x13: {  	[smem:$0x3F9F] =	sst s0;
	s0 =	simm.s32 @!p1 $0x0  }
0x14: {  	s2 =	sld [smem:$0x3F83];
	s0 =	simm.s32 @p1 $0x1  }
0x15: {  	[smem:$0x3FA0] =	sst s0;
	s0 =	simm.s32 @!p2 $0x0  }
0x16: {  	s3 =	sld [smem:$0x3FDB];
	s0 =	simm.s32 @p2 $0x1  }
0x17: {  	s4 =	simm.s32 $0x1BF5;
	[smem:$0x3FA2] =	sst s0  }
0x18: {  	s0 =	sld [smem:$0x3F85];
	_ =	swait.ge [sflag:s4], $0x0  }
0x19: {  	s7 =	sld [smem:$0x3F86]  }
0x1a: {  	s8 =	sadd.s32 $0xFFFFE003, lr  }
0x1b: {  	s9 =	sadd.s32 $0xFFFFFEF7, lr;
	s5 =	simm.s32 $0xFFFFFFFF;
	p2 =	slt.u32 s8, $0xFFFFF086  }
0x1c: {  	p1 =	slt.u32 s9, $0xF7A;
	s5 =	simm.s32 @!p2 $0x0  }
0x1d: {  	s5 =	simm.s32 @p1 $0x1;
	p0 =	seq.s32 s7, s2  }
0x1e: {  	s7 =	smul.u32 @!p0 $0xF7A, s2;
	p2 =	seq.s32 @!p0 s5, $0x0  }
0x1f: {  	s9 =	smul.u32 $0xF7A, s1;
	s8 =	simm.s32 @!p0 $0x1BF5;
	p2 =	por !p2, p0  }
0x20: {  	[sflag:s8] =	ssyncset.s32 @!p0 $0xFFFFF086;
	s6 =	sadd.s32 @!p0 s3, s7;
	s7 =	simm.s32 @!p0 $0x108  }
0x21: {  	s3 =	sadd.s32 s3, s9;
	s6 =	sadd.s32 @!p0 $0x88, s6;
	s7 =	simm.s32 @p2 $0x1082  }
0x22: {  	[simem:s7], [sflag:s8] =	dma.local @!p0 [hbm:s6], $0xF7A  }
0x23: {  	s9 =	sor.u32 $0xD0000000, s2;
	s6 =	simm.s32 $0x108;
	_ =	swait.ge @!p0 [sflag:s8], $0x0  }
0x24: {  	s3 =	sadd.s32 $0x88, s3;
	s6 =	simm.s32 @!p1 $0x1082;
	[sflag:s4] =	ssyncset.s32 $0xFFFFF086  }
0x25: {  	[simem:s6], [sflag:s4] =	dma.local [hbm:s3], $0xF7A  }
0x26: {  	[smem:$0x3F86] =	sst s1;
	(tag) =	ssettag s2;
	_ =	strace s9  }
0x27: {  	s1 =	sld [smem:$0x3F96]  }
0x28: {  	s2 =	sld [smem:$0x3F97]  }
0x29: {  	s4 =	sld [smem:$0x3F99]  }
0x2a: {  	p0 =	seq.s32 s5, $0x0;
	s5 =	sld [smem:$0x3F9A]  }
0x2b: {  	s6 =	sld [smem:$0x3F9B]  }
0x2c: {  	s7 =	sld [smem:$0x3F9C]  }
0x2d: {  	s3 =	simm.s32 $0x108;
	s8 =	sld [smem:$0x3F9D]  }
0x2e: {  	s3 =	simm.s32 @!p0 $0x1082;
	s9 =	sld [smem:$0x3F9E]  }
0x2f: {  	lr =	sadd.s32 s0, s3;
	s0 =	sld [smem:$0x3F95]  }
0x30: {  	s3 =	sld [smem:$0x3F98]  }
0x31: {  	[smem:$0x3FA1] =	sst s10  }
0x32: {  	s10 =	sld [smem:$0x3F9F];
	_ =	sdelay $0x3  }
0x33: {  	p0 =	seq.s32 s10, $0x1;
	s10 =	sld [smem:$0x3FA1];
	_ =	sdelay $0x3  }
0x34: {  	[smem:$0x3FA1] =	sst s10  }
0x35: {  	s10 =	sld [smem:$0x3FA0];
	_ =	sdelay $0x3  }
0x36: {  	p1 =	seq.s32 s10, $0x1;
	s10 =	sld [smem:$0x3FA1];
	_ =	sdelay $0x3  }
0x37: {  	[smem:$0x3FA1] =	sst s10  }
0x38: {  	s10 =	sld [smem:$0x3FA2]  }
0x39: {  	_ = 	snop;
	(pc) =	sbr.ind lr, $3  }
0x3a: {  	_ = 	snop  }
0x3b: {  	_ = 	snop  }
0x3c: {  	p2 =	seq.s32 s10, $0x1;
	s10 =	sld [smem:$0x3FA1]  }
0x3d: {  	_ =	shalt  }
0x3e: {  	_ =	shalt  }
0x3f: {  	_ =	shalt  }
0x40: {  	_ =	shalt  }
0x41: {  	_ =	shalt  }
0x42: {  	_ =	shalt  }
0x43: {  	_ =	shalt  }
0x44: {  	_ =	shalt  }
0x45: {  	_ =	shalt  }
0x46: {  	_ =	shalt  }
0x47: {  	_ =	shalt  }
0x48: {  	_ =	shalt  }
0x49: {  	_ =	shalt  }
0x4a: {  	_ =	shalt  }
0x4b: {  	_ =	shalt  }
0x4c: {  	_ =	shalt  }
0x4d: {  	_ =	shalt  }
0x4e: {  	_ =	shalt  }
0x4f: {  	_ =	shalt  }
0x50: {  	_ =	shalt  }
0x51: {  	_ =	shalt  }
0x52: {  	_ =	shalt  }
0x53: {  	_ =	shalt  }
0x54: {  	_ =	shalt  }
0x55: {  	_ =	shalt  }
0x56: {  	_ =	shalt  }
0x57: {  	_ =	shalt  }
0x58: {  	_ =	shalt  }
0x59: {  	_ =	shalt  }
0x5a: {  	_ =	shalt  }
0x5b: {  	_ =	shalt  }
0x5c: {  	_ =	shalt  }
0x5d: {  	_ =	shalt  }
0x5e: {  	_ =	shalt  }
0x5f: {  	_ =	shalt  }
0x60: {  	_ =	shalt  }
0x61: {  	_ =	shalt  }
0x62: {  	_ =	shalt  }
0x63: {  	_ =	shalt  }
0x64: {  	_ =	shalt  }
0x65: {  	_ =	shalt  }
0x66: {  	_ =	shalt  }
0x67: {  	_ =	shalt  }
0x68: {  	_ =	shalt  }
0x69: {  	_ =	shalt  }
0x6a: {  	_ =	shalt  }
0x6b: {  	_ =	shalt  }
0x6c: {  	_ =	shalt  }
0x6d: {  	_ =	shalt  }
0x6e: {  	_ =	shalt  }
0x6f: {  	_ =	shalt  }
0x70: {  	_ =	shalt  }
0x71: {  	_ =	shalt  }
0x72: {  	_ =	shalt  }
0x73: {  	_ =	shalt  }
0x74: {  	_ =	shalt  }
0x75: {  	_ =	shalt  }
0x76: {  	_ =	shalt  }
0x77: {  	_ =	shalt  }
0x78: {  	_ =	shalt  }
0x79: {  	_ =	shalt  }
0x7a: {  	_ =	shalt  }
0x7b: {  	_ =	shalt  }
0x7c: {  	_ =	shalt  }
0x7d: {  	_ =	shalt  }
0x7e: {  	_ =	shalt  }
0x7f: {  	_ =	shalt  }
0x80: {  	_ =	shalt  }
0x81: {  	_ =	shalt  }
0x82: {  	_ =	shalt  }
0x83: {  	_ =	shalt  }
0x84: {  	_ =	shalt  }
0x85: {  	_ =	shalt  }
0x86: {  	_ =	shalt  }
0x87: {  	_ =	shalt  }
.Lfunc_end0:
.L_simem_size_0:
called_computation_lowered:
.L_overlay_start_0:
0x88: {  	s2 =	sld [smem:$0x3FD9]  }
0x89: {  	s3 =	sld [smem:$0x3FFE];
	_ =	sdelay $0x1  }
0x8a: {  	s1 =	srdreg.scid  }
0x8b: {  	s0 =	sand.u32 $0x1, s1  }
0x8c: {  	s14 =	sshll.u32 s0, $0xA;
	s2 =	sadd.s32 s3, s2  }
0x8d: {  	s2 =	sadd.s32 s2, s14  }
0x8e: {  	[smem:$0x3FAD] =	sst s2  }
0x8f: {  	_ = 	snop  }
0x90: {  	s2 =	sld [smem:$0x3FD0];
	_ =	sdelay $0x2  }
0x91: {  	s4 =	simm.s32 $0xA;
	s5 =	simm.s32 $0x10;
	s15 =	sld [smem:$0x3FC7]  }
0x92: {  	[smem:s5], [sflag:s4] =	dma.local [hbm:s2], $0x1  }
0x93: {  	_ =	swait.eq [sflag:s4], $0x1  }
0x94: {  	[sflag:s4] =	ssyncset.done $0x0  }
0x95: {  	[sflag:s4] =	ssyncadd.s32 $0xFFFFFFFF  }
0x96: {  	s16 =	sld [smem:$0x13];
	(tm) =	ssettm $0x1  }
0x97: {  	s17 =	sld [smem:$0x3FFB];
	_ =	sdelay $0x3  }
0x98: {  	_ =	strace s17  }
0x99: {  	s4 =	sld [smem:$0x3FFC];
	_ =	sdelay $0x3  }
0x9a: {  	_ =	strace s4  }
0x9b: {  	s4 =	sld [smem:$0x3FFD];
	_ =	sdelay $0x3  }
0x9c: {  	_ =	strace s4  }
0x9d: {  	_ =	strace $0x8FFFFFFF  }
0x9e: {  	s18 =	sld [smem:$0x3FDB];
	_ =	sdelay $0x1  }
0x9f: {  	s19 =	simm.s32 $_scs_section_size  }
0xa0: {  	s6 =	simm.s32 $_size__tile_overlayer_lowered;
	s7 =	simm.s32 $_tile_overlayer_lowered  }
0xa1: {  	s22 =	simm.s32 $0x1BFF;
	s21 =	sshll.u32 s7, $0x1;
	s4 =	sadd.s32 s19, s18  }
0xa2: {  	s8 =	simm.s32 $0x0;
	s20 =	sshll.u32 s6, $0x1;
	s6 =	sadd.s32 s21, s4  }
0xa3: {  	[timem:s8], [sflag:s22] =	dma.local [hbm:s6], s20  }
0xa4: {  	_ =	swait.ge [sflag:s22], s20  }
0xa5: {  	s5 =	ssub.s32 $0x0, s20;
	[sflag:s22] =	ssyncset.done $0x0  }
0xa6: {  	[sflag:s22] =	ssyncadd.s32 s5;
	_ =	sdelay $0x1  }
0xa7: {  	s23 =	simm.s32 $0x1B8B  }
0xa8: {  	_ =	swait.ge [sflag:s23], $0x1  }
0xa9: {  	[sflag:s23] =	ssyncset.done $0x0  }
0xaa: {  	s25 =	simm.s32 $0x1B8E;
	s24 =	sld [smem:$0x3FFE];
	[sflag:s23] =	ssyncadd.s32 $0xFFFFFFFF  }
0xab: {  	s26 =	simm.s32 $execute0_lowered;
	[smem:$0x3FD2] =	sst s25  }
0xac: {  	s6 =	sshll.u32 s26, $0x1;
	_ =	strace $0x80000046;
	[dreg:$0x1] =	wrdreg $0xFFFFFFFF  }
0xad: {  	s28 =	simm.s32 $_size_execute0_lowered;
	s4 =	sadd.s32 s4, s6;
	[dreg:$0x0] =	wrdreg $0x0  }
0xae: {  	s6 =	sshll.u32 s28, $0x1;
	[dreg:$0x2] =	wrdreg s4  }
0xaf: {  	[dreg:$0x3] =	wrdreg s6  }
0xb0: {  	[dreg:$0x4] =	wrdreg $0xC0  }
0xb1: {  	_ =	task [dreg:s8], $0x5FFFF  }
0xb2: {  	[dreg:$0x1] =	wrdreg $0xFFFFFFFF  }
0xb3: {  	[dreg:$0x0] =	wrdreg $0x60  }
0xb4: {  	[dreg:$0x2] =	wrdreg s24  }
0xb5: {  	[dreg:$0x3] =	wrdreg s15  }
0xb6: {  	[dreg:$0x4] =	wrdreg s16  }
0xb7: {  	[dreg:$0x5] =	wrdreg $0x9  }
0xb8: {  	_ =	task.clear_ibuf [dreg:s8], $0x6FFFF;
	_ =	strace $0x90000046  }
0xb9: {  	s29 =	simm.s32 $0x9;
	_ =	strace $0x80000048  }
0xba: {  	_ =	swait.ge [sflag:s29], $0x1  }
0xbb: {  	[sflag:s29] =	ssyncadd.s32 $0xFFFFFFFF  }
0xbc: {  	_ =	strace $0x90000048  }
0xbd: {  	_ =	sfence  }
0xbe: {  	s30 =	sld [smem:$0x0];
	_ =	sdelay $0x2  }
0xbf: {  	s31 =	sshll.u32 s1, $0xD;
	s1 =	sshrl.u32 s1, $0x2  }
0xc0: {  	s3 =	sand.u32 $0x4000, s31;
	s1 =	sadd.s32 s1, s30  }
0xc1: {  	s0 =	sor.u32 s3, s0;
	s1 =	sshll.u32 s1, $0x11  }
0xc2: {  	s0 =	sor.u32 s1, s0  }
0xc3: {  	s0 =	sadd.s32 $0x8F2B, s0  }
0xc4: {  	[sflag:s0] =	ssyncadd.remote.s32 $0x1  }
0xc5: {  	_ =	sfence.sel $0xFFFF  }
0xc6: {  	[dreg:$0x0] =	wrdreg $0xFFFFFFFF;
	(pc) =	sbr.abs _section_cstart, $3  }
0xc7: {  	[dreg:$0x1] =	wrdreg $0xFFFFFFFF  }
0xc8: {  	_ =	task.clear_ibuf [dreg:s8], $0x2FFFF;
	_ =	strace $0x9FFFFFFF  }
0xc9: {  	(tm) =	ssettm $0x7FFFFFFF  }
tec
execute0_lowered:
.L_overlay_start_1:
0x0: {  	(tag) =	ssettag $0x1  }
0x1: {  	s0 =	srdreg.scid;
	s1 =	rddreg [dreg:$0x0]  }
0x2: {  	s2 =	stileid.u32;
	s3 =	rddreg [dreg:$0x1];
	s0 =	sand.u32 $0x1, s0  }
0x3: {  	s2 =	sshll.u32 s2, $0x1;
	s7 =	sadd.s32 $0x5400, s1;
	s4 =	ssub.s32 $0x2, s0  }
0x4: {  	s0 =	sor.u32 s0, s2;
	s2 =	sadd.s32 $0x39E00, s1;
	s5 =	sshrl.u32 s4, $0x1  }
0x5: {  	s6 =	smul.u32 $0xD240, s0;
	s21 =	sshll.u32 s0, $0x2;
	s16 =	sshllo.u32 s0, $0x2  }
0x6: {  	s4 =	ssub.s32 s4, s5;
	s9 =	sor.u32 $0x1, s21;
	s19 =	smul.u32 $0x3490, s16  }
0x7: {  	s5 =	sor.u32 $0x2, s21;
	s8 =	sshrl.u32 s6, $0x3;
	s22 =	smul.u32 $0x3490, s9  }
0x8: {  	s6 =	sadd.s32 $0x1A08, s6;
	s13 =	smul.u32 $0x3490, s5;
	s10 =	sadd.s32 s2, s8  }
0x9: {  	s4 =	smax.u32 s4, $0x1;
	s11 =	sadd.s32 s7, s8;
	[dreg:$0x4] =	wrdreg s10  }
0xa: {  	s6 =	sshrl.u32 s6, $0x3;
	s8 =	sadd.s32 s3, s8;
	[dreg:$0x5] =	wrdreg s11  }
0xb: {  	[dreg:$0x6] =	wrdreg s8;
	s23 =	sadd.s32 s2, s6;
	s24 =	sadd.s32 s7, s6  }
0xc: {  	s8 =	smul.u32 $0x3A0, s0;
	s25 =	sshrl.u32 s22, $0x3;
	[dreg:$0x7] =	wrdreg s23  }
0xd: {  	s6 =	sadd.s32 s3, s6;
	s10 =	sadd.s32 $0x1A08, s22;
	[dreg:$0x8] =	wrdreg s24  }
0xe: {  	s18 =	sshrl.u32 s13, $0x3;
	[dreg:$0x9] =	wrdreg s6;
	s12 =	sadd.s32 s2, s25  }
0xf: {  	s22 =	sshrl.u32 s19, $0x3;
	s26 =	sadd.s32 s7, s25;
	[dreg:$0xa] =	wrdreg s12  }
0x10: {  	s6 =	smul.u32 $0x1E00, s0;
	s11 =	sadd.s32 s3, s25;
	[dreg:$0xb] =	wrdreg s26  }
0x11: {  	s10 =	sshrl.u32 s10, $0x3;
	s20 =	sadd.s32 s7, s18;
	[dreg:$0xc] =	wrdreg s11  }
0x12: {  	s0 =	sadd.s32 s3, s18;
	s14 =	sadd.s32 s2, s10;
	[dreg:$0x11] =	wrdreg s20  }
0x13: {  	s15 =	sadd.s32 s7, s10;
	s17 =	sadd.s32 s3, s10;
	[dreg:$0x12] =	wrdreg s0  }
0x14: {  	s11 =	sadd.s32 $0x1A08, s13;
	s13 =	sadd.s32 s2, s18;
	[dreg:$0xd] =	wrdreg s14  }
0x15: {  	s10 =	sadd.s32 $0x1A08, s19;
	s26 =	sadd.s32 s2, s22;
	[dreg:$0xe] =	wrdreg s15  }
0x16: {  	s20 =	sadd.s32 s7, s22;
	s12 =	simm.s32 $0xC080;
	[dreg:$0xf] =	wrdreg s17  }
0x17: {  	[dreg:$0x10] =	wrdreg s13;
	s21 =	sshrl.u32 s11, $0x3;
	s13 =	smul.u32 $0x780, s5  }
0x18: {  	s25 =	sshrl.u32 s10, $0x3;
	[dreg:$0x16] =	wrdreg s26;
	s14 =	smul.u32 $0x780, s16  }
0x19: {  	s10 =	sadd.s32 $0x6E800, s1;
	s11 =	sadd.s32 $0xAA800, s1;
	s15 =	smul.u32 $0xE8, s5  }
0x1a: {  	s16 =	smul.u32 $0xE8, s16;
	s17 =	sadd.s32 $0x74, s8;
	s5 =	simm.s32 $0x1A80  }
0x1b: {  	s23 =	sadd.s32 s2, s21;
	s24 =	sadd.s32 s7, s21;
	s0 =	sadd.s32 s3, s21  }
0x1c: {  	s21 =	sadd.s32 s3, s22;
	s22 =	sadd.s32 s2, s25;
	s2 =	rddreg [dreg:$0x2]  }
0x1d: {  	v0 =	vmov s8;
	s8 =	simm.s32 $0x1;
	s26 =	sadd.s32 s10, s6;
	[dreg:$0x13] =	wrdreg s23  }
0x1e: {  	s28 =	sadd.s32 s11, s6;
	s6 =	simm.s32 $0x3500;
	[dreg:$0x14] =	wrdreg s24  }
0x1f: {  	[dreg:$0x15] =	wrdreg s0;
	s23 =	sadd.s32 s7, s25;
	s7 =	smul.u32 $0xE8, s9  }
0x20: {  	s24 =	simm.s32 $0x0;
	s25 =	sadd.s32 s3, s25;
	s9 =	smul.u32 $0x780, s9  }
0x21: {  	s31 =	sadd.s32 s10, s13;
	s0 =	sadd.s32 s11, s13;
	s1 =	sadd.s32 s10, s14  }
0x22: {  	s3 =	sadd.s32 s11, s14;
	s19 =	sadd.s32 $0x74, s15;
	s14 =	sadd.s32 $0x74, s16  }
0x23: {  	v4 =	vmov s15;
	s13 =	simm.s32 $0xDB00;
	s15 =	simm.s32 $0x0;
	[smem:$0x7FF] =	sst s24  }
0x24: {  	v7 =	vmov s14;
	s14 =	simm.s32 $0x3;
	s29 =	sadd.s32 s10, s9;
	s30 =	sadd.s32 s11, s9  }
0x25: {  	vm0 =	vcmask $0x3F18;
	v1 =	vmov s17;
	_ =	strace $0x80000047;
	s18 =	sadd.s32 $0x74, s7;
	v2 =	vmov s7;
	s7 =	simm.s32 $0x4F80  }
0x26: {  	v6 =	vmov s16;
	v5 =	vmov s19;
	s9 =	simm.s32 $0x2;
	s10 =	simm.s32 $0x8B80;
	s11 =	simm.s32 $0xA600;
	v3 =	vmov s18  }
.LBB2_1:
0x27: {  	s16 =	rddreg [dreg:$0x4]  }
0x28: {  	[tilespmem:s24], [sflag:$0x1] =	stream.linear.gather [hbm4b:s16+s24], $0x1A10, $0x38;
	[tilespmem:$0x11700] =	vst v63  }
0x29: {  	s18 =	rddreg [dreg:$0x5]  }
0x2a: {  	[tilespmem:s5], [sflag:$0x1] =	stream.linear.gather [hbm4b:s18+s24], $0x1A10, $0x38;
	[tilespmem:$0x11700] =	vst v63  }
0x2b: {  	s19 =	rddreg [dreg:$0x6]  }
0x2c: {  	[tilespmem:s6], [sflag:$0x1] =	stream.linear.gather [hbm4b:s19+s24], $0x1A10, $0x38;
	[tilespmem:$0x11700] =	vst v63  }
0x2d: {  	_ = 	snop  }
0x2e: {  	[tilespmem:s7], [sflag:$0x2] =	stream.linear.gather [hbm4b:s2+s24], $0x3C00, $0x38;
	[tilespmem:$0x11700] =	vst v63  }
0x2f: {  	_ =	swait.ge [sflag:s8], $0x1A10  }
0x30: {  	[sflag:s8] =	ssyncset.done $0x0  }
0x31: {  	[sflag:s8] =	ssyncadd.s32 $0xFFFFE5F0  }
0x32: {  	_ =	swait.ge [sflag:s8], $0x1A10  }
0x33: {  	[sflag:s8] =	ssyncset.done $0x0  }
0x34: {  	[sflag:s8] =	ssyncadd.s32 $0xFFFFE5F0  }
0x35: {  	_ =	swait.ge [sflag:s8], $0x1A10  }
0x36: {  	[sflag:s8] =	ssyncset.done $0x0  }
0x37: {  	[sflag:s8] =	ssyncadd.s32 $0xFFFFE5F0  }
0x38: {  	_ =	swait.ge [sflag:s9], $0x3C00  }
0x39: {  	[sflag:s9] =	ssyncset.done $0x0  }
0x3a: {  	s17 =	rddreg [dreg:$0x7];
	[sflag:s9] =	ssyncadd.s32 $0xFFFFC400  }
0x3b: {  	[tilespmem:s10], [sflag:$0x1] =	stream.linear.gather [hbm4b:s17+s24], $0x1A20, $0x38;
	[tilespmem:$0x11700] =	vst v63  }
0x3c: {  	s18 =	rddreg [dreg:$0x8]  }
0x3d: {  	[tilespmem:s11], [sflag:$0x1] =	stream.linear.gather [hbm4b:s18+s24], $0x1A20, $0x38;
	[tilespmem:$0x11700] =	vst v63  }
0x3e: {  	s16 =	simm.s32 $0xFFFFFFF8;
	s19 =	rddreg [dreg:$0x9]  }
0x3f: {  	[tilespmem:s12], [sflag:$0x1] =	stream.linear.gather [hbm4b:s19+s24], $0x1A20, $0x38;
	[tilespmem:$0x11700] =	vst v63  }
0x40: {  	s17 =	simm.s32 $0x40;
	s18 =	simm.s32 $0x1AC0;
	s19 =	simm.s32 $0x3540  }
0x41: {  	[tilespmem:s13], [sflag:$0x2] =	stream.linear.gather [hbm4b:s2+s24], $0x3C00, $0x38;
	[tilespmem:$0x11700] =	vst v63  }
.LBB2_2:
0x42: {  	v8 =	vld [tilespmem:s17+$0xFFFFFFC0]  }
0x43: {  	v9 =	vld [tilespmem:s18+$0xFFFFFFC0];
	_ =	sdelay $0x4  }
0x44: {  	v8 =	vsub.s32 v8, v0;
	v9 =	vsub.s32 v9, v0  }
0x45: {  	v10 =	vand.u32 $0xFFFFFF80, v8;
	v9 =	vshll.u32 v9, $0x7  }
0x46: {  	v8 =	vand.u32 $0x7F, v8;
	v9 =	vadd.s32 v10, v9  }
0x47: {  	v42 =	vld [tilespmem:s19+$0xFFFFFFC0];
	v8 =	vor.u32 v8, v9;
	_ =	sdelay $0x4  }
0x48: {  	[tilespmem:v8+s7+$0x0] =	vst.idx.add.f32.msk $0xffff, v42  }
0x49: {  	v8 =	vld [tilespmem:s17+$0xFFFFFFD0]  }
0x4a: {  	v43 =	vld [tilespmem:s18+$0xFFFFFFD0];
	_ =	sdelay $0x4  }
0x4b: {  	v8 =	vsub.s32 v8, v0;
	v9 =	vsub.s32 v43, v0  }
0x4c: {  	v44 =	vand.u32 $0xFFFFFF80, v8;
	v9 =	vshll.u32 v9, $0x7  }
0x4d: {  	v8 =	vand.u32 $0x7F, v8;
	v9 =	vadd.s32 v44, v9  }
0x4e: {  	v45 =	vld [tilespmem:s19+$0xFFFFFFD0];
	v8 =	vor.u32 v8, v9;
	_ =	sdelay $0x4  }
0x4f: {  	[tilespmem:v8+s7+$0x0] =	vst.idx.add.f32.msk $0xffff, v45  }
0x50: {  	v8 =	vld [tilespmem:s17+$0xFFFFFFE0]  }
0x51: {  	v46 =	vld [tilespmem:s18+$0xFFFFFFE0];
	_ =	sdelay $0x4  }
0x52: {  	v8 =	vsub.s32 v8, v0;
	v9 =	vsub.s32 v46, v0  }
0x53: {  	v47 =	vand.u32 $0xFFFFFF80, v8;
	v9 =	vshll.u32 v9, $0x7  }
0x54: {  	v8 =	vand.u32 $0x7F, v8;
	v9 =	vadd.s32 v47, v9  }
0x55: {  	v48 =	vld [tilespmem:s19+$0xFFFFFFE0];
	v8 =	vor.u32 v8, v9;
	_ =	sdelay $0x4  }
0x56: {  	[tilespmem:v8+s7+$0x0] =	vst.idx.add.f32.msk $0xffff, v48  }
0x57: {  	v8 =	vld [tilespmem:s17+$0xFFFFFFF0]  }
0x58: {  	v49 =	vld [tilespmem:s18+$0xFFFFFFF0];
	_ =	sdelay $0x4  }
0x59: {  	v8 =	vsub.s32 v8, v0;
	v9 =	vsub.s32 v49, v0  }
0x5a: {  	v50 =	vand.u32 $0xFFFFFF80, v8;
	v9 =	vshll.u32 v9, $0x7  }
0x5b: {  	v8 =	vand.u32 $0x7F, v8;
	v9 =	vadd.s32 v50, v9  }
0x5c: {  	v51 =	vld [tilespmem:s19+$0xFFFFFFF0];
	v8 =	vor.u32 v8, v9;
	_ =	sdelay $0x4  }
0x5d: {  	[tilespmem:v8+s7+$0x0] =	vst.idx.add.f32.msk $0xffff, v51  }
0x5e: {  	v8 =	vld [tilespmem:s17+$0x0]  }
0x5f: {  	v52 =	vld [tilespmem:s18+$0x0];
	_ =	sdelay $0x4  }
0x60: {  	v8 =	vsub.s32 v8, v0;
	v9 =	vsub.s32 v52, v0  }
0x61: {  	v53 =	vand.u32 $0xFFFFFF80, v8;
	v9 =	vshll.u32 v9, $0x7  }
0x62: {  	v8 =	vand.u32 $0x7F, v8;
	v9 =	vadd.s32 v53, v9  }
0x63: {  	v54 =	vld [tilespmem:s19+$0x0];
	v8 =	vor.u32 v8, v9;
	_ =	sdelay $0x4  }
0x64: {  	[tilespmem:v8+s7+$0x0] =	vst.idx.add.f32.msk $0xffff, v54  }
0x65: {  	v8 =	vld [tilespmem:s17+$0x10]  }
0x66: {  	v55 =	vld [tilespmem:s18+$0x10];
	_ =	sdelay $0x4  }
0x67: {  	v8 =	vsub.s32 v8, v0;
	v9 =	vsub.s32 v55, v0  }
0x68: {  	v56 =	vand.u32 $0xFFFFFF80, v8;
	v9 =	vshll.u32 v9, $0x7  }
0x69: {  	v8 =	vand.u32 $0x7F, v8;
	v9 =	vadd.s32 v56, v9  }
0x6a: {  	v57 =	vld [tilespmem:s19+$0x10];
	v8 =	vor.u32 v8, v9;
	_ =	sdelay $0x4  }
0x6b: {  	[tilespmem:v8+s7+$0x0] =	vst.idx.add.f32.msk $0xffff, v57  }
0x6c: {  	v8 =	vld [tilespmem:s17+$0x20]  }
0x6d: {  	v58 =	vld [tilespmem:s18+$0x20];
	_ =	sdelay $0x4  }
0x6e: {  	v8 =	vsub.s32 v8, v0;
	v9 =	vsub.s32 v58, v0  }
0x6f: {  	v59 =	vand.u32 $0xFFFFFF80, v8;
	v9 =	vshll.u32 v9, $0x7  }
0x70: {  	v8 =	vand.u32 $0x7F, v8;
	v9 =	vadd.s32 v59, v9  }
0x71: {  	v60 =	vld [tilespmem:s19+$0x20];
	v8 =	vor.u32 v8, v9;
	_ =	sdelay $0x4  }
0x72: {  	[tilespmem:v8+s7+$0x0] =	vst.idx.add.f32.msk $0xffff, v60  }
0x73: {  	v8 =	vld [tilespmem:s17+$0x30]  }
0x74: {  	v61 =	vld [tilespmem:s18+$0x30];
	_ =	sdelay $0x4  }
0x75: {  	v8 =	vsub.s32 v8, v0;
	v9 =	vsub.s32 v61, v0  }
0x76: {  	v62 =	vand.u32 $0xFFFFFF80, v8;
	v9 =	vshll.u32 v9, $0x7  }
0x77: {  	s16 =	sadd.s32 $0x8, s16;
	v8 =	vand.u32 $0x7F, v8;
	v9 =	vadd.s32 v62, v9  }
0x78: {  	p0 =	slt.u32 s16, $0x198;
	v63 =	vld [tilespmem:s19+$0x30];
	v8 =	vor.u32 v8, v9  }
.Ltmp0:
0x79: {  	_ = 	snop;
	(pc) =	sbr.rel @p0 .LBB2_2-.Ltmp0, $2  }
0x7a: {  	_ =	sdelay $0x2  }
0x7b: {  	s17 =	sadd.s32 $0x80, s17;
	s18 =	sadd.s32 $0x80, s18;
	s19 =	sadd.s32 $0x80, s19;
	[tilespmem:v8+s7+$0x0] =	vst.idx.add.f32.msk $0xffff, v63  }
0x7c: {  	v8 =	vld [tilespmem:$0x1A00]  }
0x7d: {  	v9 =	vld [tilespmem:$0x3480];
	_ =	sdelay $0x4  }
0x7e: {  	v8 =	vsub.s32 v8, v0;
	v9 =	vsub.s32 v9, v0  }
0x7f: {  	v10 =	vand.u32 $0xFFFFFF80, v8;
	v9 =	vshll.u32 v9, $0x7  }
0x80: {  	v8 =	vand.u32 $0x7F, v8;
	v9 =	vadd.s32 v10, v9  }
0x81: {  	v60 =	vld [tilespmem:$0x4F00];
	v8 =	vor.u32 v8, v9;
	_ =	sdelay $0x4  }
0x82: {  	[tilespmem:v8+s7+$0x0] =	vst.idx.add.f32.msk $0x3fff, v60  }
0x83: {  	[hbm4b:s26+s24] =	stream.linear.scatter [tilespmem:s7], [sflag:$0x3], $0x3C00, $0x38;
	[tilespmem:$0x11700] =	vst v63  }
0x84: {  	_ =	swait.ge [sflag:s8], $0x1A20  }
0x85: {  	[sflag:s8] =	ssyncset.done $0x0  }
0x86: {  	[sflag:s8] =	ssyncadd.s32 $0xFFFFE5E0  }
0x87: {  	_ =	swait.ge [sflag:s8], $0x1A20  }
0x88: {  	[sflag:s8] =	ssyncset.done $0x0  }
0x89: {  	[sflag:s8] =	ssyncadd.s32 $0xFFFFE5E0  }
0x8a: {  	_ =	swait.ge [sflag:s8], $0x1A20  }
0x8b: {  	[sflag:s8] =	ssyncset.done $0x0  }
0x8c: {  	[sflag:s8] =	ssyncadd.s32 $0xFFFFE5E0  }
0x8d: {  	_ =	swait.ge [sflag:s9], $0x3C00  }
0x8e: {  	[sflag:s9] =	ssyncset.done $0x0  }
0x8f: {  	[sflag:s9] =	ssyncadd.s32 $0xFFFFC400  }
0x90: {  	_ =	swait.ge [sflag:s14], $0x3C00  }
0x91: {  	[sflag:s14] =	ssyncset.done $0x0  }
0x92: {  	s16 =	rddreg [dreg:$0xa];
	[sflag:s14] =	ssyncadd.s32 $0xFFFFC400  }
0x93: {  	[tilespmem:s24], [sflag:$0x1] =	stream.linear.gather [hbm4b:s16+s24], $0x1A10, $0x38;
	[tilespmem:$0x11700] =	vst v63  }
0x94: {  	s18 =	rddreg [dreg:$0xb]  }
0x95: {  	[tilespmem:s5], [sflag:$0x1] =	stream.linear.gather [hbm4b:s18+s24], $0x1A10, $0x38;
	[tilespmem:$0x11700] =	vst v63  }
0x96: {  	s19 =	rddreg [dreg:$0xc]  }
0x97: {  	[tilespmem:s6], [sflag:$0x1] =	stream.linear.gather [hbm4b:s19+s24], $0x1A10, $0x38;
	[tilespmem:$0x11700] =	vst v63  }
0x98: {  	_ = 	snop  }
0x99: {  	[tilespmem:s7], [sflag:$0x2] =	stream.linear.gather [hbm4b:s2+s24], $0x3C00, $0x38;
	[tilespmem:$0x11700] =	vst v63  }
0x9a: {  	v8 =	vld [tilespmem:$0x8B80]  }
0x9b: {  	v61 =	vld [tilespmem:$0xA600];
	_ =	sdelay $0x4  }
0x9c: {  	v8 =	vsub.s32 v8, v1;
	v9 =	vsub.s32 v61, v1  }
0x9d: {  	v62 =	vand.u32 $0xFFFFFF80, v8;
	v9 =	vshll.u32 v9, $0x7  }
0x9e: {  	v8 =	vand.u32 $0x7F, v8;
	v9 =	vadd.s32 v62, v9  }
0x9f: {  	v63 =	vld [tilespmem:$0xC080];
	v8 =	vor.u32 v8, v9;
	_ =	sdelay $0x3  }
0xa0: {  	s17 =	simm.s32 $0x8BC0  }
0xa1: {  	s16 =	simm.s32 $0xFFFFFFF9;
	s18 =	simm.s32 $0xA640;
	s19 =	simm.s32 $0xC0C0;
	[tilespmem:v8+s13+$0x0] =	vst.idx.add.f32.msk vm0, v63  }
.LBB2_4:
0xa2: {  	v8 =	vld [tilespmem:s17+$0xFFFFFFD0]  }
0xa3: {  	v9 =	vld [tilespmem:s18+$0xFFFFFFD0];
	_ =	sdelay $0x4  }
0xa4: {  	v8 =	vsub.s32 v8, v1;
	v9 =	vsub.s32 v9, v1  }
0xa5: {  	v10 =	vand.u32 $0xFFFFFF80, v8;
	v9 =	vshll.u32 v9, $0x7  }
0xa6: {  	v8 =	vand.u32 $0x7F, v8;
	v9 =	vadd.s32 v10, v9  }
0xa7: {  	v42 =	vld [tilespmem:s19+$0xFFFFFFD0];
	v8 =	vor.u32 v8, v9;
	_ =	sdelay $0x4  }
0xa8: {  	[tilespmem:v8+s13+$0x0] =	vst.idx.add.f32.msk $0xffff, v42  }
0xa9: {  	v8 =	vld [tilespmem:s17+$0xFFFFFFE0]  }
0xaa: {  	v43 =	vld [tilespmem:s18+$0xFFFFFFE0];
	_ =	sdelay $0x4  }
0xab: {  	v8 =	vsub.s32 v8, v1;
	v9 =	vsub.s32 v43, v1  }
0xac: {  	v44 =	vand.u32 $0xFFFFFF80, v8;
	v9 =	vshll.u32 v9, $0x7  }
0xad: {  	v8 =	vand.u32 $0x7F, v8;
	v9 =	vadd.s32 v44, v9  }
0xae: {  	v45 =	vld [tilespmem:s19+$0xFFFFFFE0];
	v8 =	vor.u32 v8, v9;
	_ =	sdelay $0x4  }
0xaf: {  	[tilespmem:v8+s13+$0x0] =	vst.idx.add.f32.msk $0xffff, v45  }
0xb0: {  	v8 =	vld [tilespmem:s17+$0xFFFFFFF0]  }
0xb1: {  	v46 =	vld [tilespmem:s18+$0xFFFFFFF0];
	_ =	sdelay $0x4  }
0xb2: {  	v8 =	vsub.s32 v8, v1;
	v9 =	vsub.s32 v46, v1  }
0xb3: {  	v47 =	vand.u32 $0xFFFFFF80, v8;
	v9 =	vshll.u32 v9, $0x7  }
0xb4: {  	v8 =	vand.u32 $0x7F, v8;
	v9 =	vadd.s32 v47, v9  }
0xb5: {  	v48 =	vld [tilespmem:s19+$0xFFFFFFF0];
	v8 =	vor.u32 v8, v9;
	_ =	sdelay $0x4  }
0xb6: {  	[tilespmem:v8+s13+$0x0] =	vst.idx.add.f32.msk $0xffff, v48  }
0xb7: {  	v8 =	vld [tilespmem:s17+$0x0]  }
0xb8: {  	v49 =	vld [tilespmem:s18+$0x0];
	_ =	sdelay $0x4  }
0xb9: {  	v8 =	vsub.s32 v8, v1;
	v9 =	vsub.s32 v49, v1  }
0xba: {  	v50 =	vand.u32 $0xFFFFFF80, v8;
	v9 =	vshll.u32 v9, $0x7  }
0xbb: {  	v8 =	vand.u32 $0x7F, v8;
	v9 =	vadd.s32 v50, v9  }
0xbc: {  	v51 =	vld [tilespmem:s19+$0x0];
	v8 =	vor.u32 v8, v9;
	_ =	sdelay $0x4  }
0xbd: {  	[tilespmem:v8+s13+$0x0] =	vst.idx.add.f32.msk $0xffff, v51  }
0xbe: {  	v8 =	vld [tilespmem:s17+$0x10]  }
0xbf: {  	v52 =	vld [tilespmem:s18+$0x10];
	_ =	sdelay $0x4  }
0xc0: {  	v8 =	vsub.s32 v8, v1;
	v9 =	vsub.s32 v52, v1  }
0xc1: {  	v53 =	vand.u32 $0xFFFFFF80, v8;
	v9 =	vshll.u32 v9, $0x7  }
0xc2: {  	v8 =	vand.u32 $0x7F, v8;
	v9 =	vadd.s32 v53, v9  }
0xc3: {  	v54 =	vld [tilespmem:s19+$0x10];
	v8 =	vor.u32 v8, v9;
	_ =	sdelay $0x4  }
0xc4: {  	[tilespmem:v8+s13+$0x0] =	vst.idx.add.f32.msk $0xffff, v54  }
0xc5: {  	v8 =	vld [tilespmem:s17+$0x20]  }
0xc6: {  	v55 =	vld [tilespmem:s18+$0x20];
	_ =	sdelay $0x4  }
0xc7: {  	v8 =	vsub.s32 v8, v1;
	v9 =	vsub.s32 v55, v1  }
0xc8: {  	v56 =	vand.u32 $0xFFFFFF80, v8;
	v9 =	vshll.u32 v9, $0x7  }
0xc9: {  	v8 =	vand.u32 $0x7F, v8;
	v9 =	vadd.s32 v56, v9  }
0xca: {  	v57 =	vld [tilespmem:s19+$0x20];
	v8 =	vor.u32 v8, v9;
	_ =	sdelay $0x4  }
0xcb: {  	[tilespmem:v8+s13+$0x0] =	vst.idx.add.f32.msk $0xffff, v57  }
0xcc: {  	v8 =	vld [tilespmem:s17+$0x30]  }
0xcd: {  	v58 =	vld [tilespmem:s18+$0x30];
	_ =	sdelay $0x4  }
0xce: {  	v8 =	vsub.s32 v8, v1;
	v9 =	vsub.s32 v58, v1  }
0xcf: {  	v59 =	vand.u32 $0xFFFFFF80, v8;
	v9 =	vshll.u32 v9, $0x7  }
0xd0: {  	v8 =	vand.u32 $0x7F, v8;
	v9 =	vadd.s32 v59, v9  }
0xd1: {  	v60 =	vld [tilespmem:s19+$0x30];
	v8 =	vor.u32 v8, v9;
	_ =	sdelay $0x4  }
0xd2: {  	[tilespmem:v8+s13+$0x0] =	vst.idx.add.f32.msk $0xffff, v60  }
0xd3: {  	v8 =	vld [tilespmem:s17+$0x40]  }
0xd4: {  	v61 =	vld [tilespmem:s18+$0x40];
	_ =	sdelay $0x4  }
0xd5: {  	v8 =	vsub.s32 v8, v1;
	v9 =	vsub.s32 v61, v1  }
0xd6: {  	v62 =	vand.u32 $0xFFFFFF80, v8;
	v9 =	vshll.u32 v9, $0x7  }
0xd7: {  	s16 =	sadd.s32 $0x8, s16;
	v8 =	vand.u32 $0x7F, v8;
	v9 =	vadd.s32 v62, v9  }
0xd8: {  	p0 =	slt.u32 s16, $0x199;
	v63 =	vld [tilespmem:s19+$0x40];
	v8 =	vor.u32 v8, v9  }
.Ltmp1:
0xd9: {  	_ = 	snop;
	(pc) =	sbr.rel @p0 .LBB2_4-.Ltmp1, $2  }
0xda: {  	_ =	sdelay $0x2  }
0xdb: {  	s17 =	sadd.s32 $0x80, s17;
	s18 =	sadd.s32 $0x80, s18;
	s19 =	sadd.s32 $0x80, s19;
	[tilespmem:v8+s13+$0x0] =	vst.idx.add.f32.msk $0xffff, v63  }
0xdc: {  	v8 =	vld [tilespmem:$0xA590]  }
0xdd: {  	v9 =	vld [tilespmem:$0xC010];
	_ =	sdelay $0x4  }
0xde: {  	v8 =	vsub.s32 v8, v1;
	v9 =	vsub.s32 v9, v1  }
0xdf: {  	v10 =	vand.u32 $0xFFFFFF80, v8;
	v9 =	vshll.u32 v9, $0x7  }
0xe0: {  	v8 =	vand.u32 $0x7F, v8;
	v9 =	vadd.s32 v10, v9  }
0xe1: {  	v63 =	vld [tilespmem:$0xDA90];
	v8 =	vor.u32 v8, v9;
	_ =	sdelay $0x4  }
0xe2: {  	[tilespmem:v8+s13+$0x0] =	vst.idx.add.f32.msk $0xf, v63  }
0xe3: {  	[hbm4b:s28+s24] =	stream.linear.scatter [tilespmem:s13], [sflag:$0x3], $0x3C00, $0x38;
	[tilespmem:$0x11700] =	vst v63  }
0xe4: {  	_ =	swait.ge [sflag:s8], $0x1A10  }
0xe5: {  	[sflag:s8] =	ssyncset.done $0x0  }
0xe6: {  	[sflag:s8] =	ssyncadd.s32 $0xFFFFE5F0  }
0xe7: {  	_ =	swait.ge [sflag:s8], $0x1A10  }
0xe8: {  	[sflag:s8] =	ssyncset.done $0x0  }
0xe9: {  	[sflag:s8] =	ssyncadd.s32 $0xFFFFE5F0  }
0xea: {  	_ =	swait.ge [sflag:s8], $0x1A10  }
0xeb: {  	[sflag:s8] =	ssyncset.done $0x0  }
0xec: {  	[sflag:s8] =	ssyncadd.s32 $0xFFFFE5F0  }
0xed: {  	_ =	swait.ge [sflag:s9], $0x3C00  }
0xee: {  	[sflag:s9] =	ssyncset.done $0x0  }
0xef: {  	[sflag:s9] =	ssyncadd.s32 $0xFFFFC400  }
0xf0: {  	_ =	swait.ge [sflag:s14], $0x3C00  }
0xf1: {  	[sflag:s14] =	ssyncset.done $0x0  }
0xf2: {  	s16 =	rddreg [dreg:$0xd];
	[sflag:s14] =	ssyncadd.s32 $0xFFFFC400  }
0xf3: {  	[tilespmem:s10], [sflag:$0x1] =	stream.linear.gather [hbm4b:s16+s24], $0x1A20, $0x38;
	[tilespmem:$0x11700] =	vst v63  }
0xf4: {  	s18 =	rddreg [dreg:$0xe]  }
0xf5: {  	[tilespmem:s11], [sflag:$0x1] =	stream.linear.gather [hbm4b:s18+s24], $0x1A20, $0x38;
	[tilespmem:$0x11700] =	vst v63  }
0xf6: {  	s17 =	simm.s32 $0x40;
	s19 =	rddreg [dreg:$0xf]  }
0xf7: {  	[tilespmem:s12], [sflag:$0x1] =	stream.linear.gather [hbm4b:s19+s24], $0x1A20, $0x38;
	[tilespmem:$0x11700] =	vst v63  }
0xf8: {  	s16 =	simm.s32 $0xFFFFFFF8;
	s18 =	simm.s32 $0x1AC0;
	s19 =	simm.s32 $0x3540  }
0xf9: {  	[tilespmem:s13], [sflag:$0x2] =	stream.linear.gather [hbm4b:s2+s24], $0x3C00, $0x38;
	[tilespmem:$0x11700] =	vst v63  }
.LBB2_6:
0xfa: {  	v8 =	vld [tilespmem:s17+$0xFFFFFFC0]  }
0xfb: {  	v9 =	vld [tilespmem:s18+$0xFFFFFFC0];
	_ =	sdelay $0x4  }
0xfc: {  	v8 =	vsub.s32 v8, v2;
	v9 =	vsub.s32 v9, v2  }
0xfd: {  	v10 =	vand.u32 $0xFFFFFF80, v8;
	v9 =	vshll.u32 v9, $0x7  }
0xfe: {  	v8 =	vand.u32 $0x7F, v8;
	v9 =	vadd.s32 v10, v9  }
0xff: {  	v42 =	vld [tilespmem:s19+$0xFFFFFFC0];
	v8 =	vor.u32 v8, v9;
	_ =	sdelay $0x4  }
0x100: {  	[tilespmem:v8+s7+$0x0] =	vst.idx.add.f32.msk $0xffff, v42  }
0x101: {  	v8 =	vld [tilespmem:s17+$0xFFFFFFD0]  }
0x102: {  	v43 =	vld [tilespmem:s18+$0xFFFFFFD0];
	_ =	sdelay $0x4  }
0x103: {  	v8 =	vsub.s32 v8, v2;
	v9 =	vsub.s32 v43, v2  }
0x104: {  	v44 =	vand.u32 $0xFFFFFF80, v8;
	v9 =	vshll.u32 v9, $0x7  }
0x105: {  	v8 =	vand.u32 $0x7F, v8;
	v9 =	vadd.s32 v44, v9  }
0x106: {  	v45 =	vld [tilespmem:s19+$0xFFFFFFD0];
	v8 =	vor.u32 v8, v9;
	_ =	sdelay $0x4  }
0x107: {  	[tilespmem:v8+s7+$0x0] =	vst.idx.add.f32.msk $0xffff, v45  }
0x108: {  	v8 =	vld [tilespmem:s17+$0xFFFFFFE0]  }
0x109: {  	v46 =	vld [tilespmem:s18+$0xFFFFFFE0];
	_ =	sdelay $0x4  }
0x10a: {  	v8 =	vsub.s32 v8, v2;
	v9 =	vsub.s32 v46, v2  }
0x10b: {  	v47 =	vand.u32 $0xFFFFFF80, v8;
	v9 =	vshll.u32 v9, $0x7  }
0x10c: {  	v8 =	vand.u32 $0x7F, v8;
	v9 =	vadd.s32 v47, v9  }
0x10d: {  	v48 =	vld [tilespmem:s19+$0xFFFFFFE0];
	v8 =	vor.u32 v8, v9;
	_ =	sdelay $0x4  }
0x10e: {  	[tilespmem:v8+s7+$0x0] =	vst.idx.add.f32.msk $0xffff, v48  }
0x10f: {  	v8 =	vld [tilespmem:s17+$0xFFFFFFF0]  }
0x110: {  	v49 =	vld [tilespmem:s18+$0xFFFFFFF0];
	_ =	sdelay $0x4  }
0x111: {  	v8 =	vsub.s32 v8, v2;
	v9 =	vsub.s32 v49, v2  }
0x112: {  	v50 =	vand.u32 $0xFFFFFF80, v8;
	v9 =	vshll.u32 v9, $0x7  }
0x113: {  	v8 =	vand.u32 $0x7F, v8;
	v9 =	vadd.s32 v50, v9  }
0x114: {  	v51 =	vld [tilespmem:s19+$0xFFFFFFF0];
	v8 =	vor.u32 v8, v9;
	_ =	sdelay $0x4  }
0x115: {  	[tilespmem:v8+s7+$0x0] =	vst.idx.add.f32.msk $0xffff, v51  }
0x116: {  	v8 =	vld [tilespmem:s17+$0x0]  }
0x117: {  	v52 =	vld [tilespmem:s18+$0x0];
	_ =	sdelay $0x4  }
0x118: {  	v8 =	vsub.s32 v8, v2;
	v9 =	vsub.s32 v52, v2  }
0x119: {  	v53 =	vand.u32 $0xFFFFFF80, v8;
	v9 =	vshll.u32 v9, $0x7  }
0x11a: {  	v8 =	vand.u32 $0x7F, v8;
	v9 =	vadd.s32 v53, v9  }
0x11b: {  	v54 =	vld [tilespmem:s19+$0x0];
	v8 =	vor.u32 v8, v9;
	_ =	sdelay $0x4  }
0x11c: {  	[tilespmem:v8+s7+$0x0] =	vst.idx.add.f32.msk $0xffff, v54  }
0x11d: {  	v8 =	vld [tilespmem:s17+$0x10]  }
0x11e: {  	v55 =	vld [tilespmem:s18+$0x10];
	_ =	sdelay $0x4  }
0x11f: {  	v8 =	vsub.s32 v8, v2;
	v9 =	vsub.s32 v55, v2  }
0x120: {  	v56 =	vand.u32 $0xFFFFFF80, v8;
	v9 =	vshll.u32 v9, $0x7  }
0x121: {  	v8 =	vand.u32 $0x7F, v8;
	v9 =	vadd.s32 v56, v9  }
0x122: {  	v57 =	vld [tilespmem:s19+$0x10];
	v8 =	vor.u32 v8, v9;
	_ =	sdelay $0x4  }
0x123: {  	[tilespmem:v8+s7+$0x0] =	vst.idx.add.f32.msk $0xffff, v57  }
0x124: {  	v8 =	vld [tilespmem:s17+$0x20]  }
0x125: {  	v58 =	vld [tilespmem:s18+$0x20];
	_ =	sdelay $0x4  }
0x126: {  	v8 =	vsub.s32 v8, v2;
	v9 =	vsub.s32 v58, v2  }
0x127: {  	v59 =	vand.u32 $0xFFFFFF80, v8;
	v9 =	vshll.u32 v9, $0x7  }
0x128: {  	v8 =	vand.u32 $0x7F, v8;
	v9 =	vadd.s32 v59, v9  }
0x129: {  	v60 =	vld [tilespmem:s19+$0x20];
	v8 =	vor.u32 v8, v9;
	_ =	sdelay $0x4  }
0x12a: {  	[tilespmem:v8+s7+$0x0] =	vst.idx.add.f32.msk $0xffff, v60  }
0x12b: {  	v8 =	vld [tilespmem:s17+$0x30]  }
0x12c: {  	v61 =	vld [tilespmem:s18+$0x30];
	_ =	sdelay $0x4  }
0x12d: {  	v8 =	vsub.s32 v8, v2;
	v9 =	vsub.s32 v61, v2  }
0x12e: {  	v62 =	vand.u32 $0xFFFFFF80, v8;
	v9 =	vshll.u32 v9, $0x7  }
0x12f: {  	s16 =	sadd.s32 $0x8, s16;
	v8 =	vand.u32 $0x7F, v8;
	v9 =	vadd.s32 v62, v9  }
0x130: {  	p0 =	slt.u32 s16, $0x198;
	v63 =	vld [tilespmem:s19+$0x30];
	v8 =	vor.u32 v8, v9  }
.Ltmp2:
0x131: {  	_ = 	snop;
	(pc) =	sbr.rel @p0 .LBB2_6-.Ltmp2, $2  }
0x132: {  	_ =	sdelay $0x2  }
0x133: {  	s17 =	sadd.s32 $0x80, s17;
	s18 =	sadd.s32 $0x80, s18;
	s19 =	sadd.s32 $0x80, s19;
	[tilespmem:v8+s7+$0x0] =	vst.idx.add.f32.msk $0xffff, v63  }
0x134: {  	v8 =	vld [tilespmem:$0x1A00]  }
0x135: {  	v9 =	vld [tilespmem:$0x3480];
	_ =	sdelay $0x4  }
0x136: {  	v8 =	vsub.s32 v8, v2;
	v9 =	vsub.s32 v9, v2  }
0x137: {  	v10 =	vand.u32 $0xFFFFFF80, v8;
	v9 =	vshll.u32 v9, $0x7  }
0x138: {  	v8 =	vand.u32 $0x7F, v8;
	v9 =	vadd.s32 v10, v9  }
0x139: {  	v60 =	vld [tilespmem:$0x4F00];
	v8 =	vor.u32 v8, v9;
	_ =	sdelay $0x4  }
0x13a: {  	[tilespmem:v8+s7+$0x0] =	vst.idx.add.f32.msk $0x3fff, v60  }
0x13b: {  	[hbm4b:s29+s24] =	stream.linear.scatter [tilespmem:s7], [sflag:$0x3], $0x3C00, $0x38;
	[tilespmem:$0x11700] =	vst v63  }
0x13c: {  	_ =	swait.ge [sflag:s8], $0x1A20  }
0x13d: {  	[sflag:s8] =	ssyncset.done $0x0  }
0x13e: {  	[sflag:s8] =	ssyncadd.s32 $0xFFFFE5E0  }
0x13f: {  	_ =	swait.ge [sflag:s8], $0x1A20  }
0x140: {  	[sflag:s8] =	ssyncset.done $0x0  }
0x141: {  	[sflag:s8] =	ssyncadd.s32 $0xFFFFE5E0  }
0x142: {  	_ =	swait.ge [sflag:s8], $0x1A20  }
0x143: {  	[sflag:s8] =	ssyncset.done $0x0  }
0x144: {  	[sflag:s8] =	ssyncadd.s32 $0xFFFFE5E0  }
0x145: {  	_ =	swait.ge [sflag:s9], $0x3C00  }
0x146: {  	[sflag:s9] =	ssyncset.done $0x0  }
0x147: {  	[sflag:s9] =	ssyncadd.s32 $0xFFFFC400  }
0x148: {  	_ =	swait.ge [sflag:s14], $0x3C00  }
0x149: {  	[sflag:s14] =	ssyncset.done $0x0  }
0x14a: {  	s16 =	rddreg [dreg:$0x10];
	[sflag:s14] =	ssyncadd.s32 $0xFFFFC400  }
0x14b: {  	[tilespmem:s24], [sflag:$0x1] =	stream.linear.gather [hbm4b:s16+s24], $0x1A10, $0x38;
	[tilespmem:$0x11700] =	vst v63  }
0x14c: {  	s18 =	rddreg [dreg:$0x11]  }
0x14d: {  	[tilespmem:s5], [sflag:$0x1] =	stream.linear.gather [hbm4b:s18+s24], $0x1A10, $0x38;
	[tilespmem:$0x11700] =	vst v63  }
0x14e: {  	s19 =	rddreg [dreg:$0x12]  }
0x14f: {  	[tilespmem:s6], [sflag:$0x1] =	stream.linear.gather [hbm4b:s19+s24], $0x1A10, $0x38;
	[tilespmem:$0x11700] =	vst v63  }
0x150: {  	_ = 	snop  }
0x151: {  	[tilespmem:s7], [sflag:$0x2] =	stream.linear.gather [hbm4b:s2+s24], $0x3C00, $0x38;
	[tilespmem:$0x11700] =	vst v63  }
0x152: {  	v8 =	vld [tilespmem:$0x8B80]  }
0x153: {  	v61 =	vld [tilespmem:$0xA600];
	_ =	sdelay $0x4  }
0x154: {  	v8 =	vsub.s32 v8, v3;
	v9 =	vsub.s32 v61, v3  }
0x155: {  	v62 =	vand.u32 $0xFFFFFF80, v8;
	v9 =	vshll.u32 v9, $0x7  }
0x156: {  	v8 =	vand.u32 $0x7F, v8;
	v9 =	vadd.s32 v62, v9  }
0x157: {  	v63 =	vld [tilespmem:$0xC080];
	v8 =	vor.u32 v8, v9;
	_ =	sdelay $0x3  }
0x158: {  	s17 =	simm.s32 $0x8BC0  }
0x159: {  	s16 =	simm.s32 $0xFFFFFFF9;
	s18 =	simm.s32 $0xA640;
	s19 =	simm.s32 $0xC0C0;
	[tilespmem:v8+s13+$0x0] =	vst.idx.add.f32.msk vm0, v63  }
.LBB2_8:
0x15a: {  	v8 =	vld [tilespmem:s17+$0xFFFFFFD0]  }
0x15b: {  	v9 =	vld [tilespmem:s18+$0xFFFFFFD0];
	_ =	sdelay $0x4  }
0x15c: {  	v8 =	vsub.s32 v8, v3;
	v9 =	vsub.s32 v9, v3  }
0x15d: {  	v10 =	vand.u32 $0xFFFFFF80, v8;
	v9 =	vshll.u32 v9, $0x7  }
0x15e: {  	v8 =	vand.u32 $0x7F, v8;
	v9 =	vadd.s32 v10, v9  }
0x15f: {  	v42 =	vld [tilespmem:s19+$0xFFFFFFD0];
	v8 =	vor.u32 v8, v9;
	_ =	sdelay $0x4  }
0x160: {  	[tilespmem:v8+s13+$0x0] =	vst.idx.add.f32.msk $0xffff, v42  }
0x161: {  	v8 =	vld [tilespmem:s17+$0xFFFFFFE0]  }
0x162: {  	v43 =	vld [tilespmem:s18+$0xFFFFFFE0];
	_ =	sdelay $0x4  }
0x163: {  	v8 =	vsub.s32 v8, v3;
	v9 =	vsub.s32 v43, v3  }
0x164: {  	v44 =	vand.u32 $0xFFFFFF80, v8;
	v9 =	vshll.u32 v9, $0x7  }
0x165: {  	v8 =	vand.u32 $0x7F, v8;
	v9 =	vadd.s32 v44, v9  }
0x166: {  	v45 =	vld [tilespmem:s19+$0xFFFFFFE0];
	v8 =	vor.u32 v8, v9;
	_ =	sdelay $0x4  }
0x167: {  	[tilespmem:v8+s13+$0x0] =	vst.idx.add.f32.msk $0xffff, v45  }
0x168: {  	v8 =	vld [tilespmem:s17+$0xFFFFFFF0]  }
0x169: {  	v46 =	vld [tilespmem:s18+$0xFFFFFFF0];
	_ =	sdelay $0x4  }
0x16a: {  	v8 =	vsub.s32 v8, v3;
	v9 =	vsub.s32 v46, v3  }
0x16b: {  	v47 =	vand.u32 $0xFFFFFF80, v8;
	v9 =	vshll.u32 v9, $0x7  }
0x16c: {  	v8 =	vand.u32 $0x7F, v8;
	v9 =	vadd.s32 v47, v9  }
0x16d: {  	v48 =	vld [tilespmem:s19+$0xFFFFFFF0];
	v8 =	vor.u32 v8, v9;
	_ =	sdelay $0x4  }
0x16e: {  	[tilespmem:v8+s13+$0x0] =	vst.idx.add.f32.msk $0xffff, v48  }
0x16f: {  	v8 =	vld [tilespmem:s17+$0x0]  }
0x170: {  	v49 =	vld [tilespmem:s18+$0x0];
	_ =	sdelay $0x4  }
0x171: {  	v8 =	vsub.s32 v8, v3;
	v9 =	vsub.s32 v49, v3  }
0x172: {  	v50 =	vand.u32 $0xFFFFFF80, v8;
	v9 =	vshll.u32 v9, $0x7  }
0x173: {  	v8 =	vand.u32 $0x7F, v8;
	v9 =	vadd.s32 v50, v9  }
0x174: {  	v51 =	vld [tilespmem:s19+$0x0];
	v8 =	vor.u32 v8, v9;
	_ =	sdelay $0x4  }
0x175: {  	[tilespmem:v8+s13+$0x0] =	vst.idx.add.f32.msk $0xffff, v51  }
0x176: {  	v8 =	vld [tilespmem:s17+$0x10]  }
0x177: {  	v52 =	vld [tilespmem:s18+$0x10];
	_ =	sdelay $0x4  }
0x178: {  	v8 =	vsub.s32 v8, v3;
	v9 =	vsub.s32 v52, v3  }
0x179: {  	v53 =	vand.u32 $0xFFFFFF80, v8;
	v9 =	vshll.u32 v9, $0x7  }
0x17a: {  	v8 =	vand.u32 $0x7F, v8;
	v9 =	vadd.s32 v53, v9  }
0x17b: {  	v54 =	vld [tilespmem:s19+$0x10];
	v8 =	vor.u32 v8, v9;
	_ =	sdelay $0x4  }
0x17c: {  	[tilespmem:v8+s13+$0x0] =	vst.idx.add.f32.msk $0xffff, v54  }
0x17d: {  	v8 =	vld [tilespmem:s17+$0x20]  }
0x17e: {  	v55 =	vld [tilespmem:s18+$0x20];
	_ =	sdelay $0x4  }
0x17f: {  	v8 =	vsub.s32 v8, v3;
	v9 =	vsub.s32 v55, v3  }
0x180: {  	v56 =	vand.u32 $0xFFFFFF80, v8;
	v9 =	vshll.u32 v9, $0x7  }
0x181: {  	v8 =	vand.u32 $0x7F, v8;
	v9 =	vadd.s32 v56, v9  }
0x182: {  	v57 =	vld [tilespmem:s19+$0x20];
	v8 =	vor.u32 v8, v9;
	_ =	sdelay $0x4  }
0x183: {  	[tilespmem:v8+s13+$0x0] =	vst.idx.add.f32.msk $0xffff, v57  }
0x184: {  	v8 =	vld [tilespmem:s17+$0x30]  }
0x185: {  	v58 =	vld [tilespmem:s18+$0x30];
	_ =	sdelay $0x4  }
0x186: {  	v8 =	vsub.s32 v8, v3;
	v9 =	vsub.s32 v58, v3  }
0x187: {  	v59 =	vand.u32 $0xFFFFFF80, v8;
	v9 =	vshll.u32 v9, $0x7  }
0x188: {  	v8 =	vand.u32 $0x7F, v8;
	v9 =	vadd.s32 v59, v9  }
0x189: {  	v60 =	vld [tilespmem:s19+$0x30];
	v8 =	vor.u32 v8, v9;
	_ =	sdelay $0x4  }
0x18a: {  	[tilespmem:v8+s13+$0x0] =	vst.idx.add.f32.msk $0xffff, v60  }
0x18b: {  	v8 =	vld [tilespmem:s17+$0x40]  }
0x18c: {  	v61 =	vld [tilespmem:s18+$0x40];
	_ =	sdelay $0x4  }
0x18d: {  	v8 =	vsub.s32 v8, v3;
	v9 =	vsub.s32 v61, v3  }
0x18e: {  	v62 =	vand.u32 $0xFFFFFF80, v8;
	v9 =	vshll.u32 v9, $0x7  }
0x18f: {  	s16 =	sadd.s32 $0x8, s16;
	v8 =	vand.u32 $0x7F, v8;
	v9 =	vadd.s32 v62, v9  }
0x190: {  	p0 =	slt.u32 s16, $0x199;
	v63 =	vld [tilespmem:s19+$0x40];
	v8 =	vor.u32 v8, v9  }
.Ltmp3:
0x191: {  	_ = 	snop;
	(pc) =	sbr.rel @p0 .LBB2_8-.Ltmp3, $2  }
0x192: {  	_ =	sdelay $0x2  }
0x193: {  	s17 =	sadd.s32 $0x80, s17;
	s18 =	sadd.s32 $0x80, s18;
	s19 =	sadd.s32 $0x80, s19;
	[tilespmem:v8+s13+$0x0] =	vst.idx.add.f32.msk $0xffff, v63  }
0x194: {  	v8 =	vld [tilespmem:$0xA590]  }
0x195: {  	v9 =	vld [tilespmem:$0xC010];
	_ =	sdelay $0x4  }
0x196: {  	v8 =	vsub.s32 v8, v3;
	v9 =	vsub.s32 v9, v3  }
0x197: {  	v10 =	vand.u32 $0xFFFFFF80, v8;
	v9 =	vshll.u32 v9, $0x7  }
0x198: {  	v8 =	vand.u32 $0x7F, v8;
	v9 =	vadd.s32 v10, v9  }
0x199: {  	v63 =	vld [tilespmem:$0xDA90];
	v8 =	vor.u32 v8, v9;
	_ =	sdelay $0x4  }
0x19a: {  	[tilespmem:v8+s13+$0x0] =	vst.idx.add.f32.msk $0xf, v63  }
0x19b: {  	[hbm4b:s30+s24] =	stream.linear.scatter [tilespmem:s13], [sflag:$0x3], $0x3C00, $0x38;
	[tilespmem:$0x11700] =	vst v63  }
0x19c: {  	_ =	swait.ge [sflag:s8], $0x1A10  }
0x19d: {  	[sflag:s8] =	ssyncset.done $0x0  }
0x19e: {  	[sflag:s8] =	ssyncadd.s32 $0xFFFFE5F0  }
0x19f: {  	_ =	swait.ge [sflag:s8], $0x1A10  }
0x1a0: {  	[sflag:s8] =	ssyncset.done $0x0  }
0x1a1: {  	[sflag:s8] =	ssyncadd.s32 $0xFFFFE5F0  }
0x1a2: {  	_ =	swait.ge [sflag:s8], $0x1A10  }
0x1a3: {  	[sflag:s8] =	ssyncset.done $0x0  }
0x1a4: {  	[sflag:s8] =	ssyncadd.s32 $0xFFFFE5F0  }
0x1a5: {  	_ =	swait.ge [sflag:s9], $0x3C00  }
0x1a6: {  	[sflag:s9] =	ssyncset.done $0x0  }
0x1a7: {  	[sflag:s9] =	ssyncadd.s32 $0xFFFFC400  }
0x1a8: {  	_ =	swait.ge [sflag:s14], $0x3C00  }
0x1a9: {  	[sflag:s14] =	ssyncset.done $0x0  }
0x1aa: {  	s16 =	rddreg [dreg:$0x13];
	[sflag:s14] =	ssyncadd.s32 $0xFFFFC400  }
0x1ab: {  	[tilespmem:s10], [sflag:$0x1] =	stream.linear.gather [hbm4b:s16+s24], $0x1A20, $0x38;
	[tilespmem:$0x11700] =	vst v63  }
0x1ac: {  	s18 =	rddreg [dreg:$0x14]  }
0x1ad: {  	[tilespmem:s11], [sflag:$0x1] =	stream.linear.gather [hbm4b:s18+s24], $0x1A20, $0x38;
	[tilespmem:$0x11700] =	vst v63  }
0x1ae: {  	s17 =	simm.s32 $0x40;
	s19 =	rddreg [dreg:$0x15]  }
0x1af: {  	[tilespmem:s12], [sflag:$0x1] =	stream.linear.gather [hbm4b:s19+s24], $0x1A20, $0x38;
	[tilespmem:$0x11700] =	vst v63  }
0x1b0: {  	s16 =	simm.s32 $0xFFFFFFF8;
	s18 =	simm.s32 $0x1AC0;
	s19 =	simm.s32 $0x3540  }
0x1b1: {  	[tilespmem:s13], [sflag:$0x2] =	stream.linear.gather [hbm4b:s2+s24], $0x3C00, $0x38;
	[tilespmem:$0x11700] =	vst v63  }
.LBB2_10:
0x1b2: {  	v8 =	vld [tilespmem:s17+$0xFFFFFFC0]  }
0x1b3: {  	v9 =	vld [tilespmem:s18+$0xFFFFFFC0];
	_ =	sdelay $0x4  }
0x1b4: {  	v8 =	vsub.s32 v8, v4;
	v9 =	vsub.s32 v9, v4  }
0x1b5: {  	v10 =	vand.u32 $0xFFFFFF80, v8;
	v9 =	vshll.u32 v9, $0x7  }
0x1b6: {  	v8 =	vand.u32 $0x7F, v8;
	v9 =	vadd.s32 v10, v9  }
0x1b7: {  	v42 =	vld [tilespmem:s19+$0xFFFFFFC0];
	v8 =	vor.u32 v8, v9;
	_ =	sdelay $0x4  }
0x1b8: {  	[tilespmem:v8+s7+$0x0] =	vst.idx.add.f32.msk $0xffff, v42  }
0x1b9: {  	v8 =	vld [tilespmem:s17+$0xFFFFFFD0]  }
0x1ba: {  	v43 =	vld [tilespmem:s18+$0xFFFFFFD0];
	_ =	sdelay $0x4  }
0x1bb: {  	v8 =	vsub.s32 v8, v4;
	v9 =	vsub.s32 v43, v4  }
0x1bc: {  	v44 =	vand.u32 $0xFFFFFF80, v8;
	v9 =	vshll.u32 v9, $0x7  }
0x1bd: {  	v8 =	vand.u32 $0x7F, v8;
	v9 =	vadd.s32 v44, v9  }
0x1be: {  	v45 =	vld [tilespmem:s19+$0xFFFFFFD0];
	v8 =	vor.u32 v8, v9;
	_ =	sdelay $0x4  }
0x1bf: {  	[tilespmem:v8+s7+$0x0] =	vst.idx.add.f32.msk $0xffff, v45  }
0x1c0: {  	v8 =	vld [tilespmem:s17+$0xFFFFFFE0]  }
0x1c1: {  	v46 =	vld [tilespmem:s18+$0xFFFFFFE0];
	_ =	sdelay $0x4  }
0x1c2: {  	v8 =	vsub.s32 v8, v4;
	v9 =	vsub.s32 v46, v4  }
0x1c3: {  	v47 =	vand.u32 $0xFFFFFF80, v8;
	v9 =	vshll.u32 v9, $0x7  }
0x1c4: {  	v8 =	vand.u32 $0x7F, v8;
	v9 =	vadd.s32 v47, v9  }
0x1c5: {  	v48 =	vld [tilespmem:s19+$0xFFFFFFE0];
	v8 =	vor.u32 v8, v9;
	_ =	sdelay $0x4  }
0x1c6: {  	[tilespmem:v8+s7+$0x0] =	vst.idx.add.f32.msk $0xffff, v48  }
0x1c7: {  	v8 =	vld [tilespmem:s17+$0xFFFFFFF0]  }
0x1c8: {  	v49 =	vld [tilespmem:s18+$0xFFFFFFF0];
	_ =	sdelay $0x4  }
0x1c9: {  	v8 =	vsub.s32 v8, v4;
	v9 =	vsub.s32 v49, v4  }
0x1ca: {  	v50 =	vand.u32 $0xFFFFFF80, v8;
	v9 =	vshll.u32 v9, $0x7  }
0x1cb: {  	v8 =	vand.u32 $0x7F, v8;
	v9 =	vadd.s32 v50, v9  }
0x1cc: {  	v51 =	vld [tilespmem:s19+$0xFFFFFFF0];
	v8 =	vor.u32 v8, v9;
	_ =	sdelay $0x4  }
0x1cd: {  	[tilespmem:v8+s7+$0x0] =	vst.idx.add.f32.msk $0xffff, v51  }
0x1ce: {  	v8 =	vld [tilespmem:s17+$0x0]  }
0x1cf: {  	v52 =	vld [tilespmem:s18+$0x0];
	_ =	sdelay $0x4  }
0x1d0: {  	v8 =	vsub.s32 v8, v4;
	v9 =	vsub.s32 v52, v4  }
0x1d1: {  	v53 =	vand.u32 $0xFFFFFF80, v8;
	v9 =	vshll.u32 v9, $0x7  }
0x1d2: {  	v8 =	vand.u32 $0x7F, v8;
	v9 =	vadd.s32 v53, v9  }
0x1d3: {  	v54 =	vld [tilespmem:s19+$0x0];
	v8 =	vor.u32 v8, v9;
	_ =	sdelay $0x4  }
0x1d4: {  	[tilespmem:v8+s7+$0x0] =	vst.idx.add.f32.msk $0xffff, v54  }
0x1d5: {  	v8 =	vld [tilespmem:s17+$0x10]  }
0x1d6: {  	v55 =	vld [tilespmem:s18+$0x10];
	_ =	sdelay $0x4  }
0x1d7: {  	v8 =	vsub.s32 v8, v4;
	v9 =	vsub.s32 v55, v4  }
0x1d8: {  	v56 =	vand.u32 $0xFFFFFF80, v8;
	v9 =	vshll.u32 v9, $0x7  }
0x1d9: {  	v8 =	vand.u32 $0x7F, v8;
	v9 =	vadd.s32 v56, v9  }
0x1da: {  	v57 =	vld [tilespmem:s19+$0x10];
	v8 =	vor.u32 v8, v9;
	_ =	sdelay $0x4  }
0x1db: {  	[tilespmem:v8+s7+$0x0] =	vst.idx.add.f32.msk $0xffff, v57  }
0x1dc: {  	v8 =	vld [tilespmem:s17+$0x20]  }
0x1dd: {  	v58 =	vld [tilespmem:s18+$0x20];
	_ =	sdelay $0x4  }
0x1de: {  	v8 =	vsub.s32 v8, v4;
	v9 =	vsub.s32 v58, v4  }
0x1df: {  	v59 =	vand.u32 $0xFFFFFF80, v8;
	v9 =	vshll.u32 v9, $0x7  }
0x1e0: {  	v8 =	vand.u32 $0x7F, v8;
	v9 =	vadd.s32 v59, v9  }
0x1e1: {  	v60 =	vld [tilespmem:s19+$0x20];
	v8 =	vor.u32 v8, v9;
	_ =	sdelay $0x4  }
0x1e2: {  	[tilespmem:v8+s7+$0x0] =	vst.idx.add.f32.msk $0xffff, v60  }
0x1e3: {  	v8 =	vld [tilespmem:s17+$0x30]  }
0x1e4: {  	v61 =	vld [tilespmem:s18+$0x30];
	_ =	sdelay $0x4  }
0x1e5: {  	v8 =	vsub.s32 v8, v4;
	v9 =	vsub.s32 v61, v4  }
0x1e6: {  	v62 =	vand.u32 $0xFFFFFF80, v8;
	v9 =	vshll.u32 v9, $0x7  }
0x1e7: {  	s16 =	sadd.s32 $0x8, s16;
	v8 =	vand.u32 $0x7F, v8;
	v9 =	vadd.s32 v62, v9  }
0x1e8: {  	p0 =	slt.u32 s16, $0x198;
	v63 =	vld [tilespmem:s19+$0x30];
	v8 =	vor.u32 v8, v9  }
.Ltmp4:
0x1e9: {  	_ = 	snop;
	(pc) =	sbr.rel @p0 .LBB2_10-.Ltmp4, $2  }
0x1ea: {  	_ =	sdelay $0x2  }
0x1eb: {  	s17 =	sadd.s32 $0x80, s17;
	s18 =	sadd.s32 $0x80, s18;
	s19 =	sadd.s32 $0x80, s19;
	[tilespmem:v8+s7+$0x0] =	vst.idx.add.f32.msk $0xffff, v63  }
0x1ec: {  	v8 =	vld [tilespmem:$0x1A00]  }
0x1ed: {  	v9 =	vld [tilespmem:$0x3480];
	_ =	sdelay $0x4  }
0x1ee: {  	v8 =	vsub.s32 v8, v4;
	v9 =	vsub.s32 v9, v4  }
0x1ef: {  	v10 =	vand.u32 $0xFFFFFF80, v8;
	v9 =	vshll.u32 v9, $0x7  }
0x1f0: {  	v8 =	vand.u32 $0x7F, v8;
	v9 =	vadd.s32 v10, v9  }
0x1f1: {  	v60 =	vld [tilespmem:$0x4F00];
	v8 =	vor.u32 v8, v9;
	_ =	sdelay $0x4  }
0x1f2: {  	[tilespmem:v8+s7+$0x0] =	vst.idx.add.f32.msk $0x3fff, v60  }
0x1f3: {  	[hbm4b:s31+s24] =	stream.linear.scatter [tilespmem:s7], [sflag:$0x3], $0x3C00, $0x38;
	[tilespmem:$0x11700] =	vst v63  }
0x1f4: {  	_ =	swait.ge [sflag:s8], $0x1A20  }
0x1f5: {  	[sflag:s8] =	ssyncset.done $0x0  }
0x1f6: {  	[sflag:s8] =	ssyncadd.s32 $0xFFFFE5E0  }
0x1f7: {  	_ =	swait.ge [sflag:s8], $0x1A20  }
0x1f8: {  	[sflag:s8] =	ssyncset.done $0x0  }
0x1f9: {  	[sflag:s8] =	ssyncadd.s32 $0xFFFFE5E0  }
0x1fa: {  	_ =	swait.ge [sflag:s8], $0x1A20  }
0x1fb: {  	[sflag:s8] =	ssyncset.done $0x0  }
0x1fc: {  	[sflag:s8] =	ssyncadd.s32 $0xFFFFE5E0  }
0x1fd: {  	_ =	swait.ge [sflag:s9], $0x3C00  }
0x1fe: {  	[sflag:s9] =	ssyncset.done $0x0  }
0x1ff: {  	[sflag:s9] =	ssyncadd.s32 $0xFFFFC400  }
0x200: {  	_ =	swait.ge [sflag:s14], $0x3C00  }
0x201: {  	[sflag:s14] =	ssyncset.done $0x0  }
0x202: {  	s16 =	rddreg [dreg:$0x16];
	[sflag:s14] =	ssyncadd.s32 $0xFFFFC400  }
0x203: {  	[tilespmem:s24], [sflag:$0x1] =	stream.linear.gather [hbm4b:s16+s24], $0x1A10, $0x38;
	[tilespmem:$0x11700] =	vst v63  }
0x204: {  	_ = 	snop  }
0x205: {  	[tilespmem:s5], [sflag:$0x1] =	stream.linear.gather [hbm4b:s20+s24], $0x1A10, $0x38;
	[tilespmem:$0x11700] =	vst v63  }
0x206: {  	_ = 	snop  }
0x207: {  	[tilespmem:s6], [sflag:$0x1] =	stream.linear.gather [hbm4b:s21+s24], $0x1A10, $0x38;
	[tilespmem:$0x11700] =	vst v63  }
0x208: {  	_ = 	snop  }
0x209: {  	[tilespmem:s7], [sflag:$0x2] =	stream.linear.gather [hbm4b:s2+s24], $0x3C00, $0x38;
	[tilespmem:$0x11700] =	vst v63  }
0x20a: {  	v8 =	vld [tilespmem:$0x8B80]  }
0x20b: {  	v61 =	vld [tilespmem:$0xA600];
	_ =	sdelay $0x4  }
0x20c: {  	v8 =	vsub.s32 v8, v5;
	v9 =	vsub.s32 v61, v5  }
0x20d: {  	v62 =	vand.u32 $0xFFFFFF80, v8;
	v9 =	vshll.u32 v9, $0x7  }
0x20e: {  	v8 =	vand.u32 $0x7F, v8;
	v9 =	vadd.s32 v62, v9  }
0x20f: {  	v63 =	vld [tilespmem:$0xC080];
	v8 =	vor.u32 v8, v9;
	_ =	sdelay $0x3  }
0x210: {  	s17 =	simm.s32 $0x8BC0  }
0x211: {  	s18 =	simm.s32 $0xA640;
	s19 =	simm.s32 $0xC0C0;
	s16 =	simm.s32 $0xFFFFFFF9;
	[tilespmem:v8+s13+$0x0] =	vst.idx.add.f32.msk vm0, v63  }
.LBB2_12:
0x212: {  	v8 =	vld [tilespmem:s17+$0xFFFFFFD0]  }
0x213: {  	v9 =	vld [tilespmem:s18+$0xFFFFFFD0];
	_ =	sdelay $0x4  }
0x214: {  	v8 =	vsub.s32 v8, v5;
	v9 =	vsub.s32 v9, v5  }
0x215: {  	v10 =	vand.u32 $0xFFFFFF80, v8;
	v9 =	vshll.u32 v9, $0x7  }
0x216: {  	v8 =	vand.u32 $0x7F, v8;
	v9 =	vadd.s32 v10, v9  }
0x217: {  	v42 =	vld [tilespmem:s19+$0xFFFFFFD0];
	v8 =	vor.u32 v8, v9;
	_ =	sdelay $0x4  }
0x218: {  	[tilespmem:v8+s13+$0x0] =	vst.idx.add.f32.msk $0xffff, v42  }
0x219: {  	v8 =	vld [tilespmem:s17+$0xFFFFFFE0]  }
0x21a: {  	v43 =	vld [tilespmem:s18+$0xFFFFFFE0];
	_ =	sdelay $0x4  }
0x21b: {  	v8 =	vsub.s32 v8, v5;
	v9 =	vsub.s32 v43, v5  }
0x21c: {  	v44 =	vand.u32 $0xFFFFFF80, v8;
	v9 =	vshll.u32 v9, $0x7  }
0x21d: {  	v8 =	vand.u32 $0x7F, v8;
	v9 =	vadd.s32 v44, v9  }
0x21e: {  	v45 =	vld [tilespmem:s19+$0xFFFFFFE0];
	v8 =	vor.u32 v8, v9;
	_ =	sdelay $0x4  }
0x21f: {  	[tilespmem:v8+s13+$0x0] =	vst.idx.add.f32.msk $0xffff, v45  }
0x220: {  	v8 =	vld [tilespmem:s17+$0xFFFFFFF0]  }
0x221: {  	v46 =	vld [tilespmem:s18+$0xFFFFFFF0];
	_ =	sdelay $0x4  }
0x222: {  	v8 =	vsub.s32 v8, v5;
	v9 =	vsub.s32 v46, v5  }
0x223: {  	v47 =	vand.u32 $0xFFFFFF80, v8;
	v9 =	vshll.u32 v9, $0x7  }
0x224: {  	v8 =	vand.u32 $0x7F, v8;
	v9 =	vadd.s32 v47, v9  }
0x225: {  	v48 =	vld [tilespmem:s19+$0xFFFFFFF0];
	v8 =	vor.u32 v8, v9;
	_ =	sdelay $0x4  }
0x226: {  	[tilespmem:v8+s13+$0x0] =	vst.idx.add.f32.msk $0xffff, v48  }
0x227: {  	v8 =	vld [tilespmem:s17+$0x0]  }
0x228: {  	v49 =	vld [tilespmem:s18+$0x0];
	_ =	sdelay $0x4  }
0x229: {  	v8 =	vsub.s32 v8, v5;
	v9 =	vsub.s32 v49, v5  }
0x22a: {  	v50 =	vand.u32 $0xFFFFFF80, v8;
	v9 =	vshll.u32 v9, $0x7  }
0x22b: {  	v8 =	vand.u32 $0x7F, v8;
	v9 =	vadd.s32 v50, v9  }
0x22c: {  	v51 =	vld [tilespmem:s19+$0x0];
	v8 =	vor.u32 v8, v9;
	_ =	sdelay $0x4  }
0x22d: {  	[tilespmem:v8+s13+$0x0] =	vst.idx.add.f32.msk $0xffff, v51  }
0x22e: {  	v8 =	vld [tilespmem:s17+$0x10]  }
0x22f: {  	v52 =	vld [tilespmem:s18+$0x10];
	_ =	sdelay $0x4  }
0x230: {  	v8 =	vsub.s32 v8, v5;
	v9 =	vsub.s32 v52, v5  }
0x231: {  	v53 =	vand.u32 $0xFFFFFF80, v8;
	v9 =	vshll.u32 v9, $0x7  }
0x232: {  	v8 =	vand.u32 $0x7F, v8;
	v9 =	vadd.s32 v53, v9  }
0x233: {  	v54 =	vld [tilespmem:s19+$0x10];
	v8 =	vor.u32 v8, v9;
	_ =	sdelay $0x4  }
0x234: {  	[tilespmem:v8+s13+$0x0] =	vst.idx.add.f32.msk $0xffff, v54  }
0x235: {  	v8 =	vld [tilespmem:s17+$0x20]  }
0x236: {  	v55 =	vld [tilespmem:s18+$0x20];
	_ =	sdelay $0x4  }
0x237: {  	v8 =	vsub.s32 v8, v5;
	v9 =	vsub.s32 v55, v5  }
0x238: {  	v56 =	vand.u32 $0xFFFFFF80, v8;
	v9 =	vshll.u32 v9, $0x7  }
0x239: {  	v8 =	vand.u32 $0x7F, v8;
	v9 =	vadd.s32 v56, v9  }
0x23a: {  	v57 =	vld [tilespmem:s19+$0x20];
	v8 =	vor.u32 v8, v9;
	_ =	sdelay $0x4  }
0x23b: {  	[tilespmem:v8+s13+$0x0] =	vst.idx.add.f32.msk $0xffff, v57  }
0x23c: {  	v8 =	vld [tilespmem:s17+$0x30]  }
0x23d: {  	v58 =	vld [tilespmem:s18+$0x30];
	_ =	sdelay $0x4  }
0x23e: {  	v8 =	vsub.s32 v8, v5;
	v9 =	vsub.s32 v58, v5  }
0x23f: {  	v59 =	vand.u32 $0xFFFFFF80, v8;
	v9 =	vshll.u32 v9, $0x7  }
0x240: {  	v8 =	vand.u32 $0x7F, v8;
	v9 =	vadd.s32 v59, v9  }
0x241: {  	v60 =	vld [tilespmem:s19+$0x30];
	v8 =	vor.u32 v8, v9;
	_ =	sdelay $0x4  }
0x242: {  	[tilespmem:v8+s13+$0x0] =	vst.idx.add.f32.msk $0xffff, v60  }
0x243: {  	v8 =	vld [tilespmem:s17+$0x40]  }
0x244: {  	v61 =	vld [tilespmem:s18+$0x40];
	_ =	sdelay $0x4  }
0x245: {  	v8 =	vsub.s32 v8, v5;
	v9 =	vsub.s32 v61, v5  }
0x246: {  	v62 =	vand.u32 $0xFFFFFF80, v8;
	v9 =	vshll.u32 v9, $0x7  }
0x247: {  	s16 =	sadd.s32 $0x8, s16;
	v8 =	vand.u32 $0x7F, v8;
	v9 =	vadd.s32 v62, v9  }
0x248: {  	p0 =	slt.u32 s16, $0x199;
	v63 =	vld [tilespmem:s19+$0x40];
	v8 =	vor.u32 v8, v9  }
.Ltmp5:
0x249: {  	_ = 	snop;
	(pc) =	sbr.rel @p0 .LBB2_12-.Ltmp5, $2  }
0x24a: {  	_ =	sdelay $0x2  }
0x24b: {  	s17 =	sadd.s32 $0x80, s17;
	s18 =	sadd.s32 $0x80, s18;
	s19 =	sadd.s32 $0x80, s19;
	[tilespmem:v8+s13+$0x0] =	vst.idx.add.f32.msk $0xffff, v63  }
0x24c: {  	v8 =	vld [tilespmem:$0xA590]  }
0x24d: {  	v9 =	vld [tilespmem:$0xC010];
	_ =	sdelay $0x4  }
0x24e: {  	v8 =	vsub.s32 v8, v5;
	v9 =	vsub.s32 v9, v5  }
0x24f: {  	v10 =	vand.u32 $0xFFFFFF80, v8;
	v9 =	vshll.u32 v9, $0x7  }
0x250: {  	v8 =	vand.u32 $0x7F, v8;
	v9 =	vadd.s32 v10, v9  }
0x251: {  	v63 =	vld [tilespmem:$0xDA90];
	v8 =	vor.u32 v8, v9;
	_ =	sdelay $0x4  }
0x252: {  	[tilespmem:v8+s13+$0x0] =	vst.idx.add.f32.msk $0xf, v63  }
0x253: {  	[hbm4b:s0+s24] =	stream.linear.scatter [tilespmem:s13], [sflag:$0x3], $0x3C00, $0x38;
	[tilespmem:$0x11700] =	vst v63  }
0x254: {  	_ =	swait.ge [sflag:s8], $0x1A10  }
0x255: {  	[sflag:s8] =	ssyncset.done $0x0  }
0x256: {  	[sflag:s8] =	ssyncadd.s32 $0xFFFFE5F0  }
0x257: {  	_ =	swait.ge [sflag:s8], $0x1A10  }
0x258: {  	[sflag:s8] =	ssyncset.done $0x0  }
0x259: {  	[sflag:s8] =	ssyncadd.s32 $0xFFFFE5F0  }
0x25a: {  	_ =	swait.ge [sflag:s8], $0x1A10  }
0x25b: {  	[sflag:s8] =	ssyncset.done $0x0  }
0x25c: {  	[sflag:s8] =	ssyncadd.s32 $0xFFFFE5F0  }
0x25d: {  	_ =	swait.ge [sflag:s9], $0x3C00  }
0x25e: {  	[sflag:s9] =	ssyncset.done $0x0  }
0x25f: {  	[sflag:s9] =	ssyncadd.s32 $0xFFFFC400  }
0x260: {  	_ =	swait.ge [sflag:s14], $0x3C00  }
0x261: {  	[sflag:s14] =	ssyncset.done $0x0  }
0x262: {  	[sflag:s14] =	ssyncadd.s32 $0xFFFFC400  }
0x263: {  	[tilespmem:s10], [sflag:$0x1] =	stream.linear.gather [hbm4b:s22+s24], $0x1A20, $0x38;
	[tilespmem:$0x11700] =	vst v63  }
0x264: {  	_ = 	snop  }
0x265: {  	[tilespmem:s11], [sflag:$0x1] =	stream.linear.gather [hbm4b:s23+s24], $0x1A20, $0x38;
	[tilespmem:$0x11700] =	vst v63  }
0x266: {  	s16 =	simm.s32 $0xFFFFFFF8  }
0x267: {  	[tilespmem:s12], [sflag:$0x1] =	stream.linear.gather [hbm4b:s25+s24], $0x1A20, $0x38;
	[tilespmem:$0x11700] =	vst v63  }
0x268: {  	s17 =	simm.s32 $0x40;
	s18 =	simm.s32 $0x1AC0;
	s19 =	simm.s32 $0x3540  }
0x269: {  	[tilespmem:s13], [sflag:$0x2] =	stream.linear.gather [hbm4b:s2+s24], $0x3C00, $0x38;
	[tilespmem:$0x11700] =	vst v63  }
.LBB2_14:
0x26a: {  	v8 =	vld [tilespmem:s17+$0xFFFFFFC0]  }
0x26b: {  	v9 =	vld [tilespmem:s18+$0xFFFFFFC0];
	_ =	sdelay $0x4  }
0x26c: {  	v8 =	vsub.s32 v8, v6;
	v9 =	vsub.s32 v9, v6  }
0x26d: {  	v10 =	vand.u32 $0xFFFFFF80, v8;
	v9 =	vshll.u32 v9, $0x7  }
0x26e: {  	v8 =	vand.u32 $0x7F, v8;
	v9 =	vadd.s32 v10, v9  }
0x26f: {  	v42 =	vld [tilespmem:s19+$0xFFFFFFC0];
	v8 =	vor.u32 v8, v9;
	_ =	sdelay $0x4  }
0x270: {  	[tilespmem:v8+s7+$0x0] =	vst.idx.add.f32.msk $0xffff, v42  }
0x271: {  	v8 =	vld [tilespmem:s17+$0xFFFFFFD0]  }
0x272: {  	v43 =	vld [tilespmem:s18+$0xFFFFFFD0];
	_ =	sdelay $0x4  }
0x273: {  	v8 =	vsub.s32 v8, v6;
	v9 =	vsub.s32 v43, v6  }
0x274: {  	v44 =	vand.u32 $0xFFFFFF80, v8;
	v9 =	vshll.u32 v9, $0x7  }
0x275: {  	v8 =	vand.u32 $0x7F, v8;
	v9 =	vadd.s32 v44, v9  }
0x276: {  	v45 =	vld [tilespmem:s19+$0xFFFFFFD0];
	v8 =	vor.u32 v8, v9;
	_ =	sdelay $0x4  }
0x277: {  	[tilespmem:v8+s7+$0x0] =	vst.idx.add.f32.msk $0xffff, v45  }
0x278: {  	v8 =	vld [tilespmem:s17+$0xFFFFFFE0]  }
0x279: {  	v46 =	vld [tilespmem:s18+$0xFFFFFFE0];
	_ =	sdelay $0x4  }
0x27a: {  	v8 =	vsub.s32 v8, v6;
	v9 =	vsub.s32 v46, v6  }
0x27b: {  	v47 =	vand.u32 $0xFFFFFF80, v8;
	v9 =	vshll.u32 v9, $0x7  }
0x27c: {  	v8 =	vand.u32 $0x7F, v8;
	v9 =	vadd.s32 v47, v9  }
0x27d: {  	v48 =	vld [tilespmem:s19+$0xFFFFFFE0];
	v8 =	vor.u32 v8, v9;
	_ =	sdelay $0x4  }
0x27e: {  	[tilespmem:v8+s7+$0x0] =	vst.idx.add.f32.msk $0xffff, v48  }
0x27f: {  	v8 =	vld [tilespmem:s17+$0xFFFFFFF0]  }
0x280: {  	v49 =	vld [tilespmem:s18+$0xFFFFFFF0];
	_ =	sdelay $0x4  }
0x281: {  	v8 =	vsub.s32 v8, v6;
	v9 =	vsub.s32 v49, v6  }
0x282: {  	v50 =	vand.u32 $0xFFFFFF80, v8;
	v9 =	vshll.u32 v9, $0x7  }
0x283: {  	v8 =	vand.u32 $0x7F, v8;
	v9 =	vadd.s32 v50, v9  }
0x284: {  	v51 =	vld [tilespmem:s19+$0xFFFFFFF0];
	v8 =	vor.u32 v8, v9;
	_ =	sdelay $0x4  }
0x285: {  	[tilespmem:v8+s7+$0x0] =	vst.idx.add.f32.msk $0xffff, v51  }
0x286: {  	v8 =	vld [tilespmem:s17+$0x0]  }
0x287: {  	v52 =	vld [tilespmem:s18+$0x0];
	_ =	sdelay $0x4  }
0x288: {  	v8 =	vsub.s32 v8, v6;
	v9 =	vsub.s32 v52, v6  }
0x289: {  	v53 =	vand.u32 $0xFFFFFF80, v8;
	v9 =	vshll.u32 v9, $0x7  }
0x28a: {  	v8 =	vand.u32 $0x7F, v8;
	v9 =	vadd.s32 v53, v9  }
0x28b: {  	v54 =	vld [tilespmem:s19+$0x0];
	v8 =	vor.u32 v8, v9;
	_ =	sdelay $0x4  }
0x28c: {  	[tilespmem:v8+s7+$0x0] =	vst.idx.add.f32.msk $0xffff, v54  }
0x28d: {  	v8 =	vld [tilespmem:s17+$0x10]  }
0x28e: {  	v55 =	vld [tilespmem:s18+$0x10];
	_ =	sdelay $0x4  }
0x28f: {  	v8 =	vsub.s32 v8, v6;
	v9 =	vsub.s32 v55, v6  }
0x290: {  	v56 =	vand.u32 $0xFFFFFF80, v8;
	v9 =	vshll.u32 v9, $0x7  }
0x291: {  	v8 =	vand.u32 $0x7F, v8;
	v9 =	vadd.s32 v56, v9  }
0x292: {  	v57 =	vld [tilespmem:s19+$0x10];
	v8 =	vor.u32 v8, v9;
	_ =	sdelay $0x4  }
0x293: {  	[tilespmem:v8+s7+$0x0] =	vst.idx.add.f32.msk $0xffff, v57  }
0x294: {  	v8 =	vld [tilespmem:s17+$0x20]  }
0x295: {  	v58 =	vld [tilespmem:s18+$0x20];
	_ =	sdelay $0x4  }
0x296: {  	v8 =	vsub.s32 v8, v6;
	v9 =	vsub.s32 v58, v6  }
0x297: {  	v59 =	vand.u32 $0xFFFFFF80, v8;
	v9 =	vshll.u32 v9, $0x7  }
0x298: {  	v8 =	vand.u32 $0x7F, v8;
	v9 =	vadd.s32 v59, v9  }
0x299: {  	v60 =	vld [tilespmem:s19+$0x20];
	v8 =	vor.u32 v8, v9;
	_ =	sdelay $0x4  }
0x29a: {  	[tilespmem:v8+s7+$0x0] =	vst.idx.add.f32.msk $0xffff, v60  }
0x29b: {  	v8 =	vld [tilespmem:s17+$0x30]  }
0x29c: {  	v61 =	vld [tilespmem:s18+$0x30];
	_ =	sdelay $0x4  }
0x29d: {  	v8 =	vsub.s32 v8, v6;
	v9 =	vsub.s32 v61, v6  }
0x29e: {  	v62 =	vand.u32 $0xFFFFFF80, v8;
	v9 =	vshll.u32 v9, $0x7  }
0x29f: {  	s16 =	sadd.s32 $0x8, s16;
	v8 =	vand.u32 $0x7F, v8;
	v9 =	vadd.s32 v62, v9  }
0x2a0: {  	p0 =	slt.u32 s16, $0x198;
	v63 =	vld [tilespmem:s19+$0x30];
	v8 =	vor.u32 v8, v9  }
.Ltmp6:
0x2a1: {  	_ = 	snop;
	(pc) =	sbr.rel @p0 .LBB2_14-.Ltmp6, $2  }
0x2a2: {  	_ =	sdelay $0x2  }
0x2a3: {  	s17 =	sadd.s32 $0x80, s17;
	s18 =	sadd.s32 $0x80, s18;
	s19 =	sadd.s32 $0x80, s19;
	[tilespmem:v8+s7+$0x0] =	vst.idx.add.f32.msk $0xffff, v63  }
0x2a4: {  	v8 =	vld [tilespmem:$0x1A00]  }
0x2a5: {  	v9 =	vld [tilespmem:$0x3480];
	_ =	sdelay $0x4  }
0x2a6: {  	v8 =	vsub.s32 v8, v6;
	v9 =	vsub.s32 v9, v6  }
0x2a7: {  	v10 =	vand.u32 $0xFFFFFF80, v8;
	v9 =	vshll.u32 v9, $0x7  }
0x2a8: {  	v8 =	vand.u32 $0x7F, v8;
	v9 =	vadd.s32 v10, v9  }
0x2a9: {  	v60 =	vld [tilespmem:$0x4F00];
	v8 =	vor.u32 v8, v9;
	_ =	sdelay $0x4  }
0x2aa: {  	[tilespmem:v8+s7+$0x0] =	vst.idx.add.f32.msk $0x3fff, v60  }
0x2ab: {  	[hbm4b:s1+s24] =	stream.linear.scatter [tilespmem:s7], [sflag:$0x3], $0x3C00, $0x38;
	[tilespmem:$0x11700] =	vst v63  }
0x2ac: {  	_ =	swait.ge [sflag:s8], $0x1A20  }
0x2ad: {  	[sflag:s8] =	ssyncset.done $0x0  }
0x2ae: {  	[sflag:s8] =	ssyncadd.s32 $0xFFFFE5E0  }
0x2af: {  	_ =	swait.ge [sflag:s8], $0x1A20  }
0x2b0: {  	[sflag:s8] =	ssyncset.done $0x0  }
0x2b1: {  	[sflag:s8] =	ssyncadd.s32 $0xFFFFE5E0  }
0x2b2: {  	_ =	swait.ge [sflag:s8], $0x1A20  }
0x2b3: {  	[sflag:s8] =	ssyncset.done $0x0  }
0x2b4: {  	[sflag:s8] =	ssyncadd.s32 $0xFFFFE5E0  }
0x2b5: {  	_ =	swait.ge [sflag:s9], $0x3C00  }
0x2b6: {  	[sflag:s9] =	ssyncset.done $0x0  }
0x2b7: {  	[sflag:s9] =	ssyncadd.s32 $0xFFFFC400  }
0x2b8: {  	v8 =	vld [tilespmem:$0x8B80]  }
0x2b9: {  	v61 =	vld [tilespmem:$0xA600];
	_ =	sdelay $0x4  }
0x2ba: {  	v8 =	vsub.s32 v8, v7;
	v9 =	vsub.s32 v61, v7  }
0x2bb: {  	v62 =	vand.u32 $0xFFFFFF80, v8;
	v9 =	vshll.u32 v9, $0x7  }
0x2bc: {  	v8 =	vand.u32 $0x7F, v8;
	v9 =	vadd.s32 v62, v9  }
0x2bd: {  	v63 =	vld [tilespmem:$0xC080];
	v8 =	vor.u32 v8, v9;
	_ =	sdelay $0x3  }
0x2be: {  	s16 =	simm.s32 $0xFFFFFFF9  }
0x2bf: {  	s17 =	simm.s32 $0x8BC0;
	s18 =	simm.s32 $0xA640;
	s19 =	simm.s32 $0xC0C0;
	[tilespmem:v8+s13+$0x0] =	vst.idx.add.f32.msk vm0, v63  }
.LBB2_16:
0x2c0: {  	v8 =	vld [tilespmem:s17+$0xFFFFFFD0]  }
0x2c1: {  	v9 =	vld [tilespmem:s18+$0xFFFFFFD0];
	_ =	sdelay $0x4  }
0x2c2: {  	v8 =	vsub.s32 v8, v7;
	v9 =	vsub.s32 v9, v7  }
0x2c3: {  	v10 =	vand.u32 $0xFFFFFF80, v8;
	v9 =	vshll.u32 v9, $0x7  }
0x2c4: {  	v8 =	vand.u32 $0x7F, v8;
	v9 =	vadd.s32 v10, v9  }
0x2c5: {  	v42 =	vld [tilespmem:s19+$0xFFFFFFD0];
	v8 =	vor.u32 v8, v9;
	_ =	sdelay $0x4  }
0x2c6: {  	[tilespmem:v8+s13+$0x0] =	vst.idx.add.f32.msk $0xffff, v42  }
0x2c7: {  	v8 =	vld [tilespmem:s17+$0xFFFFFFE0]  }
0x2c8: {  	v43 =	vld [tilespmem:s18+$0xFFFFFFE0];
	_ =	sdelay $0x4  }
0x2c9: {  	v8 =	vsub.s32 v8, v7;
	v9 =	vsub.s32 v43, v7  }
0x2ca: {  	v44 =	vand.u32 $0xFFFFFF80, v8;
	v9 =	vshll.u32 v9, $0x7  }
0x2cb: {  	v8 =	vand.u32 $0x7F, v8;
	v9 =	vadd.s32 v44, v9  }
0x2cc: {  	v45 =	vld [tilespmem:s19+$0xFFFFFFE0];
	v8 =	vor.u32 v8, v9;
	_ =	sdelay $0x4  }
0x2cd: {  	[tilespmem:v8+s13+$0x0] =	vst.idx.add.f32.msk $0xffff, v45  }
0x2ce: {  	v8 =	vld [tilespmem:s17+$0xFFFFFFF0]  }
0x2cf: {  	v46 =	vld [tilespmem:s18+$0xFFFFFFF0];
	_ =	sdelay $0x4  }
0x2d0: {  	v8 =	vsub.s32 v8, v7;
	v9 =	vsub.s32 v46, v7  }
0x2d1: {  	v47 =	vand.u32 $0xFFFFFF80, v8;
	v9 =	vshll.u32 v9, $0x7  }
0x2d2: {  	v8 =	vand.u32 $0x7F, v8;
	v9 =	vadd.s32 v47, v9  }
0x2d3: {  	v48 =	vld [tilespmem:s19+$0xFFFFFFF0];
	v8 =	vor.u32 v8, v9;
	_ =	sdelay $0x4  }
0x2d4: {  	[tilespmem:v8+s13+$0x0] =	vst.idx.add.f32.msk $0xffff, v48  }
0x2d5: {  	v8 =	vld [tilespmem:s17+$0x0]  }
0x2d6: {  	v49 =	vld [tilespmem:s18+$0x0];
	_ =	sdelay $0x4  }
0x2d7: {  	v8 =	vsub.s32 v8, v7;
	v9 =	vsub.s32 v49, v7  }
0x2d8: {  	v50 =	vand.u32 $0xFFFFFF80, v8;
	v9 =	vshll.u32 v9, $0x7  }
0x2d9: {  	v8 =	vand.u32 $0x7F, v8;
	v9 =	vadd.s32 v50, v9  }
0x2da: {  	v51 =	vld [tilespmem:s19+$0x0];
	v8 =	vor.u32 v8, v9;
	_ =	sdelay $0x4  }
0x2db: {  	[tilespmem:v8+s13+$0x0] =	vst.idx.add.f32.msk $0xffff, v51  }
0x2dc: {  	v8 =	vld [tilespmem:s17+$0x10]  }
0x2dd: {  	v52 =	vld [tilespmem:s18+$0x10];
	_ =	sdelay $0x4  }
0x2de: {  	v8 =	vsub.s32 v8, v7;
	v9 =	vsub.s32 v52, v7  }
0x2df: {  	v53 =	vand.u32 $0xFFFFFF80, v8;
	v9 =	vshll.u32 v9, $0x7  }
0x2e0: {  	v8 =	vand.u32 $0x7F, v8;
	v9 =	vadd.s32 v53, v9  }
0x2e1: {  	v54 =	vld [tilespmem:s19+$0x10];
	v8 =	vor.u32 v8, v9;
	_ =	sdelay $0x4  }
0x2e2: {  	[tilespmem:v8+s13+$0x0] =	vst.idx.add.f32.msk $0xffff, v54  }
0x2e3: {  	v8 =	vld [tilespmem:s17+$0x20]  }
0x2e4: {  	v55 =	vld [tilespmem:s18+$0x20];
	_ =	sdelay $0x4  }
0x2e5: {  	v8 =	vsub.s32 v8, v7;
	v9 =	vsub.s32 v55, v7  }
0x2e6: {  	v56 =	vand.u32 $0xFFFFFF80, v8;
	v9 =	vshll.u32 v9, $0x7  }
0x2e7: {  	v8 =	vand.u32 $0x7F, v8;
	v9 =	vadd.s32 v56, v9  }
0x2e8: {  	v57 =	vld [tilespmem:s19+$0x20];
	v8 =	vor.u32 v8, v9;
	_ =	sdelay $0x4  }
0x2e9: {  	[tilespmem:v8+s13+$0x0] =	vst.idx.add.f32.msk $0xffff, v57  }
0x2ea: {  	v8 =	vld [tilespmem:s17+$0x30]  }
0x2eb: {  	v58 =	vld [tilespmem:s18+$0x30];
	_ =	sdelay $0x4  }
0x2ec: {  	v8 =	vsub.s32 v8, v7;
	v9 =	vsub.s32 v58, v7  }
0x2ed: {  	v59 =	vand.u32 $0xFFFFFF80, v8;
	v9 =	vshll.u32 v9, $0x7  }
0x2ee: {  	v8 =	vand.u32 $0x7F, v8;
	v9 =	vadd.s32 v59, v9  }
0x2ef: {  	v60 =	vld [tilespmem:s19+$0x30];
	v8 =	vor.u32 v8, v9;
	_ =	sdelay $0x4  }
0x2f0: {  	[tilespmem:v8+s13+$0x0] =	vst.idx.add.f32.msk $0xffff, v60  }
0x2f1: {  	v8 =	vld [tilespmem:s17+$0x40]  }
0x2f2: {  	v61 =	vld [tilespmem:s18+$0x40];
	_ =	sdelay $0x4  }
0x2f3: {  	v8 =	vsub.s32 v8, v7;
	v9 =	vsub.s32 v61, v7  }
0x2f4: {  	v62 =	vand.u32 $0xFFFFFF80, v8;
	v9 =	vshll.u32 v9, $0x7  }
0x2f5: {  	s16 =	sadd.s32 $0x8, s16;
	v8 =	vand.u32 $0x7F, v8;
	v9 =	vadd.s32 v62, v9  }
0x2f6: {  	p0 =	slt.u32 s16, $0x199;
	v63 =	vld [tilespmem:s19+$0x40];
	v8 =	vor.u32 v8, v9  }
.Ltmp7:
0x2f7: {  	_ = 	snop;
	(pc) =	sbr.rel @p0 .LBB2_16-.Ltmp7, $2  }
0x2f8: {  	_ =	sdelay $0x2  }
0x2f9: {  	s17 =	sadd.s32 $0x80, s17;
	s18 =	sadd.s32 $0x80, s18;
	s19 =	sadd.s32 $0x80, s19;
	[tilespmem:v8+s13+$0x0] =	vst.idx.add.f32.msk $0xffff, v63  }
0x2fa: {  	v8 =	vld [tilespmem:$0xA590]  }
0x2fb: {  	v9 =	vld [tilespmem:$0xC010];
	_ =	sdelay $0x4  }
0x2fc: {  	v8 =	vsub.s32 v8, v7;
	v9 =	vsub.s32 v9, v7  }
0x2fd: {  	v10 =	vand.u32 $0xFFFFFF80, v8;
	v9 =	vshll.u32 v9, $0x7  }
0x2fe: {  	v8 =	vand.u32 $0x7F, v8;
	v9 =	vadd.s32 v10, v9  }
0x2ff: {  	v63 =	vld [tilespmem:$0xDA90];
	v8 =	vor.u32 v8, v9;
	_ =	sdelay $0x4  }
0x300: {  	s15 =	sadd.s32 $0x1, s15;
	[tilespmem:v8+s13+$0x0] =	vst.idx.add.f32.msk $0xf, v63  }
0x301: {  	[hbm4b:s3+s24] =	stream.linear.scatter [tilespmem:s13], [sflag:$0x3], $0x3C00, $0x38;
	[tilespmem:$0x11700] =	vst v63  }
0x302: {  	p0 =	sne.s32 s15, s4;
	_ =	swait.ge [sflag:s14], $0x3C00  }
.Ltmp8:
0x303: {  	[sflag:s14] =	ssyncset.done $0x0;
	(pc) =	sbr.rel @p0 .LBB2_1-.Ltmp8, $4  }
0x304: {  	[sflag:s14] =	ssyncadd.s32 $0xFFFFC400  }
0x305: {  	_ =	swait.ge [sflag:s14], $0x3C00  }
0x306: {  	[sflag:s14] =	ssyncset.done $0x0  }
0x307: {  	[sflag:s14] =	ssyncadd.s32 $0xFFFFC400  }
0x308: {  	_ =	sfence.sel $0x180000  }
0x309: {  	[bflag:$0x0] =	sbarrier.arrive $0xFFFF  }
0x30a: {  	_ =	strace $0x90000047  }
0x30b: {  	s0 =	stileid.u32;
	[bflag:$0x2] =	sbarrier.arrive $0xFFFF  }
0x30c: {  	p0 =	sne.s32 s0, $0x0;
	s0 =	rddreg [dreg:$0x3]  }
0x30d: {  	s0 =	sadd.s32 @!p0 $0x100000, s0  }
0x30e: {  	[sflag:s0] =	ssyncadd.tile.s32 @!p0 $0x1;
	_ =	shalt  }
.Lfunc_end2:
_tile_overlayer_lowered:
.L_overlay_start_2:
0x30f: {  	(tag) =	ssettag $0x2  }
0x310: {  	s0 =	rddreg [dreg:$0x0];
	s2 =	stileid.u32  }
0x311: {  	s1 =	rddreg [dreg:$0x1];
	p0 =	sne.s32 s2, $0x0  }
0x312: {  	s3 =	rddreg [dreg:$0x2];
	[bflag:$0x3] =	sbarrier.arrive $0xFFFF;
	s2 =	simm.s32 @!p0 $0x1C04  }
0x313: {  	[timem:s3], [sflag:s2] =	dma.local @!p0 [hbm:s0], s1  }
0x314: {  	s0 =	simm.s32 @!p0 $0x4  }
0x315: {  	_ =	swait.ge @!p0 [sflag:s0], s1  }
0x316: {  	s1 =	ssub.s32 @!p0 $0x0, s1;
	[sflag:s0] =	ssyncset.done @!p0 $0x0  }
0x317: {  	[sflag:s0] =	ssyncadd.s32 @!p0 s1  }
0x318: {  	[bflag:$0x3] =	sbarrier.arrive $0xFFFF  }
0x319: {  	_ =	shalt  }

</sc_bundles>
